<compile_context>
chip_gen: v7x
topology: tpu7x:2x2x1
jax: 0.10.2.dev20260603
libtpu: 0.0.44.dev20260713+nightly
codegen_flags: <defaults>
</compile_context>

<pallas_src>
import functools

import jax
import jax.numpy as jnp
from jax import lax
from jax.experimental import pallas as pl
from jax.experimental.pallas import tpu as pltpu
from jax.experimental.pallas import tpu_sc as plsc

_S, _M, _D, _B = 50, 10, 64, 1024
_NW = 32
_NSUB = 4
_NGRP = _S * _NSUB
_DH = _D // _NSUB


def _sc_body(
    x_hbm, o_hbm, x0, x1, gq0, gq1, gq2,
    sem_r, sem_r0, sem_r1, sem_r2, sem_w0, sem_w1, sem_w2, sem_bc,
):
    wid = lax.axis_index("c") * 16 + lax.axis_index("s")
    g_lo = (_NGRP * wid) // _NW
    g_hi = (_NGRP * (wid + 1)) // _NW
    gbufs = (gq0, gq1, gq2)
    sem_rs = (sem_r0, sem_r1, sem_r2)
    sem_ws = (sem_w0, sem_w1, sem_w2)

    def group(g, carry):
        s = g // _NSUB
        d0 = (g - (g // _NSUB) * _NSUB) * _DH
        c0 = pltpu.make_async_copy(x_hbm.at[s, 0, pl.ds(d0, _DH)], x0, sem_r)
        c1 = pltpu.make_async_copy(x_hbm.at[s, 1, pl.ds(d0, _DH)], x1, sem_r)
        c0.start()
        c1.start()
        c0.wait()
        c1.wait()
        reads = [
            pltpu.make_async_copy(
                x_hbm.at[s, 2 + gi, pl.ds(d0, _DH)], gbufs[gi % 3], sem_rs[gi % 3]
            )
            for gi in range(8)
        ]
        reads[0].start()
        reads[1].start()
        for gi in range(8):
            buf = gbufs[gi % 3]
            reads[gi].wait()
            if gi + 2 < 8:
                if gi >= 1:
                    pltpu.make_async_copy(
                        gbufs[(gi + 2) % 3],
                        o_hbm.at[s, gi - 1, 2, pl.ds(d0, _DH)],
                        sem_ws[(gi + 2) % 3],
                    ).wait()
                reads[gi + 2].start()
            pltpu.make_async_copy(x0, o_hbm.at[s, gi, 0, pl.ds(d0, _DH)], sem_bc).start()
            pltpu.make_async_copy(x1, o_hbm.at[s, gi, 1, pl.ds(d0, _DH)], sem_bc).start()
            pltpu.make_async_copy(buf, o_hbm.at[s, gi, 2, pl.ds(d0, _DH)], sem_ws[gi % 3]).start()
        for gi in (5, 6, 7):
            pltpu.make_async_copy(
                gbufs[gi % 3], o_hbm.at[s, gi, 2, pl.ds(d0, _DH)], sem_ws[gi % 3]
            ).wait()
        for gi in range(8):
            pltpu.make_async_copy(x0, o_hbm.at[s, gi, 0, pl.ds(d0, _DH)], sem_bc).wait()
            pltpu.make_async_copy(x1, o_hbm.at[s, gi, 1, pl.ds(d0, _DH)], sem_bc).wait()
        return carry

    lax.fori_loop(g_lo, g_hi, group, 0)


_sc_copy = functools.partial(
    pl.kernel,
    mesh=plsc.VectorSubcoreMesh(core_axis_name="c", subcore_axis_name="s"),
    out_type=jax.ShapeDtypeStruct((_S, 8, 3, _D, _B), jnp.float32),
    scratch_types=[
        pltpu.VMEM((_DH, _B), jnp.float32),
        pltpu.VMEM((_DH, _B), jnp.float32),
        pltpu.VMEM((_DH, _B), jnp.float32),
        pltpu.VMEM((_DH, _B), jnp.float32),
        pltpu.VMEM((_DH, _B), jnp.float32),
        pltpu.SemaphoreType.DMA,
        pltpu.SemaphoreType.DMA,
        pltpu.SemaphoreType.DMA,
        pltpu.SemaphoreType.DMA,
        pltpu.SemaphoreType.DMA,
        pltpu.SemaphoreType.DMA,
        pltpu.SemaphoreType.DMA,
        pltpu.SemaphoreType.DMA,
    ],
)(_sc_body)


def kernel(x):
    b, s, m, d = x.shape
    xt = jnp.transpose(x, (1, 2, 3, 0))
    out_t = _sc_copy(xt)
    return jnp.transpose(out_t, (4, 0, 1, 2, 3))

# --- scband reference (transcript-rebuilt; emitter-appended) ---
"""Pipeline reference for scband-recombine-90452011253919 (READ-ONLY COPY).

The authoritative reference and input builder live on the scoring server;
editing this copy changes nothing except your own understanding.
"""

import jax, jax.numpy as jnp
import numpy as np

IDX = jnp.array([0, 1, 2, 0, 1, 3, 0, 1, 4, 0, 1, 5, 0, 1, 6, 0, 1, 7, 0, 1, 8, 0, 1, 9], dtype=jnp.int32)

def setup_inputs(seed: int = 0) -> dict:
    key = jax.random.key(seed)
    x = jax.random.normal(key, (1024, 50, 10, 64), dtype=jnp.float32)
    return {"x": x}

def reference(x):
    b, s, m, d = x.shape
    return jnp.take(x, IDX, axis=2).reshape(b, s, 8, 3, d)

if __name__ == "__main__":
    import jax
    _d = setup_inputs()
    print(jax.jit(kernel)(*tuple(_d.values())))

</pallas_src>

<mosaic_0001>
#map = affine_map<(d0, d1) -> (0, 0, 0, 0)>
#map1 = affine_map<(d0, d1) -> (0, 0, 0, 0, 0)>
module attributes {stable_mosaic.version = 14 : i64} {
  func.func @_sc_body(%arg0: i32, %arg1: i32, %arg2: memref<50x10x64x1024xf32, #tpu.memory_space<hbm>>, %arg3: memref<50x8x3x64x1024xf32, #tpu.memory_space<hbm>>, %arg4: memref<16x1024xf32, #tpu.memory_space<vmem>>, %arg5: memref<16x1024xf32, #tpu.memory_space<vmem>>, %arg6: memref<16x1024xf32, #tpu.memory_space<vmem>>, %arg7: memref<16x1024xf32, #tpu.memory_space<vmem>>, %arg8: memref<16x1024xf32, #tpu.memory_space<vmem>>, %arg9: memref<!tpu.dma_semaphore, #tpu.memory_space<semaphore_mem>>, %arg10: memref<!tpu.dma_semaphore, #tpu.memory_space<semaphore_mem>>, %arg11: memref<!tpu.dma_semaphore, #tpu.memory_space<semaphore_mem>>, %arg12: memref<!tpu.dma_semaphore, #tpu.memory_space<semaphore_mem>>, %arg13: memref<!tpu.dma_semaphore, #tpu.memory_space<semaphore_mem>>, %arg14: memref<!tpu.dma_semaphore, #tpu.memory_space<semaphore_mem>>, %arg15: memref<!tpu.dma_semaphore, #tpu.memory_space<semaphore_mem>>, %arg16: memref<!tpu.dma_semaphore, #tpu.memory_space<semaphore_mem>>) attributes {dimension_semantics = [#tpu.dimension_semantics<core_parallel>, #tpu.dimension_semantics<subcore_parallel>], iteration_bounds = array<i64: 2, 16>, scalar_prefetch = 0 : i64, scratch_operands = 13 : i64, tpu.core_type = #tpu.core_type<sc_vector_subcore>, window_params = [{transform_indices = #map}, {transform_indices = #map1}]} {
    %mul3A = arith.constant 16 : i32
    %mul3A_0 = arith.muli %arg0, %mul3A : i32
    %add3A = arith.addi %mul3A_0, %arg1 : i32
    %mul3A_1 = arith.constant 200 : i32
    %mul3A_2 = arith.muli %mul3A_1, %add3A : i32
    %jit3A = arith.constant 32 : i32
    %div3A = arith.divsi %mul3A_2, %jit3A : i32
    %sign3A = arith.constant 0 : i32
    %sign3A_3 = arith.cmpi sgt, %mul3A_2, %sign3A : i32
    %sign3A_4 = arith.extui %sign3A_3 : i1 to i32
    %sign3A_5 = arith.constant 0 : i32
    %sign3A_6 = arith.cmpi slt, %mul3A_2, %sign3A_5 : i32
    %sign3A_7 = arith.extui %sign3A_6 : i1 to i32
    %sign3A_8 = arith.subi %sign3A_4, %sign3A_7 : i32
    %sign3A_9 = arith.constant 0 : i32
    %sign3A_10 = arith.cmpi sgt, %jit3A, %sign3A_9 : i32
    %sign3A_11 = arith.extui %sign3A_10 : i1 to i32
    %sign3A_12 = arith.constant 0 : i32
    %sign3A_13 = arith.cmpi slt, %jit3A, %sign3A_12 : i32
    %sign3A_14 = arith.extui %sign3A_13 : i1 to i32
    %sign3A_15 = arith.subi %sign3A_11, %sign3A_14 : i32
    %ne3A = arith.cmpi ne, %sign3A_8, %sign3A_15 : i32
    %rem3A = arith.remsi %mul3A_2, %jit3A : i32
    %ne3A_16 = arith.constant 0 : i32
    %ne3A_17 = arith.cmpi ne, %rem3A, %ne3A_16 : i32
    %and3A = arith.andi %ne3A, %ne3A_17 : i1
    %sub3A = arith.constant 1 : i32
    %sub3A_18 = arith.subi %div3A, %sub3A : i32
    %select_n3A = arith.select %and3A, %sub3A_18, %div3A : i32
    %add3A_19 = arith.constant 1 : i32
    %add3A_20 = arith.addi %add3A, %add3A_19 : i32
    %mul3A_21 = arith.constant 200 : i32
    %mul3A_22 = arith.muli %mul3A_21, %add3A_20 : i32
    %jit3A_23 = arith.constant 32 : i32
    %div3A_24 = arith.divsi %mul3A_22, %jit3A_23 : i32
    %sign3A_25 = arith.constant 0 : i32
    %sign3A_26 = arith.cmpi sgt, %mul3A_22, %sign3A_25 : i32
    %sign3A_27 = arith.extui %sign3A_26 : i1 to i32
    %sign3A_28 = arith.constant 0 : i32
    %sign3A_29 = arith.cmpi slt, %mul3A_22, %sign3A_28 : i32
    %sign3A_30 = arith.extui %sign3A_29 : i1 to i32
    %sign3A_31 = arith.subi %sign3A_27, %sign3A_30 : i32
    %sign3A_32 = arith.constant 0 : i32
    %sign3A_33 = arith.cmpi sgt, %jit3A_23, %sign3A_32 : i32
    %sign3A_34 = arith.extui %sign3A_33 : i1 to i32
    %sign3A_35 = arith.constant 0 : i32
    %sign3A_36 = arith.cmpi slt, %jit3A_23, %sign3A_35 : i32
    %sign3A_37 = arith.extui %sign3A_36 : i1 to i32
    %sign3A_38 = arith.subi %sign3A_34, %sign3A_37 : i32
    %ne3A_39 = arith.cmpi ne, %sign3A_31, %sign3A_38 : i32
    %rem3A_40 = arith.remsi %mul3A_22, %jit3A_23 : i32
    %ne3A_41 = arith.constant 0 : i32
    %ne3A_42 = arith.cmpi ne, %rem3A_40, %ne3A_41 : i32
    %and3A_43 = arith.andi %ne3A_39, %ne3A_42 : i1
    %sub3A_44 = arith.constant 1 : i32
    %sub3A_45 = arith.subi %div3A_24, %sub3A_44 : i32
    %select_n3A_46 = arith.select %and3A_43, %sub3A_45, %div3A_24 : i32
    %while3A = arith.constant 0 : i32
    %while3A_47 = arith.subi %select_n3A_46, %select_n3A : i32
    %while3A_48 = arith.addi %select_n3A, %while3A_47 : i32
    %while3A_49 = arith.constant 1 : i32
    %while3A_50 = arith.divsi %while3A_47, %while3A_49 : i32
    %while3A_51 = arith.muli %while3A_50, %while3A_49 : i32
    %while3A_52 = arith.addi %select_n3A, %while3A_51 : i32
    %while3A_53 = arith.constant 1 : i32
    scf.for %while3A_55 = %select_n3A to %while3A_52 step %while3A_53  : i32 {
      %jit3A_56 = arith.constant 4 : i32
      %div3A_57 = arith.divsi %while3A_55, %jit3A_56 : i32
      %sign3A_58 = arith.constant 0 : i32
      %sign3A_59 = arith.cmpi sgt, %while3A_55, %sign3A_58 : i32
      %sign3A_60 = arith.extui %sign3A_59 : i1 to i32
      %sign3A_61 = arith.constant 0 : i32
      %sign3A_62 = arith.cmpi slt, %while3A_55, %sign3A_61 : i32
      %sign3A_63 = arith.extui %sign3A_62 : i1 to i32
      %sign3A_64 = arith.subi %sign3A_60, %sign3A_63 : i32
      %sign3A_65 = arith.constant 0 : i32
      %sign3A_66 = arith.cmpi sgt, %jit3A_56, %sign3A_65 : i32
      %sign3A_67 = arith.extui %sign3A_66 : i1 to i32
      %sign3A_68 = arith.constant 0 : i32
      %sign3A_69 = arith.cmpi slt, %jit3A_56, %sign3A_68 : i32
      %sign3A_70 = arith.extui %sign3A_69 : i1 to i32
      %sign3A_71 = arith.subi %sign3A_67, %sign3A_70 : i32
      %ne3A_72 = arith.cmpi ne, %sign3A_64, %sign3A_71 : i32
      %rem3A_73 = arith.remsi %while3A_55, %jit3A_56 : i32
      %ne3A_74 = arith.constant 0 : i32
      %ne3A_75 = arith.cmpi ne, %rem3A_73, %ne3A_74 : i32
      %and3A_76 = arith.andi %ne3A_72, %ne3A_75 : i1
      %sub3A_77 = arith.constant 1 : i32
      %sub3A_78 = arith.subi %div3A_57, %sub3A_77 : i32
      %select_n3A_79 = arith.select %and3A_76, %sub3A_78, %div3A_57 : i32
      %jit3A_80 = arith.constant 4 : i32
      %div3A_81 = arith.divsi %while3A_55, %jit3A_80 : i32
      %sign3A_82 = arith.constant 0 : i32
      %sign3A_83 = arith.cmpi sgt, %while3A_55, %sign3A_82 : i32
      %sign3A_84 = arith.extui %sign3A_83 : i1 to i32
      %sign3A_85 = arith.constant 0 : i32
      %sign3A_86 = arith.cmpi slt, %while3A_55, %sign3A_85 : i32
      %sign3A_87 = arith.extui %sign3A_86 : i1 to i32
      %sign3A_88 = arith.subi %sign3A_84, %sign3A_87 : i32
      %sign3A_89 = arith.constant 0 : i32
      %sign3A_90 = arith.cmpi sgt, %jit3A_80, %sign3A_89 : i32
      %sign3A_91 = arith.extui %sign3A_90 : i1 to i32
      %sign3A_92 = arith.constant 0 : i32
      %sign3A_93 = arith.cmpi slt, %jit3A_80, %sign3A_92 : i32
      %sign3A_94 = arith.extui %sign3A_93 : i1 to i32
      %sign3A_95 = arith.subi %sign3A_91, %sign3A_94 : i32
      %ne3A_96 = arith.cmpi ne, %sign3A_88, %sign3A_95 : i32
      %rem3A_97 = arith.remsi %while3A_55, %jit3A_80 : i32
      %ne3A_98 = arith.constant 0 : i32
      %ne3A_99 = arith.cmpi ne, %rem3A_97, %ne3A_98 : i32
      %and3A_100 = arith.andi %ne3A_96, %ne3A_99 : i1
      %sub3A_101 = arith.constant 1 : i32
      %sub3A_102 = arith.subi %div3A_81, %sub3A_101 : i32
      %select_n3A_103 = arith.select %and3A_100, %sub3A_102, %div3A_81 : i32
      %mul3A_104 = arith.constant 4 : i32
      %mul3A_105 = arith.muli %select_n3A_103, %mul3A_104 : i32
      %sub3A_106 = arith.subi %while3A_55, %mul3A_105 : i32
      %mul3A_107 = arith.constant 16 : i32
      %mul3A_108 = arith.muli %sub3A_106, %mul3A_107 : i32
      %dma_start3A = arith.constant 0 : i32
      %dma_start3A_109 = arith.constant 0 : i32
      %dma_start3A_110 = tpu.memref_slice %arg2[%select_n3A_79, %dma_start3A, %mul3A_108, %dma_start3A_109] : memref<50x10x64x1024xf32, #tpu.memory_space<hbm>> -> memref<1x1x16x1024xf32, #tpu.memory_space<hbm>>
      %dma_start3A_111 = tpu.memref_squeeze %dma_start3A_110 : memref<1x1x16x1024xf32, #tpu.memory_space<hbm>> -> memref<16x1024xf32, #tpu.memory_space<hbm>>
      %dma_start3A_112 = arith.constant 0 : i32
      %dma_start3A_113 = tpu.memref_slice %arg2[%select_n3A_79, %dma_start3A, %mul3A_108, %dma_start3A_112] : memref<50x10x64x1024xf32, #tpu.memory_space<hbm>> -> memref<1x1x16x1024xf32, #tpu.memory_space<hbm>>
      %dma_start3A_114 = tpu.memref_squeeze %dma_start3A_113 : memref<1x1x16x1024xf32, #tpu.memory_space<hbm>> -> memref<16x1024xf32, #tpu.memory_space<hbm>>
      tpu.enqueue_dma source(%dma_start3A_114 : memref<16x1024xf32, #tpu.memory_space<hbm>>) target(%arg4 : memref<16x1024xf32, #tpu.memory_space<vmem>>) target_semaphore(%arg9 : memref<!tpu.dma_semaphore, #tpu.memory_space<semaphore_mem>>)
      %dma_start3A_115 = arith.constant 1 : i32
      %dma_start3A_116 = arith.constant 0 : i32
      %dma_start3A_117 = tpu.memref_slice %arg2[%select_n3A_79, %dma_start3A_115, %mul3A_108, %dma_start3A_116] : memref<50x10x64x1024xf32, #tpu.memory_space<hbm>> -> memref<1x1x16x1024xf32, #tpu.memory_space<hbm>>
      %dma_start3A_118 = tpu.memref_squeeze %dma_start3A_117 : memref<1x1x16x1024xf32, #tpu.memory_space<hbm>> -> memref<16x1024xf32, #tpu.memory_space<hbm>>
      %dma_start3A_119 = arith.constant 0 : i32
      %dma_start3A_120 = tpu.memref_slice %arg2[%select_n3A_79, %dma_start3A_115, %mul3A_108, %dma_start3A_119] : memref<50x10x64x1024xf32, #tpu.memory_space<hbm>> -> memref<1x1x16x1024xf32, #tpu.memory_space<hbm>>
      %dma_start3A_121 = tpu.memref_squeeze %dma_start3A_120 : memref<1x1x16x1024xf32, #tpu.memory_space<hbm>> -> memref<16x1024xf32, #tpu.memory_space<hbm>>
      tpu.enqueue_dma source(%dma_start3A_121 : memref<16x1024xf32, #tpu.memory_space<hbm>>) target(%arg5 : memref<16x1024xf32, #tpu.memory_space<vmem>>) target_semaphore(%arg9 : memref<!tpu.dma_semaphore, #tpu.memory_space<semaphore_mem>>)
      %dma_wait3A = arith.constant 0 : i32
      %dma_wait3A_122 = arith.constant 0 : i32
      %dma_wait3A_123 = tpu.memref_slice %arg2[%select_n3A_79, %dma_wait3A, %mul3A_108, %dma_wait3A_122] : memref<50x10x64x1024xf32, #tpu.memory_space<hbm>> -> memref<1x1x16x1024xf32, #tpu.memory_space<hbm>>
      %dma_wait3A_124 = tpu.memref_squeeze %dma_wait3A_123 : memref<1x1x16x1024xf32, #tpu.memory_space<hbm>> -> memref<16x1024xf32, #tpu.memory_space<hbm>>
      %dma_wait3A_125 = arith.constant 0 : i32
      %dma_wait3A_126 = tpu.memref_slice %arg2[%select_n3A_79, %dma_wait3A, %mul3A_108, %dma_wait3A_125] : memref<50x10x64x1024xf32, #tpu.memory_space<hbm>> -> memref<1x1x16x1024xf32, #tpu.memory_space<hbm>>
      %dma_wait3A_127 = tpu.memref_squeeze %dma_wait3A_126 : memref<1x1x16x1024xf32, #tpu.memory_space<hbm>> -> memref<16x1024xf32, #tpu.memory_space<hbm>>
      tpu.wait_dma2 semaphore(%arg9 : memref<!tpu.dma_semaphore, #tpu.memory_space<semaphore_mem>>) src(%dma_wait3A_127 : memref<16x1024xf32, #tpu.memory_space<hbm>>) dst(%arg4 : memref<16x1024xf32, #tpu.memory_space<vmem>>)
      %dma_wait3A_128 = arith.constant 1 : i32
      %dma_wait3A_129 = arith.constant 0 : i32
      %dma_wait3A_130 = tpu.memref_slice %arg2[%select_n3A_79, %dma_wait3A_128, %mul3A_108, %dma_wait3A_129] : memref<50x10x64x1024xf32, #tpu.memory_space<hbm>> -> memref<1x1x16x1024xf32, #tpu.memory_space<hbm>>
      %dma_wait3A_131 = tpu.memref_squeeze %dma_wait3A_130 : memref<1x1x16x1024xf32, #tpu.memory_space<hbm>> -> memref<16x1024xf32, #tpu.memory_space<hbm>>
      %dma_wait3A_132 = arith.constant 0 : i32
      %dma_wait3A_133 = tpu.memref_slice %arg2[%select_n3A_79, %dma_wait3A_128, %mul3A_108, %dma_wait3A_132] : memref<50x10x64x1024xf32, #tpu.memory_space<hbm>> -> memref<1x1x16x1024xf32, #tpu.memory_space<hbm>>
      %dma_wait3A_134 = tpu.memref_squeeze %dma_wait3A_133 : memref<1x1x16x1024xf32, #tpu.memory_space<hbm>> -> memref<16x1024xf32, #tpu.memory_space<hbm>>
      tpu.wait_dma2 semaphore(%arg9 : memref<!tpu.dma_semaphore, #tpu.memory_space<semaphore_mem>>) src(%dma_wait3A_134 : memref<16x1024xf32, #tpu.memory_space<hbm>>) dst(%arg5 : memref<16x1024xf32, #tpu.memory_space<vmem>>)
      %dma_start3A_135 = arith.constant 2 : i32
      %dma_start3A_136 = arith.constant 0 : i32
      %dma_start3A_137 = tpu.memref_slice %arg2[%select_n3A_79, %dma_start3A_135, %mul3A_108, %dma_start3A_136] : memref<50x10x64x1024xf32, #tpu.memory_space<hbm>> -> memref<1x1x16x1024xf32, #tpu.memory_space<hbm>>
      %dma_start3A_138 = tpu.memref_squeeze %dma_start3A_137 : memref<1x1x16x1024xf32, #tpu.memory_space<hbm>> -> memref<16x1024xf32, #tpu.memory_space<hbm>>
      %dma_start3A_139 = arith.constant 0 : i32
      %dma_start3A_140 = tpu.memref_slice %arg2[%select_n3A_79, %dma_start3A_135, %mul3A_108, %dma_start3A_139] : memref<50x10x64x1024xf32, #tpu.memory_space<hbm>> -> memref<1x1x16x1024xf32, #tpu.memory_space<hbm>>
      %dma_start3A_141 = tpu.memref_squeeze %dma_start3A_140 : memref<1x1x16x1024xf32, #tpu.memory_space<hbm>> -> memref<16x1024xf32, #tpu.memory_space<hbm>>
      tpu.enqueue_dma source(%dma_start3A_141 : memref<16x1024xf32, #tpu.memory_space<hbm>>) target(%arg6 : memref<16x1024xf32, #tpu.memory_space<vmem>>) target_semaphore(%arg10 : memref<!tpu.dma_semaphore, #tpu.memory_space<semaphore_mem>>)
      %dma_start3A_142 = arith.constant 3 : i32
      %dma_start3A_143 = arith.constant 0 : i32
      %dma_start3A_144 = tpu.memref_slice %arg2[%select_n3A_79, %dma_start3A_142, %mul3A_108, %dma_start3A_143] : memref<50x10x64x1024xf32, #tpu.memory_space<hbm>> -> memref<1x1x16x1024xf32, #tpu.memory_space<hbm>>
      %dma_start3A_145 = tpu.memref_squeeze %dma_start3A_144 : memref<1x1x16x1024xf32, #tpu.memory_space<hbm>> -> memref<16x1024xf32, #tpu.memory_space<hbm>>
      %dma_start3A_146 = arith.constant 0 : i32
      %dma_start3A_147 = tpu.memref_slice %arg2[%select_n3A_79, %dma_start3A_142, %mul3A_108, %dma_start3A_146] : memref<50x10x64x1024xf32, #tpu.memory_space<hbm>> -> memref<1x1x16x1024xf32, #tpu.memory_space<hbm>>
      %dma_start3A_148 = tpu.memref_squeeze %dma_start3A_147 : memref<1x1x16x1024xf32, #tpu.memory_space<hbm>> -> memref<16x1024xf32, #tpu.memory_space<hbm>>
      tpu.enqueue_dma source(%dma_start3A_148 : memref<16x1024xf32, #tpu.memory_space<hbm>>) target(%arg7 : memref<16x1024xf32, #tpu.memory_space<vmem>>) target_semaphore(%arg11 : memref<!tpu.dma_semaphore, #tpu.memory_space<semaphore_mem>>)
      %dma_wait3A_149 = arith.constant 2 : i32
      %dma_wait3A_150 = arith.constant 0 : i32
      %dma_wait3A_151 = tpu.memref_slice %arg2[%select_n3A_79, %dma_wait3A_149, %mul3A_108, %dma_wait3A_150] : memref<50x10x64x1024xf32, #tpu.memory_space<hbm>> -> memref<1x1x16x1024xf32, #tpu.memory_space<hbm>>
      %dma_wait3A_152 = tpu.memref_squeeze %dma_wait3A_151 : memref<1x1x16x1024xf32, #tpu.memory_space<hbm>> -> memref<16x1024xf32, #tpu.memory_space<hbm>>
      %dma_wait3A_153 = arith.constant 0 : i32
      %dma_wait3A_154 = tpu.memref_slice %arg2[%select_n3A_79, %dma_wait3A_149, %mul3A_108, %dma_wait3A_153] : memref<50x10x64x1024xf32, #tpu.memory_space<hbm>> -> memref<1x1x16x1024xf32, #tpu.memory_space<hbm>>
      %dma_wait3A_155 = tpu.memref_squeeze %dma_wait3A_154 : memref<1x1x16x1024xf32, #tpu.memory_space<hbm>> -> memref<16x1024xf32, #tpu.memory_space<hbm>>
      tpu.wait_dma2 semaphore(%arg10 : memref<!tpu.dma_semaphore, #tpu.memory_space<semaphore_mem>>) src(%dma_wait3A_155 : memref<16x1024xf32, #tpu.memory_space<hbm>>) dst(%arg6 : memref<16x1024xf32, #tpu.memory_space<vmem>>)
      %dma_start3A_156 = arith.constant 4 : i32
      %dma_start3A_157 = arith.constant 0 : i32
      %dma_start3A_158 = tpu.memref_slice %arg2[%select_n3A_79, %dma_start3A_156, %mul3A_108, %dma_start3A_157] : memref<50x10x64x1024xf32, #tpu.memory_space<hbm>> -> memref<1x1x16x1024xf32, #tpu.memory_space<hbm>>
      %dma_start3A_159 = tpu.memref_squeeze %dma_start3A_158 : memref<1x1x16x1024xf32, #tpu.memory_space<hbm>> -> memref<16x1024xf32, #tpu.memory_space<hbm>>
      %dma_start3A_160 = arith.constant 0 : i32
      %dma_start3A_161 = tpu.memref_slice %arg2[%select_n3A_79, %dma_start3A_156, %mul3A_108, %dma_start3A_160] : memref<50x10x64x1024xf32, #tpu.memory_space<hbm>> -> memref<1x1x16x1024xf32, #tpu.memory_space<hbm>>
      %dma_start3A_162 = tpu.memref_squeeze %dma_start3A_161 : memref<1x1x16x1024xf32, #tpu.memory_space<hbm>> -> memref<16x1024xf32, #tpu.memory_space<hbm>>
      tpu.enqueue_dma source(%dma_start3A_162 : memref<16x1024xf32, #tpu.memory_space<hbm>>) target(%arg8 : memref<16x1024xf32, #tpu.memory_space<vmem>>) target_semaphore(%arg12 : memref<!tpu.dma_semaphore, #tpu.memory_space<semaphore_mem>>)
      %dma_start3A_163 = arith.constant 0 : i32
      %dma_start3A_164 = arith.constant 0 : i32
      %dma_start3A_165 = arith.constant 0 : i32
      %dma_start3A_166 = tpu.memref_slice %arg3[%select_n3A_79, %dma_start3A_163, %dma_start3A_164, %mul3A_108, %dma_start3A_165] : memref<50x8x3x64x1024xf32, #tpu.memory_space<hbm>> -> memref<1x1x1x16x1024xf32, #tpu.memory_space<hbm>>
      %dma_start3A_167 = tpu.memref_squeeze %dma_start3A_166 : memref<1x1x1x16x1024xf32, #tpu.memory_space<hbm>> -> memref<16x1024xf32, #tpu.memory_space<hbm>>
      %dma_start3A_168 = arith.constant 0 : i32
      %dma_start3A_169 = tpu.memref_slice %arg3[%select_n3A_79, %dma_start3A_163, %dma_start3A_164, %mul3A_108, %dma_start3A_168] : memref<50x8x3x64x1024xf32, #tpu.memory_space<hbm>> -> memref<1x1x1x16x1024xf32, #tpu.memory_space<hbm>>
      %dma_start3A_170 = tpu.memref_squeeze %dma_start3A_169 : memref<1x1x1x16x1024xf32, #tpu.memory_space<hbm>> -> memref<16x1024xf32, #tpu.memory_space<hbm>>
      tpu.enqueue_dma source(%arg4 : memref<16x1024xf32, #tpu.memory_space<vmem>>) target(%dma_start3A_170 : memref<16x1024xf32, #tpu.memory_space<hbm>>) target_semaphore(%arg16 : memref<!tpu.dma_semaphore, #tpu.memory_space<semaphore_mem>>)
      %dma_start3A_171 = arith.constant 0 : i32
      %dma_start3A_172 = arith.constant 1 : i32
      %dma_start3A_173 = arith.constant 0 : i32
      %dma_start3A_174 = tpu.memref_slice %arg3[%select_n3A_79, %dma_start3A_171, %dma_start3A_172, %mul3A_108, %dma_start3A_173] : memref<50x8x3x64x1024xf32, #tpu.memory_space<hbm>> -> memref<1x1x1x16x1024xf32, #tpu.memory_space<hbm>>
      %dma_start3A_175 = tpu.memref_squeeze %dma_start3A_174 : memref<1x1x1x16x1024xf32, #tpu.memory_space<hbm>> -> memref<16x1024xf32, #tpu.memory_space<hbm>>
      %dma_start3A_176 = arith.constant 0 : i32
      %dma_start3A_177 = tpu.memref_slice %arg3[%select_n3A_79, %dma_start3A_171, %dma_start3A_172, %mul3A_108, %dma_start3A_176] : memref<50x8x3x64x1024xf32, #tpu.memory_space<hbm>> -> memref<1x1x1x16x1024xf32, #tpu.memory_space<hbm>>
      %dma_start3A_178 = tpu.memref_squeeze %dma_start3A_177 : memref<1x1x1x16x1024xf32, #tpu.memory_space<hbm>> -> memref<16x1024xf32, #tpu.memory_space<hbm>>
      tpu.enqueue_dma source(%arg5 : memref<16x1024xf32, #tpu.memory_space<vmem>>) target(%dma_start3A_178 : memref<16x1024xf32, #tpu.memory_space<hbm>>) target_semaphore(%arg16 : memref<!tpu.dma_semaphore, #tpu.memory_space<semaphore_mem>>)
      %dma_start3A_179 = arith.constant 0 : i32
      %dma_start3A_180 = arith.constant 2 : i32
      %dma_start3A_181 = arith.constant 0 : i32
      %dma_start3A_182 = tpu.memref_slice %arg3[%select_n3A_79, %dma_start3A_179, %dma_start3A_180, %mul3A_108, %dma_start3A_181] : memref<50x8x3x64x1024xf32, #tpu.memory_space<hbm>> -> memref<1x1x1x16x1024xf32, #tpu.memory_space<hbm>>
      %dma_start3A_183 = tpu.memref_squeeze %dma_start3A_182 : memref<1x1x1x16x1024xf32, #tpu.memory_space<hbm>> -> memref<16x1024xf32, #tpu.memory_space<hbm>>
      %dma_start3A_184 = arith.constant 0 : i32
      %dma_start3A_185 = tpu.memref_slice %arg3[%select_n3A_79, %dma_start3A_179, %dma_start3A_180, %mul3A_108, %dma_start3A_184] : memref<50x8x3x64x1024xf32, #tpu.memory_space<hbm>> -> memref<1x1x1x16x1024xf32, #tpu.memory_space<hbm>>
      %dma_start3A_186 = tpu.memref_squeeze %dma_start3A_185 : memref<1x1x1x16x1024xf32, #tpu.memory_space<hbm>> -> memref<16x1024xf32, #tpu.memory_space<hbm>>
      tpu.enqueue_dma source(%arg6 : memref<16x1024xf32, #tpu.memory_space<vmem>>) target(%dma_start3A_186 : memref<16x1024xf32, #tpu.memory_space<hbm>>) target_semaphore(%arg13 : memref<!tpu.dma_semaphore, #tpu.memory_space<semaphore_mem>>)
      %dma_wait3A_187 = arith.constant 3 : i32
      %dma_wait3A_188 = arith.constant 0 : i32
      %dma_wait3A_189 = tpu.memref_slice %arg2[%select_n3A_79, %dma_wait3A_187, %mul3A_108, %dma_wait3A_188] : memref<50x10x64x1024xf32, #tpu.memory_space<hbm>> -> memref<1x1x16x1024xf32, #tpu.memory_space<hbm>>
      %dma_wait3A_190 = tpu.memref_squeeze %dma_wait3A_189 : memref<1x1x16x1024xf32, #tpu.memory_space<hbm>> -> memref<16x1024xf32, #tpu.memory_space<hbm>>
      %dma_wait3A_191 = arith.constant 0 : i32
      %dma_wait3A_192 = tpu.memref_slice %arg2[%select_n3A_79, %dma_wait3A_187, %mul3A_108, %dma_wait3A_191] : memref<50x10x64x1024xf32, #tpu.memory_space<hbm>> -> memref<1x1x16x1024xf32, #tpu.memory_space<hbm>>
      %dma_wait3A_193 = tpu.memref_squeeze %dma_wait3A_192 : memref<1x1x16x1024xf32, #tpu.memory_space<hbm>> -> memref<16x1024xf32, #tpu.memory_space<hbm>>
      tpu.wait_dma2 semaphore(%arg11 : memref<!tpu.dma_semaphore, #tpu.memory_space<semaphore_mem>>) src(%dma_wait3A_193 : memref<16x1024xf32, #tpu.memory_space<hbm>>) dst(%arg7 : memref<16x1024xf32, #tpu.memory_space<vmem>>)
      %dma_wait3A_194 = arith.constant 0 : i32
      %dma_wait3A_195 = arith.constant 2 : i32
      %dma_wait3A_196 = arith.constant 0 : i32
      %dma_wait3A_197 = tpu.memref_slice %arg3[%select_n3A_79, %dma_wait3A_194, %dma_wait3A_195, %mul3A_108, %dma_wait3A_196] : memref<50x8x3x64x1024xf32, #tpu.memory_space<hbm>> -> memref<1x1x1x16x1024xf32, #tpu.memory_space<hbm>>
      %dma_wait3A_198 = tpu.memref_squeeze %dma_wait3A_197 : memref<1x1x1x16x1024xf32, #tpu.memory_space<hbm>> -> memref<16x1024xf32, #tpu.memory_space<hbm>>
      %dma_wait3A_199 = arith.constant 0 : i32
      %dma_wait3A_200 = tpu.memref_slice %arg3[%select_n3A_79, %dma_wait3A_194, %dma_wait3A_195, %mul3A_108, %dma_wait3A_199] : memref<50x8x3x64x1024xf32, #tpu.memory_space<hbm>> -> memref<1x1x1x16x1024xf32, #tpu.memory_space<hbm>>
      %dma_wait3A_201 = tpu.memref_squeeze %dma_wait3A_200 : memref<1x1x1x16x1024xf32, #tpu.memory_space<hbm>> -> memref<16x1024xf32, #tpu.memory_space<hbm>>
      tpu.wait_dma2 semaphore(%arg13 : memref<!tpu.dma_semaphore, #tpu.memory_space<semaphore_mem>>) src(%arg6 : memref<16x1024xf32, #tpu.memory_space<vmem>>) dst(%dma_wait3A_201 : memref<16x1024xf32, #tpu.memory_space<hbm>>)
      %dma_start3A_202 = arith.constant 5 : i32
      %dma_start3A_203 = arith.constant 0 : i32
      %dma_start3A_204 = tpu.memref_slice %arg2[%select_n3A_79, %dma_start3A_202, %mul3A_108, %dma_start3A_203] : memref<50x10x64x1024xf32, #tpu.memory_space<hbm>> -> memref<1x1x16x1024xf32, #tpu.memory_space<hbm>>
      %dma_start3A_205 = tpu.memref_squeeze %dma_start3A_204 : memref<1x1x16x1024xf32, #tpu.memory_space<hbm>> -> memref<16x1024xf32, #tpu.memory_space<hbm>>
      %dma_start3A_206 = arith.constant 0 : i32
      %dma_start3A_207 = tpu.memref_slice %arg2[%select_n3A_79, %dma_start3A_202, %mul3A_108, %dma_start3A_206] : memref<50x10x64x1024xf32, #tpu.memory_space<hbm>> -> memref<1x1x16x1024xf32, #tpu.memory_space<hbm>>
      %dma_start3A_208 = tpu.memref_squeeze %dma_start3A_207 : memref<1x1x16x1024xf32, #tpu.memory_space<hbm>> -> memref<16x1024xf32, #tpu.memory_space<hbm>>
      tpu.enqueue_dma source(%dma_start3A_208 : memref<16x1024xf32, #tpu.memory_space<hbm>>) target(%arg6 : memref<16x1024xf32, #tpu.memory_space<vmem>>) target_semaphore(%arg10 : memref<!tpu.dma_semaphore, #tpu.memory_space<semaphore_mem>>)
      %dma_start3A_209 = arith.constant 1 : i32
      %dma_start3A_210 = arith.constant 0 : i32
      %dma_start3A_211 = arith.constant 0 : i32
      %dma_start3A_212 = tpu.memref_slice %arg3[%select_n3A_79, %dma_start3A_209, %dma_start3A_210, %mul3A_108, %dma_start3A_211] : memref<50x8x3x64x1024xf32, #tpu.memory_space<hbm>> -> memref<1x1x1x16x1024xf32, #tpu.memory_space<hbm>>
      %dma_start3A_213 = tpu.memref_squeeze %dma_start3A_212 : memref<1x1x1x16x1024xf32, #tpu.memory_space<hbm>> -> memref<16x1024xf32, #tpu.memory_space<hbm>>
      %dma_start3A_214 = arith.constant 0 : i32
      %dma_start3A_215 = tpu.memref_slice %arg3[%select_n3A_79, %dma_start3A_209, %dma_start3A_210, %mul3A_108, %dma_start3A_214] : memref<50x8x3x64x1024xf32, #tpu.memory_space<hbm>> -> memref<1x1x1x16x1024xf32, #tpu.memory_space<hbm>>
      %dma_start3A_216 = tpu.memref_squeeze %dma_start3A_215 : memref<1x1x1x16x1024xf32, #tpu.memory_space<hbm>> -> memref<16x1024xf32, #tpu.memory_space<hbm>>
      tpu.enqueue_dma source(%arg4 : memref<16x1024xf32, #tpu.memory_space<vmem>>) target(%dma_start3A_216 : memref<16x1024xf32, #tpu.memory_space<hbm>>) target_semaphore(%arg16 : memref<!tpu.dma_semaphore, #tpu.memory_space<semaphore_mem>>)
      %dma_start3A_217 = arith.constant 1 : i32
      %dma_start3A_218 = arith.constant 1 : i32
      %dma_start3A_219 = arith.constant 0 : i32
      %dma_start3A_220 = tpu.memref_slice %arg3[%select_n3A_79, %dma_start3A_217, %dma_start3A_218, %mul3A_108, %dma_start3A_219] : memref<50x8x3x64x1024xf32, #tpu.memory_space<hbm>> -> memref<1x1x1x16x1024xf32, #tpu.memory_space<hbm>>
      %dma_start3A_221 = tpu.memref_squeeze %dma_start3A_220 : memref<1x1x1x16x1024xf32, #tpu.memory_space<hbm>> -> memref<16x1024xf32, #tpu.memory_space<hbm>>
      %dma_start3A_222 = arith.constant 0 : i32
      %dma_start3A_223 = tpu.memref_slice %arg3[%select_n3A_79, %dma_start3A_217, %dma_start3A_218, %mul3A_108, %dma_start3A_222] : memref<50x8x3x64x1024xf32, #tpu.memory_space<hbm>> -> memref<1x1x1x16x1024xf32, #tpu.memory_space<hbm>>
      %dma_start3A_224 = tpu.memref_squeeze %dma_start3A_223 : memref<1x1x1x16x1024xf32, #tpu.memory_space<hbm>> -> memref<16x1024xf32, #tpu.memory_space<hbm>>
      tpu.enqueue_dma source(%arg5 : memref<16x1024xf32, #tpu.memory_space<vmem>>) target(%dma_start3A_224 : memref<16x1024xf32, #tpu.memory_space<hbm>>) target_semaphore(%arg16 : memref<!tpu.dma_semaphore, #tpu.memory_space<semaphore_mem>>)
      %dma_start3A_225 = arith.constant 1 : i32
      %dma_start3A_226 = arith.constant 2 : i32
      %dma_start3A_227 = arith.constant 0 : i32
      %dma_start3A_228 = tpu.memref_slice %arg3[%select_n3A_79, %dma_start3A_225, %dma_start3A_226, %mul3A_108, %dma_start3A_227] : memref<50x8x3x64x1024xf32, #tpu.memory_space<hbm>> -> memref<1x1x1x16x1024xf32, #tpu.memory_space<hbm>>
      %dma_start3A_229 = tpu.memref_squeeze %dma_start3A_228 : memref<1x1x1x16x1024xf32, #tpu.memory_space<hbm>> -> memref<16x1024xf32, #tpu.memory_space<hbm>>
      %dma_start3A_230 = arith.constant 0 : i32
      %dma_start3A_231 = tpu.memref_slice %arg3[%select_n3A_79, %dma_start3A_225, %dma_start3A_226, %mul3A_108, %dma_start3A_230] : memref<50x8x3x64x1024xf32, #tpu.memory_space<hbm>> -> memref<1x1x1x16x1024xf32, #tpu.memory_space<hbm>>
      %dma_start3A_232 = tpu.memref_squeeze %dma_start3A_231 : memref<1x1x1x16x1024xf32, #tpu.memory_space<hbm>> -> memref<16x1024xf32, #tpu.memory_space<hbm>>
      tpu.enqueue_dma source(%arg7 : memref<16x1024xf32, #tpu.memory_space<vmem>>) target(%dma_start3A_232 : memref<16x1024xf32, #tpu.memory_space<hbm>>) target_semaphore(%arg14 : memref<!tpu.dma_semaphore, #tpu.memory_space<semaphore_mem>>)
      %dma_wait3A_233 = arith.constant 4 : i32
      %dma_wait3A_234 = arith.constant 0 : i32
      %dma_wait3A_235 = tpu.memref_slice %arg2[%select_n3A_79, %dma_wait3A_233, %mul3A_108, %dma_wait3A_234] : memref<50x10x64x1024xf32, #tpu.memory_space<hbm>> -> memref<1x1x16x1024xf32, #tpu.memory_space<hbm>>
      %dma_wait3A_236 = tpu.memref_squeeze %dma_wait3A_235 : memref<1x1x16x1024xf32, #tpu.memory_space<hbm>> -> memref<16x1024xf32, #tpu.memory_space<hbm>>
      %dma_wait3A_237 = arith.constant 0 : i32
      %dma_wait3A_238 = tpu.memref_slice %arg2[%select_n3A_79, %dma_wait3A_233, %mul3A_108, %dma_wait3A_237] : memref<50x10x64x1024xf32, #tpu.memory_space<hbm>> -> memref<1x1x16x1024xf32, #tpu.memory_space<hbm>>
      %dma_wait3A_239 = tpu.memref_squeeze %dma_wait3A_238 : memref<1x1x16x1024xf32, #tpu.memory_space<hbm>> -> memref<16x1024xf32, #tpu.memory_space<hbm>>
      tpu.wait_dma2 semaphore(%arg12 : memref<!tpu.dma_semaphore, #tpu.memory_space<semaphore_mem>>) src(%dma_wait3A_239 : memref<16x1024xf32, #tpu.memory_space<hbm>>) dst(%arg8 : memref<16x1024xf32, #tpu.memory_space<vmem>>)
      %dma_wait3A_240 = arith.constant 1 : i32
      %dma_wait3A_241 = arith.constant 2 : i32
      %dma_wait3A_242 = arith.constant 0 : i32
      %dma_wait3A_243 = tpu.memref_slice %arg3[%select_n3A_79, %dma_wait3A_240, %dma_wait3A_241, %mul3A_108, %dma_wait3A_242] : memref<50x8x3x64x1024xf32, #tpu.memory_space<hbm>> -> memref<1x1x1x16x1024xf32, #tpu.memory_space<hbm>>
      %dma_wait3A_244 = tpu.memref_squeeze %dma_wait3A_243 : memref<1x1x1x16x1024xf32, #tpu.memory_space<hbm>> -> memref<16x1024xf32, #tpu.memory_space<hbm>>
      %dma_wait3A_245 = arith.constant 0 : i32
      %dma_wait3A_246 = tpu.memref_slice %arg3[%select_n3A_79, %dma_wait3A_240, %dma_wait3A_241, %mul3A_108, %dma_wait3A_245] : memref<50x8x3x64x1024xf32, #tpu.memory_space<hbm>> -> memref<1x1x1x16x1024xf32, #tpu.memory_space<hbm>>
      %dma_wait3A_247 = tpu.memref_squeeze %dma_wait3A_246 : memref<1x1x1x16x1024xf32, #tpu.memory_space<hbm>> -> memref<16x1024xf32, #tpu.memory_space<hbm>>
      tpu.wait_dma2 semaphore(%arg14 : memref<!tpu.dma_semaphore, #tpu.memory_space<semaphore_mem>>) src(%arg7 : memref<16x1024xf32, #tpu.memory_space<vmem>>) dst(%dma_wait3A_247 : memref<16x1024xf32, #tpu.memory_space<hbm>>)
      %dma_start3A_248 = arith.constant 6 : i32
      %dma_start3A_249 = arith.constant 0 : i32
      %dma_start3A_250 = tpu.memref_slice %arg2[%select_n3A_79, %dma_start3A_248, %mul3A_108, %dma_start3A_249] : memref<50x10x64x1024xf32, #tpu.memory_space<hbm>> -> memref<1x1x16x1024xf32, #tpu.memory_space<hbm>>
      %dma_start3A_251 = tpu.memref_squeeze %dma_start3A_250 : memref<1x1x16x1024xf32, #tpu.memory_space<hbm>> -> memref<16x1024xf32, #tpu.memory_space<hbm>>
      %dma_start3A_252 = arith.constant 0 : i32
      %dma_start3A_253 = tpu.memref_slice %arg2[%select_n3A_79, %dma_start3A_248, %mul3A_108, %dma_start3A_252] : memref<50x10x64x1024xf32, #tpu.memory_space<hbm>> -> memref<1x1x16x1024xf32, #tpu.memory_space<hbm>>
      %dma_start3A_254 = tpu.memref_squeeze %dma_start3A_253 : memref<1x1x16x1024xf32, #tpu.memory_space<hbm>> -> memref<16x1024xf32, #tpu.memory_space<hbm>>
      tpu.enqueue_dma source(%dma_start3A_254 : memref<16x1024xf32, #tpu.memory_space<hbm>>) target(%arg7 : memref<16x1024xf32, #tpu.memory_space<vmem>>) target_semaphore(%arg11 : memref<!tpu.dma_semaphore, #tpu.memory_space<semaphore_mem>>)
      %dma_start3A_255 = arith.constant 2 : i32
      %dma_start3A_256 = arith.constant 0 : i32
      %dma_start3A_257 = arith.constant 0 : i32
      %dma_start3A_258 = tpu.memref_slice %arg3[%select_n3A_79, %dma_start3A_255, %dma_start3A_256, %mul3A_108, %dma_start3A_257] : memref<50x8x3x64x1024xf32, #tpu.memory_space<hbm>> -> memref<1x1x1x16x1024xf32, #tpu.memory_space<hbm>>
      %dma_start3A_259 = tpu.memref_squeeze %dma_start3A_258 : memref<1x1x1x16x1024xf32, #tpu.memory_space<hbm>> -> memref<16x1024xf32, #tpu.memory_space<hbm>>
      %dma_start3A_260 = arith.constant 0 : i32
      %dma_start3A_261 = tpu.memref_slice %arg3[%select_n3A_79, %dma_start3A_255, %dma_start3A_256, %mul3A_108, %dma_start3A_260] : memref<50x8x3x64x1024xf32, #tpu.memory_space<hbm>> -> memref<1x1x1x16x1024xf32, #tpu.memory_space<hbm>>
      %dma_start3A_262 = tpu.memref_squeeze %dma_start3A_261 : memref<1x1x1x16x1024xf32, #tpu.memory_space<hbm>> -> memref<16x1024xf32, #tpu.memory_space<hbm>>
      tpu.enqueue_dma source(%arg4 : memref<16x1024xf32, #tpu.memory_space<vmem>>) target(%dma_start3A_262 : memref<16x1024xf32, #tpu.memory_space<hbm>>) target_semaphore(%arg16 : memref<!tpu.dma_semaphore, #tpu.memory_space<semaphore_mem>>)
      %dma_start3A_263 = arith.constant 2 : i32
      %dma_start3A_264 = arith.constant 1 : i32
      %dma_start3A_265 = arith.constant 0 : i32
      %dma_start3A_266 = tpu.memref_slice %arg3[%select_n3A_79, %dma_start3A_263, %dma_start3A_264, %mul3A_108, %dma_start3A_265] : memref<50x8x3x64x1024xf32, #tpu.memory_space<hbm>> -> memref<1x1x1x16x1024xf32, #tpu.memory_space<hbm>>
      %dma_start3A_267 = tpu.memref_squeeze %dma_start3A_266 : memref<1x1x1x16x1024xf32, #tpu.memory_space<hbm>> -> memref<16x1024xf32, #tpu.memory_space<hbm>>
      %dma_start3A_268 = arith.constant 0 : i32
      %dma_start3A_269 = tpu.memref_slice %arg3[%select_n3A_79, %dma_start3A_263, %dma_start3A_264, %mul3A_108, %dma_start3A_268] : memref<50x8x3x64x1024xf32, #tpu.memory_space<hbm>> -> memref<1x1x1x16x1024xf32, #tpu.memory_space<hbm>>
      %dma_start3A_270 = tpu.memref_squeeze %dma_start3A_269 : memref<1x1x1x16x1024xf32, #tpu.memory_space<hbm>> -> memref<16x1024xf32, #tpu.memory_space<hbm>>
      tpu.enqueue_dma source(%arg5 : memref<16x1024xf32, #tpu.memory_space<vmem>>) target(%dma_start3A_270 : memref<16x1024xf32, #tpu.memory_space<hbm>>) target_semaphore(%arg16 : memref<!tpu.dma_semaphore, #tpu.memory_space<semaphore_mem>>)
      %dma_start3A_271 = arith.constant 2 : i32
      %dma_start3A_272 = arith.constant 2 : i32
      %dma_start3A_273 = arith.constant 0 : i32
      %dma_start3A_274 = tpu.memref_slice %arg3[%select_n3A_79, %dma_start3A_271, %dma_start3A_272, %mul3A_108, %dma_start3A_273] : memref<50x8x3x64x1024xf32, #tpu.memory_space<hbm>> -> memref<1x1x1x16x1024xf32, #tpu.memory_space<hbm>>
      %dma_start3A_275 = tpu.memref_squeeze %dma_start3A_274 : memref<1x1x1x16x1024xf32, #tpu.memory_space<hbm>> -> memref<16x1024xf32, #tpu.memory_space<hbm>>
      %dma_start3A_276 = arith.constant 0 : i32
      %dma_start3A_277 = tpu.memref_slice %arg3[%select_n3A_79, %dma_start3A_271, %dma_start3A_272, %mul3A_108, %dma_start3A_276] : memref<50x8x3x64x1024xf32, #tpu.memory_space<hbm>> -> memref<1x1x1x16x1024xf32, #tpu.memory_space<hbm>>
      %dma_start3A_278 = tpu.memref_squeeze %dma_start3A_277 : memref<1x1x1x16x1024xf32, #tpu.memory_space<hbm>> -> memref<16x1024xf32, #tpu.memory_space<hbm>>
      tpu.enqueue_dma source(%arg8 : memref<16x1024xf32, #tpu.memory_space<vmem>>) target(%dma_start3A_278 : memref<16x1024xf32, #tpu.memory_space<hbm>>) target_semaphore(%arg15 : memref<!tpu.dma_semaphore, #tpu.memory_space<semaphore_mem>>)
      %dma_wait3A_279 = arith.constant 5 : i32
      %dma_wait3A_280 = arith.constant 0 : i32
      %dma_wait3A_281 = tpu.memref_slice %arg2[%select_n3A_79, %dma_wait3A_279, %mul3A_108, %dma_wait3A_280] : memref<50x10x64x1024xf32, #tpu.memory_space<hbm>> -> memref<1x1x16x1024xf32, #tpu.memory_space<hbm>>
      %dma_wait3A_282 = tpu.memref_squeeze %dma_wait3A_281 : memref<1x1x16x1024xf32, #tpu.memory_space<hbm>> -> memref<16x1024xf32, #tpu.memory_space<hbm>>
      %dma_wait3A_283 = arith.constant 0 : i32
      %dma_wait3A_284 = tpu.memref_slice %arg2[%select_n3A_79, %dma_wait3A_279, %mul3A_108, %dma_wait3A_283] : memref<50x10x64x1024xf32, #tpu.memory_space<hbm>> -> memref<1x1x16x1024xf32, #tpu.memory_space<hbm>>
      %dma_wait3A_285 = tpu.memref_squeeze %dma_wait3A_284 : memref<1x1x16x1024xf32, #tpu.memory_space<hbm>> -> memref<16x1024xf32, #tpu.memory_space<hbm>>
      tpu.wait_dma2 semaphore(%arg10 : memref<!tpu.dma_semaphore, #tpu.memory_space<semaphore_mem>>) src(%dma_wait3A_285 : memref<16x1024xf32, #tpu.memory_space<hbm>>) dst(%arg6 : memref<16x1024xf32, #tpu.memory_space<vmem>>)
      %dma_wait3A_286 = arith.constant 2 : i32
      %dma_wait3A_287 = arith.constant 2 : i32
      %dma_wait3A_288 = arith.constant 0 : i32
      %dma_wait3A_289 = tpu.memref_slice %arg3[%select_n3A_79, %dma_wait3A_286, %dma_wait3A_287, %mul3A_108, %dma_wait3A_288] : memref<50x8x3x64x1024xf32, #tpu.memory_space<hbm>> -> memref<1x1x1x16x1024xf32, #tpu.memory_space<hbm>>
      %dma_wait3A_290 = tpu.memref_squeeze %dma_wait3A_289 : memref<1x1x1x16x1024xf32, #tpu.memory_space<hbm>> -> memref<16x1024xf32, #tpu.memory_space<hbm>>
      %dma_wait3A_291 = arith.constant 0 : i32
      %dma_wait3A_292 = tpu.memref_slice %arg3[%select_n3A_79, %dma_wait3A_286, %dma_wait3A_287, %mul3A_108, %dma_wait3A_291] : memref<50x8x3x64x1024xf32, #tpu.memory_space<hbm>> -> memref<1x1x1x16x1024xf32, #tpu.memory_space<hbm>>
      %dma_wait3A_293 = tpu.memref_squeeze %dma_wait3A_292 : memref<1x1x1x16x1024xf32, #tpu.memory_space<hbm>> -> memref<16x1024xf32, #tpu.memory_space<hbm>>
      tpu.wait_dma2 semaphore(%arg15 : memref<!tpu.dma_semaphore, #tpu.memory_space<semaphore_mem>>) src(%arg8 : memref<16x1024xf32, #tpu.memory_space<vmem>>) dst(%dma_wait3A_293 : memref<16x1024xf32, #tpu.memory_space<hbm>>)
      %dma_start3A_294 = arith.constant 7 : i32
      %dma_start3A_295 = arith.constant 0 : i32
      %dma_start3A_296 = tpu.memref_slice %arg2[%select_n3A_79, %dma_start3A_294, %mul3A_108, %dma_start3A_295] : memref<50x10x64x1024xf32, #tpu.memory_space<hbm>> -> memref<1x1x16x1024xf32, #tpu.memory_space<hbm>>
      %dma_start3A_297 = tpu.memref_squeeze %dma_start3A_296 : memref<1x1x16x1024xf32, #tpu.memory_space<hbm>> -> memref<16x1024xf32, #tpu.memory_space<hbm>>
      %dma_start3A_298 = arith.constant 0 : i32
      %dma_start3A_299 = tpu.memref_slice %arg2[%select_n3A_79, %dma_start3A_294, %mul3A_108, %dma_start3A_298] : memref<50x10x64x1024xf32, #tpu.memory_space<hbm>> -> memref<1x1x16x1024xf32, #tpu.memory_space<hbm>>
      %dma_start3A_300 = tpu.memref_squeeze %dma_start3A_299 : memref<1x1x16x1024xf32, #tpu.memory_space<hbm>> -> memref<16x1024xf32, #tpu.memory_space<hbm>>
      tpu.enqueue_dma source(%dma_start3A_300 : memref<16x1024xf32, #tpu.memory_space<hbm>>) target(%arg8 : memref<16x1024xf32, #tpu.memory_space<vmem>>) target_semaphore(%arg12 : memref<!tpu.dma_semaphore, #tpu.memory_space<semaphore_mem>>)
      %dma_start3A_301 = arith.constant 3 : i32
      %dma_start3A_302 = arith.constant 0 : i32
      %dma_start3A_303 = arith.constant 0 : i32
      %dma_start3A_304 = tpu.memref_slice %arg3[%select_n3A_79, %dma_start3A_301, %dma_start3A_302, %mul3A_108, %dma_start3A_303] : memref<50x8x3x64x1024xf32, #tpu.memory_space<hbm>> -> memref<1x1x1x16x1024xf32, #tpu.memory_space<hbm>>
      %dma_start3A_305 = tpu.memref_squeeze %dma_start3A_304 : memref<1x1x1x16x1024xf32, #tpu.memory_space<hbm>> -> memref<16x1024xf32, #tpu.memory_space<hbm>>
      %dma_start3A_306 = arith.constant 0 : i32
      %dma_start3A_307 = tpu.memref_slice %arg3[%select_n3A_79, %dma_start3A_301, %dma_start3A_302, %mul3A_108, %dma_start3A_306] : memref<50x8x3x64x1024xf32, #tpu.memory_space<hbm>> -> memref<1x1x1x16x1024xf32, #tpu.memory_space<hbm>>
      %dma_start3A_308 = tpu.memref_squeeze %dma_start3A_307 : memref<1x1x1x16x1024xf32, #tpu.memory_space<hbm>> -> memref<16x1024xf32, #tpu.memory_space<hbm>>
      tpu.enqueue_dma source(%arg4 : memref<16x1024xf32, #tpu.memory_space<vmem>>) target(%dma_start3A_308 : memref<16x1024xf32, #tpu.memory_space<hbm>>) target_semaphore(%arg16 : memref<!tpu.dma_semaphore, #tpu.memory_space<semaphore_mem>>)
      %dma_start3A_309 = arith.constant 3 : i32
      %dma_start3A_310 = arith.constant 1 : i32
      %dma_start3A_311 = arith.constant 0 : i32
      %dma_start3A_312 = tpu.memref_slice %arg3[%select_n3A_79, %dma_start3A_309, %dma_start3A_310, %mul3A_108, %dma_start3A_311] : memref<50x8x3x64x1024xf32, #tpu.memory_space<hbm>> -> memref<1x1x1x16x1024xf32, #tpu.memory_space<hbm>>
      %dma_start3A_313 = tpu.memref_squeeze %dma_start3A_312 : memref<1x1x1x16x1024xf32, #tpu.memory_space<hbm>> -> memref<16x1024xf32, #tpu.memory_space<hbm>>
      %dma_start3A_314 = arith.constant 0 : i32
      %dma_start3A_315 = tpu.memref_slice %arg3[%select_n3A_79, %dma_start3A_309, %dma_start3A_310, %mul3A_108, %dma_start3A_314] : memref<50x8x3x64x1024xf32, #tpu.memory_space<hbm>> -> memref<1x1x1x16x1024xf32, #tpu.memory_space<hbm>>
      %dma_start3A_316 = tpu.memref_squeeze %dma_start3A_315 : memref<1x1x1x16x1024xf32, #tpu.memory_space<hbm>> -> memref<16x1024xf32, #tpu.memory_space<hbm>>
      tpu.enqueue_dma source(%arg5 : memref<16x1024xf32, #tpu.memory_space<vmem>>) target(%dma_start3A_316 : memref<16x1024xf32, #tpu.memory_space<hbm>>) target_semaphore(%arg16 : memref<!tpu.dma_semaphore, #tpu.memory_space<semaphore_mem>>)
      %dma_start3A_317 = arith.constant 3 : i32
      %dma_start3A_318 = arith.constant 2 : i32
      %dma_start3A_319 = arith.constant 0 : i32
      %dma_start3A_320 = tpu.memref_slice %arg3[%select_n3A_79, %dma_start3A_317, %dma_start3A_318, %mul3A_108, %dma_start3A_319] : memref<50x8x3x64x1024xf32, #tpu.memory_space<hbm>> -> memref<1x1x1x16x1024xf32, #tpu.memory_space<hbm>>
      %dma_start3A_321 = tpu.memref_squeeze %dma_start3A_320 : memref<1x1x1x16x1024xf32, #tpu.memory_space<hbm>> -> memref<16x1024xf32, #tpu.memory_space<hbm>>
      %dma_start3A_322 = arith.constant 0 : i32
      %dma_start3A_323 = tpu.memref_slice %arg3[%select_n3A_79, %dma_start3A_317, %dma_start3A_318, %mul3A_108, %dma_start3A_322] : memref<50x8x3x64x1024xf32, #tpu.memory_space<hbm>> -> memref<1x1x1x16x1024xf32, #tpu.memory_space<hbm>>
      %dma_start3A_324 = tpu.memref_squeeze %dma_start3A_323 : memref<1x1x1x16x1024xf32, #tpu.memory_space<hbm>> -> memref<16x1024xf32, #tpu.memory_space<hbm>>
      tpu.enqueue_dma source(%arg6 : memref<16x1024xf32, #tpu.memory_space<vmem>>) target(%dma_start3A_324 : memref<16x1024xf32, #tpu.memory_space<hbm>>) target_semaphore(%arg13 : memref<!tpu.dma_semaphore, #tpu.memory_space<semaphore_mem>>)
      %dma_wait3A_325 = arith.constant 6 : i32
      %dma_wait3A_326 = arith.constant 0 : i32
      %dma_wait3A_327 = tpu.memref_slice %arg2[%select_n3A_79, %dma_wait3A_325, %mul3A_108, %dma_wait3A_326] : memref<50x10x64x1024xf32, #tpu.memory_space<hbm>> -> memref<1x1x16x1024xf32, #tpu.memory_space<hbm>>
      %dma_wait3A_328 = tpu.memref_squeeze %dma_wait3A_327 : memref<1x1x16x1024xf32, #tpu.memory_space<hbm>> -> memref<16x1024xf32, #tpu.memory_space<hbm>>
      %dma_wait3A_329 = arith.constant 0 : i32
      %dma_wait3A_330 = tpu.memref_slice %arg2[%select_n3A_79, %dma_wait3A_325, %mul3A_108, %dma_wait3A_329] : memref<50x10x64x1024xf32, #tpu.memory_space<hbm>> -> memref<1x1x16x1024xf32, #tpu.memory_space<hbm>>
      %dma_wait3A_331 = tpu.memref_squeeze %dma_wait3A_330 : memref<1x1x16x1024xf32, #tpu.memory_space<hbm>> -> memref<16x1024xf32, #tpu.memory_space<hbm>>
      tpu.wait_dma2 semaphore(%arg11 : memref<!tpu.dma_semaphore, #tpu.memory_space<semaphore_mem>>) src(%dma_wait3A_331 : memref<16x1024xf32, #tpu.memory_space<hbm>>) dst(%arg7 : memref<16x1024xf32, #tpu.memory_space<vmem>>)
      %dma_wait3A_332 = arith.constant 3 : i32
      %dma_wait3A_333 = arith.constant 2 : i32
      %dma_wait3A_334 = arith.constant 0 : i32
      %dma_wait3A_335 = tpu.memref_slice %arg3[%select_n3A_79, %dma_wait3A_332, %dma_wait3A_333, %mul3A_108, %dma_wait3A_334] : memref<50x8x3x64x1024xf32, #tpu.memory_space<hbm>> -> memref<1x1x1x16x1024xf32, #tpu.memory_space<hbm>>
      %dma_wait3A_336 = tpu.memref_squeeze %dma_wait3A_335 : memref<1x1x1x16x1024xf32, #tpu.memory_space<hbm>> -> memref<16x1024xf32, #tpu.memory_space<hbm>>
      %dma_wait3A_337 = arith.constant 0 : i32
      %dma_wait3A_338 = tpu.memref_slice %arg3[%select_n3A_79, %dma_wait3A_332, %dma_wait3A_333, %mul3A_108, %dma_wait3A_337] : memref<50x8x3x64x1024xf32, #tpu.memory_space<hbm>> -> memref<1x1x1x16x1024xf32, #tpu.memory_space<hbm>>
      %dma_wait3A_339 = tpu.memref_squeeze %dma_wait3A_338 : memref<1x1x1x16x1024xf32, #tpu.memory_space<hbm>> -> memref<16x1024xf32, #tpu.memory_space<hbm>>
      tpu.wait_dma2 semaphore(%arg13 : memref<!tpu.dma_semaphore, #tpu.memory_space<semaphore_mem>>) src(%arg6 : memref<16x1024xf32, #tpu.memory_space<vmem>>) dst(%dma_wait3A_339 : memref<16x1024xf32, #tpu.memory_space<hbm>>)
      %dma_start3A_340 = arith.constant 8 : i32
      %dma_start3A_341 = arith.constant 0 : i32
      %dma_start3A_342 = tpu.memref_slice %arg2[%select_n3A_79, %dma_start3A_340, %mul3A_108, %dma_start3A_341] : memref<50x10x64x1024xf32, #tpu.memory_space<hbm>> -> memref<1x1x16x1024xf32, #tpu.memory_space<hbm>>
      %dma_start3A_343 = tpu.memref_squeeze %dma_start3A_342 : memref<1x1x16x1024xf32, #tpu.memory_space<hbm>> -> memref<16x1024xf32, #tpu.memory_space<hbm>>
      %dma_start3A_344 = arith.constant 0 : i32
      %dma_start3A_345 = tpu.memref_slice %arg2[%select_n3A_79, %dma_start3A_340, %mul3A_108, %dma_start3A_344] : memref<50x10x64x1024xf32, #tpu.memory_space<hbm>> -> memref<1x1x16x1024xf32, #tpu.memory_space<hbm>>
      %dma_start3A_346 = tpu.memref_squeeze %dma_start3A_345 : memref<1x1x16x1024xf32, #tpu.memory_space<hbm>> -> memref<16x1024xf32, #tpu.memory_space<hbm>>
      tpu.enqueue_dma source(%dma_start3A_346 : memref<16x1024xf32, #tpu.memory_space<hbm>>) target(%arg6 : memref<16x1024xf32, #tpu.memory_space<vmem>>) target_semaphore(%arg10 : memref<!tpu.dma_semaphore, #tpu.memory_space<semaphore_mem>>)
      %dma_start3A_347 = arith.constant 4 : i32
      %dma_start3A_348 = arith.constant 0 : i32
      %dma_start3A_349 = arith.constant 0 : i32
      %dma_start3A_350 = tpu.memref_slice %arg3[%select_n3A_79, %dma_start3A_347, %dma_start3A_348, %mul3A_108, %dma_start3A_349] : memref<50x8x3x64x1024xf32, #tpu.memory_space<hbm>> -> memref<1x1x1x16x1024xf32, #tpu.memory_space<hbm>>
      %dma_start3A_351 = tpu.memref_squeeze %dma_start3A_350 : memref<1x1x1x16x1024xf32, #tpu.memory_space<hbm>> -> memref<16x1024xf32, #tpu.memory_space<hbm>>
      %dma_start3A_352 = arith.constant 0 : i32
      %dma_start3A_353 = tpu.memref_slice %arg3[%select_n3A_79, %dma_start3A_347, %dma_start3A_348, %mul3A_108, %dma_start3A_352] : memref<50x8x3x64x1024xf32, #tpu.memory_space<hbm>> -> memref<1x1x1x16x1024xf32, #tpu.memory_space<hbm>>
      %dma_start3A_354 = tpu.memref_squeeze %dma_start3A_353 : memref<1x1x1x16x1024xf32, #tpu.memory_space<hbm>> -> memref<16x1024xf32, #tpu.memory_space<hbm>>
      tpu.enqueue_dma source(%arg4 : memref<16x1024xf32, #tpu.memory_space<vmem>>) target(%dma_start3A_354 : memref<16x1024xf32, #tpu.memory_space<hbm>>) target_semaphore(%arg16 : memref<!tpu.dma_semaphore, #tpu.memory_space<semaphore_mem>>)
      %dma_start3A_355 = arith.constant 4 : i32
      %dma_start3A_356 = arith.constant 1 : i32
      %dma_start3A_357 = arith.constant 0 : i32
      %dma_start3A_358 = tpu.memref_slice %arg3[%select_n3A_79, %dma_start3A_355, %dma_start3A_356, %mul3A_108, %dma_start3A_357] : memref<50x8x3x64x1024xf32, #tpu.memory_space<hbm>> -> memref<1x1x1x16x1024xf32, #tpu.memory_space<hbm>>
      %dma_start3A_359 = tpu.memref_squeeze %dma_start3A_358 : memref<1x1x1x16x1024xf32, #tpu.memory_space<hbm>> -> memref<16x1024xf32, #tpu.memory_space<hbm>>
      %dma_start3A_360 = arith.constant 0 : i32
      %dma_start3A_361 = tpu.memref_slice %arg3[%select_n3A_79, %dma_start3A_355, %dma_start3A_356, %mul3A_108, %dma_start3A_360] : memref<50x8x3x64x1024xf32, #tpu.memory_space<hbm>> -> memref<1x1x1x16x1024xf32, #tpu.memory_space<hbm>>
      %dma_start3A_362 = tpu.memref_squeeze %dma_start3A_361 : memref<1x1x1x16x1024xf32, #tpu.memory_space<hbm>> -> memref<16x1024xf32, #tpu.memory_space<hbm>>
      tpu.enqueue_dma source(%arg5 : memref<16x1024xf32, #tpu.memory_space<vmem>>) target(%dma_start3A_362 : memref<16x1024xf32, #tpu.memory_space<hbm>>) target_semaphore(%arg16 : memref<!tpu.dma_semaphore, #tpu.memory_space<semaphore_mem>>)
      %dma_start3A_363 = arith.constant 4 : i32
      %dma_start3A_364 = arith.constant 2 : i32
      %dma_start3A_365 = arith.constant 0 : i32
      %dma_start3A_366 = tpu.memref_slice %arg3[%select_n3A_79, %dma_start3A_363, %dma_start3A_364, %mul3A_108, %dma_start3A_365] : memref<50x8x3x64x1024xf32, #tpu.memory_space<hbm>> -> memref<1x1x1x16x1024xf32, #tpu.memory_space<hbm>>
      %dma_start3A_367 = tpu.memref_squeeze %dma_start3A_366 : memref<1x1x1x16x1024xf32, #tpu.memory_space<hbm>> -> memref<16x1024xf32, #tpu.memory_space<hbm>>
      %dma_start3A_368 = arith.constant 0 : i32
      %dma_start3A_369 = tpu.memref_slice %arg3[%select_n3A_79, %dma_start3A_363, %dma_start3A_364, %mul3A_108, %dma_start3A_368] : memref<50x8x3x64x1024xf32, #tpu.memory_space<hbm>> -> memref<1x1x1x16x1024xf32, #tpu.memory_space<hbm>>
      %dma_start3A_370 = tpu.memref_squeeze %dma_start3A_369 : memref<1x1x1x16x1024xf32, #tpu.memory_space<hbm>> -> memref<16x1024xf32, #tpu.memory_space<hbm>>
      tpu.enqueue_dma source(%arg7 : memref<16x1024xf32, #tpu.memory_space<vmem>>) target(%dma_start3A_370 : memref<16x1024xf32, #tpu.memory_space<hbm>>) target_semaphore(%arg14 : memref<!tpu.dma_semaphore, #tpu.memory_space<semaphore_mem>>)
      %dma_wait3A_371 = arith.constant 7 : i32
      %dma_wait3A_372 = arith.constant 0 : i32
      %dma_wait3A_373 = tpu.memref_slice %arg2[%select_n3A_79, %dma_wait3A_371, %mul3A_108, %dma_wait3A_372] : memref<50x10x64x1024xf32, #tpu.memory_space<hbm>> -> memref<1x1x16x1024xf32, #tpu.memory_space<hbm>>
      %dma_wait3A_374 = tpu.memref_squeeze %dma_wait3A_373 : memref<1x1x16x1024xf32, #tpu.memory_space<hbm>> -> memref<16x1024xf32, #tpu.memory_space<hbm>>
      %dma_wait3A_375 = arith.constant 0 : i32
      %dma_wait3A_376 = tpu.memref_slice %arg2[%select_n3A_79, %dma_wait3A_371, %mul3A_108, %dma_wait3A_375] : memref<50x10x64x1024xf32, #tpu.memory_space<hbm>> -> memref<1x1x16x1024xf32, #tpu.memory_space<hbm>>
      %dma_wait3A_377 = tpu.memref_squeeze %dma_wait3A_376 : memref<1x1x16x1024xf32, #tpu.memory_space<hbm>> -> memref<16x1024xf32, #tpu.memory_space<hbm>>
      tpu.wait_dma2 semaphore(%arg12 : memref<!tpu.dma_semaphore, #tpu.memory_space<semaphore_mem>>) src(%dma_wait3A_377 : memref<16x1024xf32, #tpu.memory_space<hbm>>) dst(%arg8 : memref<16x1024xf32, #tpu.memory_space<vmem>>)
      %dma_wait3A_378 = arith.constant 4 : i32
      %dma_wait3A_379 = arith.constant 2 : i32
      %dma_wait3A_380 = arith.constant 0 : i32
      %dma_wait3A_381 = tpu.memref_slice %arg3[%select_n3A_79, %dma_wait3A_378, %dma_wait3A_379, %mul3A_108, %dma_wait3A_380] : memref<50x8x3x64x1024xf32, #tpu.memory_space<hbm>> -> memref<1x1x1x16x1024xf32, #tpu.memory_space<hbm>>
      %dma_wait3A_382 = tpu.memref_squeeze %dma_wait3A_381 : memref<1x1x1x16x1024xf32, #tpu.memory_space<hbm>> -> memref<16x1024xf32, #tpu.memory_space<hbm>>
      %dma_wait3A_383 = arith.constant 0 : i32
      %dma_wait3A_384 = tpu.memref_slice %arg3[%select_n3A_79, %dma_wait3A_378, %dma_wait3A_379, %mul3A_108, %dma_wait3A_383] : memref<50x8x3x64x1024xf32, #tpu.memory_space<hbm>> -> memref<1x1x1x16x1024xf32, #tpu.memory_space<hbm>>
      %dma_wait3A_385 = tpu.memref_squeeze %dma_wait3A_384 : memref<1x1x1x16x1024xf32, #tpu.memory_space<hbm>> -> memref<16x1024xf32, #tpu.memory_space<hbm>>
      tpu.wait_dma2 semaphore(%arg14 : memref<!tpu.dma_semaphore, #tpu.memory_space<semaphore_mem>>) src(%arg7 : memref<16x1024xf32, #tpu.memory_space<vmem>>) dst(%dma_wait3A_385 : memref<16x1024xf32, #tpu.memory_space<hbm>>)
      %dma_start3A_386 = arith.constant 9 : i32
      %dma_start3A_387 = arith.constant 0 : i32
      %dma_start3A_388 = tpu.memref_slice %arg2[%select_n3A_79, %dma_start3A_386, %mul3A_108, %dma_start3A_387] : memref<50x10x64x1024xf32, #tpu.memory_space<hbm>> -> memref<1x1x16x1024xf32, #tpu.memory_space<hbm>>
      %dma_start3A_389 = tpu.memref_squeeze %dma_start3A_388 : memref<1x1x16x1024xf32, #tpu.memory_space<hbm>> -> memref<16x1024xf32, #tpu.memory_space<hbm>>
      %dma_start3A_390 = arith.constant 0 : i32
      %dma_start3A_391 = tpu.memref_slice %arg2[%select_n3A_79, %dma_start3A_386, %mul3A_108, %dma_start3A_390] : memref<50x10x64x1024xf32, #tpu.memory_space<hbm>> -> memref<1x1x16x1024xf32, #tpu.memory_space<hbm>>
      %dma_start3A_392 = tpu.memref_squeeze %dma_start3A_391 : memref<1x1x16x1024xf32, #tpu.memory_space<hbm>> -> memref<16x1024xf32, #tpu.memory_space<hbm>>
      tpu.enqueue_dma source(%dma_start3A_392 : memref<16x1024xf32, #tpu.memory_space<hbm>>) target(%arg7 : memref<16x1024xf32, #tpu.memory_space<vmem>>) target_semaphore(%arg11 : memref<!tpu.dma_semaphore, #tpu.memory_space<semaphore_mem>>)
      %dma_start3A_393 = arith.constant 5 : i32
      %dma_start3A_394 = arith.constant 0 : i32
      %dma_start3A_395 = arith.constant 0 : i32
      %dma_start3A_396 = tpu.memref_slice %arg3[%select_n3A_79, %dma_start3A_393, %dma_start3A_394, %mul3A_108, %dma_start3A_395] : memref<50x8x3x64x1024xf32, #tpu.memory_space<hbm>> -> memref<1x1x1x16x1024xf32, #tpu.memory_space<hbm>>
      %dma_start3A_397 = tpu.memref_squeeze %dma_start3A_396 : memref<1x1x1x16x1024xf32, #tpu.memory_space<hbm>> -> memref<16x1024xf32, #tpu.memory_space<hbm>>
      %dma_start3A_398 = arith.constant 0 : i32
      %dma_start3A_399 = tpu.memref_slice %arg3[%select_n3A_79, %dma_start3A_393, %dma_start3A_394, %mul3A_108, %dma_start3A_398] : memref<50x8x3x64x1024xf32, #tpu.memory_space<hbm>> -> memref<1x1x1x16x1024xf32, #tpu.memory_space<hbm>>
      %dma_start3A_400 = tpu.memref_squeeze %dma_start3A_399 : memref<1x1x1x16x1024xf32, #tpu.memory_space<hbm>> -> memref<16x1024xf32, #tpu.memory_space<hbm>>
      tpu.enqueue_dma source(%arg4 : memref<16x1024xf32, #tpu.memory_space<vmem>>) target(%dma_start3A_400 : memref<16x1024xf32, #tpu.memory_space<hbm>>) target_semaphore(%arg16 : memref<!tpu.dma_semaphore, #tpu.memory_space<semaphore_mem>>)
      %dma_start3A_401 = arith.constant 5 : i32
      %dma_start3A_402 = arith.constant 1 : i32
      %dma_start3A_403 = arith.constant 0 : i32
      %dma_start3A_404 = tpu.memref_slice %arg3[%select_n3A_79, %dma_start3A_401, %dma_start3A_402, %mul3A_108, %dma_start3A_403] : memref<50x8x3x64x1024xf32, #tpu.memory_space<hbm>> -> memref<1x1x1x16x1024xf32, #tpu.memory_space<hbm>>
      %dma_start3A_405 = tpu.memref_squeeze %dma_start3A_404 : memref<1x1x1x16x1024xf32, #tpu.memory_space<hbm>> -> memref<16x1024xf32, #tpu.memory_space<hbm>>
      %dma_start3A_406 = arith.constant 0 : i32
      %dma_start3A_407 = tpu.memref_slice %arg3[%select_n3A_79, %dma_start3A_401, %dma_start3A_402, %mul3A_108, %dma_start3A_406] : memref<50x8x3x64x1024xf32, #tpu.memory_space<hbm>> -> memref<1x1x1x16x1024xf32, #tpu.memory_space<hbm>>
      %dma_start3A_408 = tpu.memref_squeeze %dma_start3A_407 : memref<1x1x1x16x1024xf32, #tpu.memory_space<hbm>> -> memref<16x1024xf32, #tpu.memory_space<hbm>>
      tpu.enqueue_dma source(%arg5 : memref<16x1024xf32, #tpu.memory_space<vmem>>) target(%dma_start3A_408 : memref<16x1024xf32, #tpu.memory_space<hbm>>) target_semaphore(%arg16 : memref<!tpu.dma_semaphore, #tpu.memory_space<semaphore_mem>>)
      %dma_start3A_409 = arith.constant 5 : i32
      %dma_start3A_410 = arith.constant 2 : i32
      %dma_start3A_411 = arith.constant 0 : i32
      %dma_start3A_412 = tpu.memref_slice %arg3[%select_n3A_79, %dma_start3A_409, %dma_start3A_410, %mul3A_108, %dma_start3A_411] : memref<50x8x3x64x1024xf32, #tpu.memory_space<hbm>> -> memref<1x1x1x16x1024xf32, #tpu.memory_space<hbm>>
      %dma_start3A_413 = tpu.memref_squeeze %dma_start3A_412 : memref<1x1x1x16x1024xf32, #tpu.memory_space<hbm>> -> memref<16x1024xf32, #tpu.memory_space<hbm>>
      %dma_start3A_414 = arith.constant 0 : i32
      %dma_start3A_415 = tpu.memref_slice %arg3[%select_n3A_79, %dma_start3A_409, %dma_start3A_410, %mul3A_108, %dma_start3A_414] : memref<50x8x3x64x1024xf32, #tpu.memory_space<hbm>> -> memref<1x1x1x16x1024xf32, #tpu.memory_space<hbm>>
      %dma_start3A_416 = tpu.memref_squeeze %dma_start3A_415 : memref<1x1x1x16x1024xf32, #tpu.memory_space<hbm>> -> memref<16x1024xf32, #tpu.memory_space<hbm>>
      tpu.enqueue_dma source(%arg8 : memref<16x1024xf32, #tpu.memory_space<vmem>>) target(%dma_start3A_416 : memref<16x1024xf32, #tpu.memory_space<hbm>>) target_semaphore(%arg15 : memref<!tpu.dma_semaphore, #tpu.memory_space<semaphore_mem>>)
      %dma_wait3A_417 = arith.constant 8 : i32
      %dma_wait3A_418 = arith.constant 0 : i32
      %dma_wait3A_419 = tpu.memref_slice %arg2[%select_n3A_79, %dma_wait3A_417, %mul3A_108, %dma_wait3A_418] : memref<50x10x64x1024xf32, #tpu.memory_space<hbm>> -> memref<1x1x16x1024xf32, #tpu.memory_space<hbm>>
      %dma_wait3A_420 = tpu.memref_squeeze %dma_wait3A_419 : memref<1x1x16x1024xf32, #tpu.memory_space<hbm>> -> memref<16x1024xf32, #tpu.memory_space<hbm>>
      %dma_wait3A_421 = arith.constant 0 : i32
      %dma_wait3A_422 = tpu.memref_slice %arg2[%select_n3A_79, %dma_wait3A_417, %mul3A_108, %dma_wait3A_421] : memref<50x10x64x1024xf32, #tpu.memory_space<hbm>> -> memref<1x1x16x1024xf32, #tpu.memory_space<hbm>>
      %dma_wait3A_423 = tpu.memref_squeeze %dma_wait3A_422 : memref<1x1x16x1024xf32, #tpu.memory_space<hbm>> -> memref<16x1024xf32, #tpu.memory_space<hbm>>
      tpu.wait_dma2 semaphore(%arg10 : memref<!tpu.dma_semaphore, #tpu.memory_space<semaphore_mem>>) src(%dma_wait3A_423 : memref<16x1024xf32, #tpu.memory_space<hbm>>) dst(%arg6 : memref<16x1024xf32, #tpu.memory_space<vmem>>)
      %dma_start3A_424 = arith.constant 6 : i32
      %dma_start3A_425 = arith.constant 0 : i32
      %dma_start3A_426 = arith.constant 0 : i32
      %dma_start3A_427 = tpu.memref_slice %arg3[%select_n3A_79, %dma_start3A_424, %dma_start3A_425, %mul3A_108, %dma_start3A_426] : memref<50x8x3x64x1024xf32, #tpu.memory_space<hbm>> -> memref<1x1x1x16x1024xf32, #tpu.memory_space<hbm>>
      %dma_start3A_428 = tpu.memref_squeeze %dma_start3A_427 : memref<1x1x1x16x1024xf32, #tpu.memory_space<hbm>> -> memref<16x1024xf32, #tpu.memory_space<hbm>>
      %dma_start3A_429 = arith.constant 0 : i32
      %dma_start3A_430 = tpu.memref_slice %arg3[%select_n3A_79, %dma_start3A_424, %dma_start3A_425, %mul3A_108, %dma_start3A_429] : memref<50x8x3x64x1024xf32, #tpu.memory_space<hbm>> -> memref<1x1x1x16x1024xf32, #tpu.memory_space<hbm>>
      %dma_start3A_431 = tpu.memref_squeeze %dma_start3A_430 : memref<1x1x1x16x1024xf32, #tpu.memory_space<hbm>> -> memref<16x1024xf32, #tpu.memory_space<hbm>>
      tpu.enqueue_dma source(%arg4 : memref<16x1024xf32, #tpu.memory_space<vmem>>) target(%dma_start3A_431 : memref<16x1024xf32, #tpu.memory_space<hbm>>) target_semaphore(%arg16 : memref<!tpu.dma_semaphore, #tpu.memory_space<semaphore_mem>>)
      %dma_start3A_432 = arith.constant 6 : i32
      %dma_start3A_433 = arith.constant 1 : i32
      %dma_start3A_434 = arith.constant 0 : i32
      %dma_start3A_435 = tpu.memref_slice %arg3[%select_n3A_79, %dma_start3A_432, %dma_start3A_433, %mul3A_108, %dma_start3A_434] : memref<50x8x3x64x1024xf32, #tpu.memory_space<hbm>> -> memref<1x1x1x16x1024xf32, #tpu.memory_space<hbm>>
      %dma_start3A_436 = tpu.memref_squeeze %dma_start3A_435 : memref<1x1x1x16x1024xf32, #tpu.memory_space<hbm>> -> memref<16x1024xf32, #tpu.memory_space<hbm>>
      %dma_start3A_437 = arith.constant 0 : i32
      %dma_start3A_438 = tpu.memref_slice %arg3[%select_n3A_79, %dma_start3A_432, %dma_start3A_433, %mul3A_108, %dma_start3A_437] : memref<50x8x3x64x1024xf32, #tpu.memory_space<hbm>> -> memref<1x1x1x16x1024xf32, #tpu.memory_space<hbm>>
      %dma_start3A_439 = tpu.memref_squeeze %dma_start3A_438 : memref<1x1x1x16x1024xf32, #tpu.memory_space<hbm>> -> memref<16x1024xf32, #tpu.memory_space<hbm>>
      tpu.enqueue_dma source(%arg5 : memref<16x1024xf32, #tpu.memory_space<vmem>>) target(%dma_start3A_439 : memref<16x1024xf32, #tpu.memory_space<hbm>>) target_semaphore(%arg16 : memref<!tpu.dma_semaphore, #tpu.memory_space<semaphore_mem>>)
      %dma_start3A_440 = arith.constant 6 : i32
      %dma_start3A_441 = arith.constant 2 : i32
      %dma_start3A_442 = arith.constant 0 : i32
      %dma_start3A_443 = tpu.memref_slice %arg3[%select_n3A_79, %dma_start3A_440, %dma_start3A_441, %mul3A_108, %dma_start3A_442] : memref<50x8x3x64x1024xf32, #tpu.memory_space<hbm>> -> memref<1x1x1x16x1024xf32, #tpu.memory_space<hbm>>
      %dma_start3A_444 = tpu.memref_squeeze %dma_start3A_443 : memref<1x1x1x16x1024xf32, #tpu.memory_space<hbm>> -> memref<16x1024xf32, #tpu.memory_space<hbm>>
      %dma_start3A_445 = arith.constant 0 : i32
      %dma_start3A_446 = tpu.memref_slice %arg3[%select_n3A_79, %dma_start3A_440, %dma_start3A_441, %mul3A_108, %dma_start3A_445] : memref<50x8x3x64x1024xf32, #tpu.memory_space<hbm>> -> memref<1x1x1x16x1024xf32, #tpu.memory_space<hbm>>
      %dma_start3A_447 = tpu.memref_squeeze %dma_start3A_446 : memref<1x1x1x16x1024xf32, #tpu.memory_space<hbm>> -> memref<16x1024xf32, #tpu.memory_space<hbm>>
      tpu.enqueue_dma source(%arg6 : memref<16x1024xf32, #tpu.memory_space<vmem>>) target(%dma_start3A_447 : memref<16x1024xf32, #tpu.memory_space<hbm>>) target_semaphore(%arg13 : memref<!tpu.dma_semaphore, #tpu.memory_space<semaphore_mem>>)
      %dma_wait3A_448 = arith.constant 9 : i32
      %dma_wait3A_449 = arith.constant 0 : i32
      %dma_wait3A_450 = tpu.memref_slice %arg2[%select_n3A_79, %dma_wait3A_448, %mul3A_108, %dma_wait3A_449] : memref<50x10x64x1024xf32, #tpu.memory_space<hbm>> -> memref<1x1x16x1024xf32, #tpu.memory_space<hbm>>
      %dma_wait3A_451 = tpu.memref_squeeze %dma_wait3A_450 : memref<1x1x16x1024xf32, #tpu.memory_space<hbm>> -> memref<16x1024xf32, #tpu.memory_space<hbm>>
      %dma_wait3A_452 = arith.constant 0 : i32
      %dma_wait3A_453 = tpu.memref_slice %arg2[%select_n3A_79, %dma_wait3A_448, %mul3A_108, %dma_wait3A_452] : memref<50x10x64x1024xf32, #tpu.memory_space<hbm>> -> memref<1x1x16x1024xf32, #tpu.memory_space<hbm>>
      %dma_wait3A_454 = tpu.memref_squeeze %dma_wait3A_453 : memref<1x1x16x1024xf32, #tpu.memory_space<hbm>> -> memref<16x1024xf32, #tpu.memory_space<hbm>>
      tpu.wait_dma2 semaphore(%arg11 : memref<!tpu.dma_semaphore, #tpu.memory_space<semaphore_mem>>) src(%dma_wait3A_454 : memref<16x1024xf32, #tpu.memory_space<hbm>>) dst(%arg7 : memref<16x1024xf32, #tpu.memory_space<vmem>>)
      %dma_start3A_455 = arith.constant 7 : i32
      %dma_start3A_456 = arith.constant 0 : i32
      %dma_start3A_457 = arith.constant 0 : i32
      %dma_start3A_458 = tpu.memref_slice %arg3[%select_n3A_79, %dma_start3A_455, %dma_start3A_456, %mul3A_108, %dma_start3A_457] : memref<50x8x3x64x1024xf32, #tpu.memory_space<hbm>> -> memref<1x1x1x16x1024xf32, #tpu.memory_space<hbm>>
      %dma_start3A_459 = tpu.memref_squeeze %dma_start3A_458 : memref<1x1x1x16x1024xf32, #tpu.memory_space<hbm>> -> memref<16x1024xf32, #tpu.memory_space<hbm>>
      %dma_start3A_460 = arith.constant 0 : i32
      %dma_start3A_461 = tpu.memref_slice %arg3[%select_n3A_79, %dma_start3A_455, %dma_start3A_456, %mul3A_108, %dma_start3A_460] : memref<50x8x3x64x1024xf32, #tpu.memory_space<hbm>> -> memref<1x1x1x16x1024xf32, #tpu.memory_space<hbm>>
      %dma_start3A_462 = tpu.memref_squeeze %dma_start3A_461 : memref<1x1x1x16x1024xf32, #tpu.memory_space<hbm>> -> memref<16x1024xf32, #tpu.memory_space<hbm>>
      tpu.enqueue_dma source(%arg4 : memref<16x1024xf32, #tpu.memory_space<vmem>>) target(%dma_start3A_462 : memref<16x1024xf32, #tpu.memory_space<hbm>>) target_semaphore(%arg16 : memref<!tpu.dma_semaphore, #tpu.memory_space<semaphore_mem>>)
      %dma_start3A_463 = arith.constant 7 : i32
      %dma_start3A_464 = arith.constant 1 : i32
      %dma_start3A_465 = arith.constant 0 : i32
      %dma_start3A_466 = tpu.memref_slice %arg3[%select_n3A_79, %dma_start3A_463, %dma_start3A_464, %mul3A_108, %dma_start3A_465] : memref<50x8x3x64x1024xf32, #tpu.memory_space<hbm>> -> memref<1x1x1x16x1024xf32, #tpu.memory_space<hbm>>
      %dma_start3A_467 = tpu.memref_squeeze %dma_start3A_466 : memref<1x1x1x16x1024xf32, #tpu.memory_space<hbm>> -> memref<16x1024xf32, #tpu.memory_space<hbm>>
      %dma_start3A_468 = arith.constant 0 : i32
      %dma_start3A_469 = tpu.memref_slice %arg3[%select_n3A_79, %dma_start3A_463, %dma_start3A_464, %mul3A_108, %dma_start3A_468] : memref<50x8x3x64x1024xf32, #tpu.memory_space<hbm>> -> memref<1x1x1x16x1024xf32, #tpu.memory_space<hbm>>
      %dma_start3A_470 = tpu.memref_squeeze %dma_start3A_469 : memref<1x1x1x16x1024xf32, #tpu.memory_space<hbm>> -> memref<16x1024xf32, #tpu.memory_space<hbm>>
      tpu.enqueue_dma source(%arg5 : memref<16x1024xf32, #tpu.memory_space<vmem>>) target(%dma_start3A_470 : memref<16x1024xf32, #tpu.memory_space<hbm>>) target_semaphore(%arg16 : memref<!tpu.dma_semaphore, #tpu.memory_space<semaphore_mem>>)
      %dma_start3A_471 = arith.constant 7 : i32
      %dma_start3A_472 = arith.constant 2 : i32
      %dma_start3A_473 = arith.constant 0 : i32
      %dma_start3A_474 = tpu.memref_slice %arg3[%select_n3A_79, %dma_start3A_471, %dma_start3A_472, %mul3A_108, %dma_start3A_473] : memref<50x8x3x64x1024xf32, #tpu.memory_space<hbm>> -> memref<1x1x1x16x1024xf32, #tpu.memory_space<hbm>>
      %dma_start3A_475 = tpu.memref_squeeze %dma_start3A_474 : memref<1x1x1x16x1024xf32, #tpu.memory_space<hbm>> -> memref<16x1024xf32, #tpu.memory_space<hbm>>
      %dma_start3A_476 = arith.constant 0 : i32
      %dma_start3A_477 = tpu.memref_slice %arg3[%select_n3A_79, %dma_start3A_471, %dma_start3A_472, %mul3A_108, %dma_start3A_476] : memref<50x8x3x64x1024xf32, #tpu.memory_space<hbm>> -> memref<1x1x1x16x1024xf32, #tpu.memory_space<hbm>>
      %dma_start3A_478 = tpu.memref_squeeze %dma_start3A_477 : memref<1x1x1x16x1024xf32, #tpu.memory_space<hbm>> -> memref<16x1024xf32, #tpu.memory_space<hbm>>
      tpu.enqueue_dma source(%arg7 : memref<16x1024xf32, #tpu.memory_space<vmem>>) target(%dma_start3A_478 : memref<16x1024xf32, #tpu.memory_space<hbm>>) target_semaphore(%arg14 : memref<!tpu.dma_semaphore, #tpu.memory_space<semaphore_mem>>)
      %dma_wait3A_479 = arith.constant 5 : i32
      %dma_wait3A_480 = arith.constant 2 : i32
      %dma_wait3A_481 = arith.constant 0 : i32
      %dma_wait3A_482 = tpu.memref_slice %arg3[%select_n3A_79, %dma_wait3A_479, %dma_wait3A_480, %mul3A_108, %dma_wait3A_481] : memref<50x8x3x64x1024xf32, #tpu.memory_space<hbm>> -> memref<1x1x1x16x1024xf32, #tpu.memory_space<hbm>>
      %dma_wait3A_483 = tpu.memref_squeeze %dma_wait3A_482 : memref<1x1x1x16x1024xf32, #tpu.memory_space<hbm>> -> memref<16x1024xf32, #tpu.memory_space<hbm>>
      %dma_wait3A_484 = arith.constant 0 : i32
      %dma_wait3A_485 = tpu.memref_slice %arg3[%select_n3A_79, %dma_wait3A_479, %dma_wait3A_480, %mul3A_108, %dma_wait3A_484] : memref<50x8x3x64x1024xf32, #tpu.memory_space<hbm>> -> memref<1x1x1x16x1024xf32, #tpu.memory_space<hbm>>
      %dma_wait3A_486 = tpu.memref_squeeze %dma_wait3A_485 : memref<1x1x1x16x1024xf32, #tpu.memory_space<hbm>> -> memref<16x1024xf32, #tpu.memory_space<hbm>>
      tpu.wait_dma2 semaphore(%arg15 : memref<!tpu.dma_semaphore, #tpu.memory_space<semaphore_mem>>) src(%arg8 : memref<16x1024xf32, #tpu.memory_space<vmem>>) dst(%dma_wait3A_486 : memref<16x1024xf32, #tpu.memory_space<hbm>>)
      %dma_wait3A_487 = arith.constant 6 : i32
      %dma_wait3A_488 = arith.constant 2 : i32
      %dma_wait3A_489 = arith.constant 0 : i32
      %dma_wait3A_490 = tpu.memref_slice %arg3[%select_n3A_79, %dma_wait3A_487, %dma_wait3A_488, %mul3A_108, %dma_wait3A_489] : memref<50x8x3x64x1024xf32, #tpu.memory_space<hbm>> -> memref<1x1x1x16x1024xf32, #tpu.memory_space<hbm>>
      %dma_wait3A_491 = tpu.memref_squeeze %dma_wait3A_490 : memref<1x1x1x16x1024xf32, #tpu.memory_space<hbm>> -> memref<16x1024xf32, #tpu.memory_space<hbm>>
      %dma_wait3A_492 = arith.constant 0 : i32
      %dma_wait3A_493 = tpu.memref_slice %arg3[%select_n3A_79, %dma_wait3A_487, %dma_wait3A_488, %mul3A_108, %dma_wait3A_492] : memref<50x8x3x64x1024xf32, #tpu.memory_space<hbm>> -> memref<1x1x1x16x1024xf32, #tpu.memory_space<hbm>>
      %dma_wait3A_494 = tpu.memref_squeeze %dma_wait3A_493 : memref<1x1x1x16x1024xf32, #tpu.memory_space<hbm>> -> memref<16x1024xf32, #tpu.memory_space<hbm>>
      tpu.wait_dma2 semaphore(%arg13 : memref<!tpu.dma_semaphore, #tpu.memory_space<semaphore_mem>>) src(%arg6 : memref<16x1024xf32, #tpu.memory_space<vmem>>) dst(%dma_wait3A_494 : memref<16x1024xf32, #tpu.memory_space<hbm>>)
      %dma_wait3A_495 = arith.constant 7 : i32
      %dma_wait3A_496 = arith.constant 2 : i32
      %dma_wait3A_497 = arith.constant 0 : i32
      %dma_wait3A_498 = tpu.memref_slice %arg3[%select_n3A_79, %dma_wait3A_495, %dma_wait3A_496, %mul3A_108, %dma_wait3A_497] : memref<50x8x3x64x1024xf32, #tpu.memory_space<hbm>> -> memref<1x1x1x16x1024xf32, #tpu.memory_space<hbm>>
      %dma_wait3A_499 = tpu.memref_squeeze %dma_wait3A_498 : memref<1x1x1x16x1024xf32, #tpu.memory_space<hbm>> -> memref<16x1024xf32, #tpu.memory_space<hbm>>
      %dma_wait3A_500 = arith.constant 0 : i32
      %dma_wait3A_501 = tpu.memref_slice %arg3[%select_n3A_79, %dma_wait3A_495, %dma_wait3A_496, %mul3A_108, %dma_wait3A_500] : memref<50x8x3x64x1024xf32, #tpu.memory_space<hbm>> -> memref<1x1x1x16x1024xf32, #tpu.memory_space<hbm>>
      %dma_wait3A_502 = tpu.memref_squeeze %dma_wait3A_501 : memref<1x1x1x16x1024xf32, #tpu.memory_space<hbm>> -> memref<16x1024xf32, #tpu.memory_space<hbm>>
      tpu.wait_dma2 semaphore(%arg14 : memref<!tpu.dma_semaphore, #tpu.memory_space<semaphore_mem>>) src(%arg7 : memref<16x1024xf32, #tpu.memory_space<vmem>>) dst(%dma_wait3A_502 : memref<16x1024xf32, #tpu.memory_space<hbm>>)
      %dma_wait3A_503 = arith.constant 0 : i32
      %dma_wait3A_504 = arith.constant 0 : i32
      %dma_wait3A_505 = arith.constant 0 : i32
      %dma_wait3A_506 = tpu.memref_slice %arg3[%select_n3A_79, %dma_wait3A_503, %dma_wait3A_504, %mul3A_108, %dma_wait3A_505] : memref<50x8x3x64x1024xf32, #tpu.memory_space<hbm>> -> memref<1x1x1x16x1024xf32, #tpu.memory_space<hbm>>
      %dma_wait3A_507 = tpu.memref_squeeze %dma_wait3A_506 : memref<1x1x1x16x1024xf32, #tpu.memory_space<hbm>> -> memref<16x1024xf32, #tpu.memory_space<hbm>>
      %dma_wait3A_508 = arith.constant 0 : i32
      %dma_wait3A_509 = tpu.memref_slice %arg3[%select_n3A_79, %dma_wait3A_503, %dma_wait3A_504, %mul3A_108, %dma_wait3A_508] : memref<50x8x3x64x1024xf32, #tpu.memory_space<hbm>> -> memref<1x1x1x16x1024xf32, #tpu.memory_space<hbm>>
      %dma_wait3A_510 = tpu.memref_squeeze %dma_wait3A_509 : memref<1x1x1x16x1024xf32, #tpu.memory_space<hbm>> -> memref<16x1024xf32, #tpu.memory_space<hbm>>
      tpu.wait_dma2 semaphore(%arg16 : memref<!tpu.dma_semaphore, #tpu.memory_space<semaphore_mem>>) src(%arg4 : memref<16x1024xf32, #tpu.memory_space<vmem>>) dst(%dma_wait3A_510 : memref<16x1024xf32, #tpu.memory_space<hbm>>)
      %dma_wait3A_511 = arith.constant 0 : i32
      %dma_wait3A_512 = arith.constant 1 : i32
      %dma_wait3A_513 = arith.constant 0 : i32
      %dma_wait3A_514 = tpu.memref_slice %arg3[%select_n3A_79, %dma_wait3A_511, %dma_wait3A_512, %mul3A_108, %dma_wait3A_513] : memref<50x8x3x64x1024xf32, #tpu.memory_space<hbm>> -> memref<1x1x1x16x1024xf32, #tpu.memory_space<hbm>>
      %dma_wait3A_515 = tpu.memref_squeeze %dma_wait3A_514 : memref<1x1x1x16x1024xf32, #tpu.memory_space<hbm>> -> memref<16x1024xf32, #tpu.memory_space<hbm>>
      %dma_wait3A_516 = arith.constant 0 : i32
      %dma_wait3A_517 = tpu.memref_slice %arg3[%select_n3A_79, %dma_wait3A_511, %dma_wait3A_512, %mul3A_108, %dma_wait3A_516] : memref<50x8x3x64x1024xf32, #tpu.memory_space<hbm>> -> memref<1x1x1x16x1024xf32, #tpu.memory_space<hbm>>
      %dma_wait3A_518 = tpu.memref_squeeze %dma_wait3A_517 : memref<1x1x1x16x1024xf32, #tpu.memory_space<hbm>> -> memref<16x1024xf32, #tpu.memory_space<hbm>>
      tpu.wait_dma2 semaphore(%arg16 : memref<!tpu.dma_semaphore, #tpu.memory_space<semaphore_mem>>) src(%arg5 : memref<16x1024xf32, #tpu.memory_space<vmem>>) dst(%dma_wait3A_518 : memref<16x1024xf32, #tpu.memory_space<hbm>>)
      %dma_wait3A_519 = arith.constant 1 : i32
      %dma_wait3A_520 = arith.constant 0 : i32
      %dma_wait3A_521 = arith.constant 0 : i32
      %dma_wait3A_522 = tpu.memref_slice %arg3[%select_n3A_79, %dma_wait3A_519, %dma_wait3A_520, %mul3A_108, %dma_wait3A_521] : memref<50x8x3x64x1024xf32, #tpu.memory_space<hbm>> -> memref<1x1x1x16x1024xf32, #tpu.memory_space<hbm>>
      %dma_wait3A_523 = tpu.memref_squeeze %dma_wait3A_522 : memref<1x1x1x16x1024xf32, #tpu.memory_space<hbm>> -> memref<16x1024xf32, #tpu.memory_space<hbm>>
      %dma_wait3A_524 = arith.constant 0 : i32
      %dma_wait3A_525 = tpu.memref_slice %arg3[%select_n3A_79, %dma_wait3A_519, %dma_wait3A_520, %mul3A_108, %dma_wait3A_524] : memref<50x8x3x64x1024xf32, #tpu.memory_space<hbm>> -> memref<1x1x1x16x1024xf32, #tpu.memory_space<hbm>>
      %dma_wait3A_526 = tpu.memref_squeeze %dma_wait3A_525 : memref<1x1x1x16x1024xf32, #tpu.memory_space<hbm>> -> memref<16x1024xf32, #tpu.memory_space<hbm>>
      tpu.wait_dma2 semaphore(%arg16 : memref<!tpu.dma_semaphore, #tpu.memory_space<semaphore_mem>>) src(%arg4 : memref<16x1024xf32, #tpu.memory_space<vmem>>) dst(%dma_wait3A_526 : memref<16x1024xf32, #tpu.memory_space<hbm>>)
      %dma_wait3A_527 = arith.constant 1 : i32
      %dma_wait3A_528 = arith.constant 1 : i32
      %dma_wait3A_529 = arith.constant 0 : i32
      %dma_wait3A_530 = tpu.memref_slice %arg3[%select_n3A_79, %dma_wait3A_527, %dma_wait3A_528, %mul3A_108, %dma_wait3A_529] : memref<50x8x3x64x1024xf32, #tpu.memory_space<hbm>> -> memref<1x1x1x16x1024xf32, #tpu.memory_space<hbm>>
      %dma_wait3A_531 = tpu.memref_squeeze %dma_wait3A_530 : memref<1x1x1x16x1024xf32, #tpu.memory_space<hbm>> -> memref<16x1024xf32, #tpu.memory_space<hbm>>
      %dma_wait3A_532 = arith.constant 0 : i32
      %dma_wait3A_533 = tpu.memref_slice %arg3[%select_n3A_79, %dma_wait3A_527, %dma_wait3A_528, %mul3A_108, %dma_wait3A_532] : memref<50x8x3x64x1024xf32, #tpu.memory_space<hbm>> -> memref<1x1x1x16x1024xf32, #tpu.memory_space<hbm>>
      %dma_wait3A_534 = tpu.memref_squeeze %dma_wait3A_533 : memref<1x1x1x16x1024xf32, #tpu.memory_space<hbm>> -> memref<16x1024xf32, #tpu.memory_space<hbm>>
      tpu.wait_dma2 semaphore(%arg16 : memref<!tpu.dma_semaphore, #tpu.memory_space<semaphore_mem>>) src(%arg5 : memref<16x1024xf32, #tpu.memory_space<vmem>>) dst(%dma_wait3A_534 : memref<16x1024xf32, #tpu.memory_space<hbm>>)
      %dma_wait3A_535 = arith.constant 2 : i32
      %dma_wait3A_536 = arith.constant 0 : i32
      %dma_wait3A_537 = arith.constant 0 : i32
      %dma_wait3A_538 = tpu.memref_slice %arg3[%select_n3A_79, %dma_wait3A_535, %dma_wait3A_536, %mul3A_108, %dma_wait3A_537] : memref<50x8x3x64x1024xf32, #tpu.memory_space<hbm>> -> memref<1x1x1x16x1024xf32, #tpu.memory_space<hbm>>
      %dma_wait3A_539 = tpu.memref_squeeze %dma_wait3A_538 : memref<1x1x1x16x1024xf32, #tpu.memory_space<hbm>> -> memref<16x1024xf32, #tpu.memory_space<hbm>>
      %dma_wait3A_540 = arith.constant 0 : i32
      %dma_wait3A_541 = tpu.memref_slice %arg3[%select_n3A_79, %dma_wait3A_535, %dma_wait3A_536, %mul3A_108, %dma_wait3A_540] : memref<50x8x3x64x1024xf32, #tpu.memory_space<hbm>> -> memref<1x1x1x16x1024xf32, #tpu.memory_space<hbm>>
      %dma_wait3A_542 = tpu.memref_squeeze %dma_wait3A_541 : memref<1x1x1x16x1024xf32, #tpu.memory_space<hbm>> -> memref<16x1024xf32, #tpu.memory_space<hbm>>
      tpu.wait_dma2 semaphore(%arg16 : memref<!tpu.dma_semaphore, #tpu.memory_space<semaphore_mem>>) src(%arg4 : memref<16x1024xf32, #tpu.memory_space<vmem>>) dst(%dma_wait3A_542 : memref<16x1024xf32, #tpu.memory_space<hbm>>)
      %dma_wait3A_543 = arith.constant 2 : i32
      %dma_wait3A_544 = arith.constant 1 : i32
      %dma_wait3A_545 = arith.constant 0 : i32
      %dma_wait3A_546 = tpu.memref_slice %arg3[%select_n3A_79, %dma_wait3A_543, %dma_wait3A_544, %mul3A_108, %dma_wait3A_545] : memref<50x8x3x64x1024xf32, #tpu.memory_space<hbm>> -> memref<1x1x1x16x1024xf32, #tpu.memory_space<hbm>>
      %dma_wait3A_547 = tpu.memref_squeeze %dma_wait3A_546 : memref<1x1x1x16x1024xf32, #tpu.memory_space<hbm>> -> memref<16x1024xf32, #tpu.memory_space<hbm>>
      %dma_wait3A_548 = arith.constant 0 : i32
      %dma_wait3A_549 = tpu.memref_slice %arg3[%select_n3A_79, %dma_wait3A_543, %dma_wait3A_544, %mul3A_108, %dma_wait3A_548] : memref<50x8x3x64x1024xf32, #tpu.memory_space<hbm>> -> memref<1x1x1x16x1024xf32, #tpu.memory_space<hbm>>
      %dma_wait3A_550 = tpu.memref_squeeze %dma_wait3A_549 : memref<1x1x1x16x1024xf32, #tpu.memory_space<hbm>> -> memref<16x1024xf32, #tpu.memory_space<hbm>>
      tpu.wait_dma2 semaphore(%arg16 : memref<!tpu.dma_semaphore, #tpu.memory_space<semaphore_mem>>) src(%arg5 : memref<16x1024xf32, #tpu.memory_space<vmem>>) dst(%dma_wait3A_550 : memref<16x1024xf32, #tpu.memory_space<hbm>>)
      %dma_wait3A_551 = arith.constant 3 : i32
      %dma_wait3A_552 = arith.constant 0 : i32
      %dma_wait3A_553 = arith.constant 0 : i32
      %dma_wait3A_554 = tpu.memref_slice %arg3[%select_n3A_79, %dma_wait3A_551, %dma_wait3A_552, %mul3A_108, %dma_wait3A_553] : memref<50x8x3x64x1024xf32, #tpu.memory_space<hbm>> -> memref<1x1x1x16x1024xf32, #tpu.memory_space<hbm>>
      %dma_wait3A_555 = tpu.memref_squeeze %dma_wait3A_554 : memref<1x1x1x16x1024xf32, #tpu.memory_space<hbm>> -> memref<16x1024xf32, #tpu.memory_space<hbm>>
      %dma_wait3A_556 = arith.constant 0 : i32
      %dma_wait3A_557 = tpu.memref_slice %arg3[%select_n3A_79, %dma_wait3A_551, %dma_wait3A_552, %mul3A_108, %dma_wait3A_556] : memref<50x8x3x64x1024xf32, #tpu.memory_space<hbm>> -> memref<1x1x1x16x1024xf32, #tpu.memory_space<hbm>>
      %dma_wait3A_558 = tpu.memref_squeeze %dma_wait3A_557 : memref<1x1x1x16x1024xf32, #tpu.memory_space<hbm>> -> memref<16x1024xf32, #tpu.memory_space<hbm>>
      tpu.wait_dma2 semaphore(%arg16 : memref<!tpu.dma_semaphore, #tpu.memory_space<semaphore_mem>>) src(%arg4 : memref<16x1024xf32, #tpu.memory_space<vmem>>) dst(%dma_wait3A_558 : memref<16x1024xf32, #tpu.memory_space<hbm>>)
      %dma_wait3A_559 = arith.constant 3 : i32
      %dma_wait3A_560 = arith.constant 1 : i32
      %dma_wait3A_561 = arith.constant 0 : i32
      %dma_wait3A_562 = tpu.memref_slice %arg3[%select_n3A_79, %dma_wait3A_559, %dma_wait3A_560, %mul3A_108, %dma_wait3A_561] : memref<50x8x3x64x1024xf32, #tpu.memory_space<hbm>> -> memref<1x1x1x16x1024xf32, #tpu.memory_space<hbm>>
      %dma_wait3A_563 = tpu.memref_squeeze %dma_wait3A_562 : memref<1x1x1x16x1024xf32, #tpu.memory_space<hbm>> -> memref<16x1024xf32, #tpu.memory_space<hbm>>
      %dma_wait3A_564 = arith.constant 0 : i32
      %dma_wait3A_565 = tpu.memref_slice %arg3[%select_n3A_79, %dma_wait3A_559, %dma_wait3A_560, %mul3A_108, %dma_wait3A_564] : memref<50x8x3x64x1024xf32, #tpu.memory_space<hbm>> -> memref<1x1x1x16x1024xf32, #tpu.memory_space<hbm>>
      %dma_wait3A_566 = tpu.memref_squeeze %dma_wait3A_565 : memref<1x1x1x16x1024xf32, #tpu.memory_space<hbm>> -> memref<16x1024xf32, #tpu.memory_space<hbm>>
      tpu.wait_dma2 semaphore(%arg16 : memref<!tpu.dma_semaphore, #tpu.memory_space<semaphore_mem>>) src(%arg5 : memref<16x1024xf32, #tpu.memory_space<vmem>>) dst(%dma_wait3A_566 : memref<16x1024xf32, #tpu.memory_space<hbm>>)
      %dma_wait3A_567 = arith.constant 4 : i32
      %dma_wait3A_568 = arith.constant 0 : i32
      %dma_wait3A_569 = arith.constant 0 : i32
      %dma_wait3A_570 = tpu.memref_slice %arg3[%select_n3A_79, %dma_wait3A_567, %dma_wait3A_568, %mul3A_108, %dma_wait3A_569] : memref<50x8x3x64x1024xf32, #tpu.memory_space<hbm>> -> memref<1x1x1x16x1024xf32, #tpu.memory_space<hbm>>
      %dma_wait3A_571 = tpu.memref_squeeze %dma_wait3A_570 : memref<1x1x1x16x1024xf32, #tpu.memory_space<hbm>> -> memref<16x1024xf32, #tpu.memory_space<hbm>>
      %dma_wait3A_572 = arith.constant 0 : i32
      %dma_wait3A_573 = tpu.memref_slice %arg3[%select_n3A_79, %dma_wait3A_567, %dma_wait3A_568, %mul3A_108, %dma_wait3A_572] : memref<50x8x3x64x1024xf32, #tpu.memory_space<hbm>> -> memref<1x1x1x16x1024xf32, #tpu.memory_space<hbm>>
      %dma_wait3A_574 = tpu.memref_squeeze %dma_wait3A_573 : memref<1x1x1x16x1024xf32, #tpu.memory_space<hbm>> -> memref<16x1024xf32, #tpu.memory_space<hbm>>
      tpu.wait_dma2 semaphore(%arg16 : memref<!tpu.dma_semaphore, #tpu.memory_space<semaphore_mem>>) src(%arg4 : memref<16x1024xf32, #tpu.memory_space<vmem>>) dst(%dma_wait3A_574 : memref<16x1024xf32, #tpu.memory_space<hbm>>)
      %dma_wait3A_575 = arith.constant 4 : i32
      %dma_wait3A_576 = arith.constant 1 : i32
      %dma_wait3A_577 = arith.constant 0 : i32
      %dma_wait3A_578 = tpu.memref_slice %arg3[%select_n3A_79, %dma_wait3A_575, %dma_wait3A_576, %mul3A_108, %dma_wait3A_577] : memref<50x8x3x64x1024xf32, #tpu.memory_space<hbm>> -> memref<1x1x1x16x1024xf32, #tpu.memory_space<hbm>>
      %dma_wait3A_579 = tpu.memref_squeeze %dma_wait3A_578 : memref<1x1x1x16x1024xf32, #tpu.memory_space<hbm>> -> memref<16x1024xf32, #tpu.memory_space<hbm>>
      %dma_wait3A_580 = arith.constant 0 : i32
      %dma_wait3A_581 = tpu.memref_slice %arg3[%select_n3A_79, %dma_wait3A_575, %dma_wait3A_576, %mul3A_108, %dma_wait3A_580] : memref<50x8x3x64x1024xf32, #tpu.memory_space<hbm>> -> memref<1x1x1x16x1024xf32, #tpu.memory_space<hbm>>
      %dma_wait3A_582 = tpu.memref_squeeze %dma_wait3A_581 : memref<1x1x1x16x1024xf32, #tpu.memory_space<hbm>> -> memref<16x1024xf32, #tpu.memory_space<hbm>>
      tpu.wait_dma2 semaphore(%arg16 : memref<!tpu.dma_semaphore, #tpu.memory_space<semaphore_mem>>) src(%arg5 : memref<16x1024xf32, #tpu.memory_space<vmem>>) dst(%dma_wait3A_582 : memref<16x1024xf32, #tpu.memory_space<hbm>>)
      %dma_wait3A_583 = arith.constant 5 : i32
      %dma_wait3A_584 = arith.constant 0 : i32
      %dma_wait3A_585 = arith.constant 0 : i32
      %dma_wait3A_586 = tpu.memref_slice %arg3[%select_n3A_79, %dma_wait3A_583, %dma_wait3A_584, %mul3A_108, %dma_wait3A_585] : memref<50x8x3x64x1024xf32, #tpu.memory_space<hbm>> -> memref<1x1x1x16x1024xf32, #tpu.memory_space<hbm>>
      %dma_wait3A_587 = tpu.memref_squeeze %dma_wait3A_586 : memref<1x1x1x16x1024xf32, #tpu.memory_space<hbm>> -> memref<16x1024xf32, #tpu.memory_space<hbm>>
      %dma_wait3A_588 = arith.constant 0 : i32
      %dma_wait3A_589 = tpu.memref_slice %arg3[%select_n3A_79, %dma_wait3A_583, %dma_wait3A_584, %mul3A_108, %dma_wait3A_588] : memref<50x8x3x64x1024xf32, #tpu.memory_space<hbm>> -> memref<1x1x1x16x1024xf32, #tpu.memory_space<hbm>>
      %dma_wait3A_590 = tpu.memref_squeeze %dma_wait3A_589 : memref<1x1x1x16x1024xf32, #tpu.memory_space<hbm>> -> memref<16x1024xf32, #tpu.memory_space<hbm>>
      tpu.wait_dma2 semaphore(%arg16 : memref<!tpu.dma_semaphore, #tpu.memory_space<semaphore_mem>>) src(%arg4 : memref<16x1024xf32, #tpu.memory_space<vmem>>) dst(%dma_wait3A_590 : memref<16x1024xf32, #tpu.memory_space<hbm>>)
      %dma_wait3A_591 = arith.constant 5 : i32
      %dma_wait3A_592 = arith.constant 1 : i32
      %dma_wait3A_593 = arith.constant 0 : i32
      %dma_wait3A_594 = tpu.memref_slice %arg3[%select_n3A_79, %dma_wait3A_591, %dma_wait3A_592, %mul3A_108, %dma_wait3A_593] : memref<50x8x3x64x1024xf32, #tpu.memory_space<hbm>> -> memref<1x1x1x16x1024xf32, #tpu.memory_space<hbm>>
      %dma_wait3A_595 = tpu.memref_squeeze %dma_wait3A_594 : memref<1x1x1x16x1024xf32, #tpu.memory_space<hbm>> -> memref<16x1024xf32, #tpu.memory_space<hbm>>
      %dma_wait3A_596 = arith.constant 0 : i32
      %dma_wait3A_597 = tpu.memref_slice %arg3[%select_n3A_79, %dma_wait3A_591, %dma_wait3A_592, %mul3A_108, %dma_wait3A_596] : memref<50x8x3x64x1024xf32, #tpu.memory_space<hbm>> -> memref<1x1x1x16x1024xf32, #tpu.memory_space<hbm>>
      %dma_wait3A_598 = tpu.memref_squeeze %dma_wait3A_597 : memref<1x1x1x16x1024xf32, #tpu.memory_space<hbm>> -> memref<16x1024xf32, #tpu.memory_space<hbm>>
      tpu.wait_dma2 semaphore(%arg16 : memref<!tpu.dma_semaphore, #tpu.memory_space<semaphore_mem>>) src(%arg5 : memref<16x1024xf32, #tpu.memory_space<vmem>>) dst(%dma_wait3A_598 : memref<16x1024xf32, #tpu.memory_space<hbm>>)
      %dma_wait3A_599 = arith.constant 6 : i32
      %dma_wait3A_600 = arith.constant 0 : i32
      %dma_wait3A_601 = arith.constant 0 : i32
      %dma_wait3A_602 = tpu.memref_slice %arg3[%select_n3A_79, %dma_wait3A_599, %dma_wait3A_600, %mul3A_108, %dma_wait3A_601] : memref<50x8x3x64x1024xf32, #tpu.memory_space<hbm>> -> memref<1x1x1x16x1024xf32, #tpu.memory_space<hbm>>
      %dma_wait3A_603 = tpu.memref_squeeze %dma_wait3A_602 : memref<1x1x1x16x1024xf32, #tpu.memory_space<hbm>> -> memref<16x1024xf32, #tpu.memory_space<hbm>>
      %dma_wait3A_604 = arith.constant 0 : i32
      %dma_wait3A_605 = tpu.memref_slice %arg3[%select_n3A_79, %dma_wait3A_599, %dma_wait3A_600, %mul3A_108, %dma_wait3A_604] : memref<50x8x3x64x1024xf32, #tpu.memory_space<hbm>> -> memref<1x1x1x16x1024xf32, #tpu.memory_space<hbm>>
      %dma_wait3A_606 = tpu.memref_squeeze %dma_wait3A_605 : memref<1x1x1x16x1024xf32, #tpu.memory_space<hbm>> -> memref<16x1024xf32, #tpu.memory_space<hbm>>
      tpu.wait_dma2 semaphore(%arg16 : memref<!tpu.dma_semaphore, #tpu.memory_space<semaphore_mem>>) src(%arg4 : memref<16x1024xf32, #tpu.memory_space<vmem>>) dst(%dma_wait3A_606 : memref<16x1024xf32, #tpu.memory_space<hbm>>)
      %dma_wait3A_607 = arith.constant 6 : i32
      %dma_wait3A_608 = arith.constant 1 : i32
      %dma_wait3A_609 = arith.constant 0 : i32
      %dma_wait3A_610 = tpu.memref_slice %arg3[%select_n3A_79, %dma_wait3A_607, %dma_wait3A_608, %mul3A_108, %dma_wait3A_609] : memref<50x8x3x64x1024xf32, #tpu.memory_space<hbm>> -> memref<1x1x1x16x1024xf32, #tpu.memory_space<hbm>>
      %dma_wait3A_611 = tpu.memref_squeeze %dma_wait3A_610 : memref<1x1x1x16x1024xf32, #tpu.memory_space<hbm>> -> memref<16x1024xf32, #tpu.memory_space<hbm>>
      %dma_wait3A_612 = arith.constant 0 : i32
      %dma_wait3A_613 = tpu.memref_slice %arg3[%select_n3A_79, %dma_wait3A_607, %dma_wait3A_608, %mul3A_108, %dma_wait3A_612] : memref<50x8x3x64x1024xf32, #tpu.memory_space<hbm>> -> memref<1x1x1x16x1024xf32, #tpu.memory_space<hbm>>
      %dma_wait3A_614 = tpu.memref_squeeze %dma_wait3A_613 : memref<1x1x1x16x1024xf32, #tpu.memory_space<hbm>> -> memref<16x1024xf32, #tpu.memory_space<hbm>>
      tpu.wait_dma2 semaphore(%arg16 : memref<!tpu.dma_semaphore, #tpu.memory_space<semaphore_mem>>) src(%arg5 : memref<16x1024xf32, #tpu.memory_space<vmem>>) dst(%dma_wait3A_614 : memref<16x1024xf32, #tpu.memory_space<hbm>>)
      %dma_wait3A_615 = arith.constant 7 : i32
      %dma_wait3A_616 = arith.constant 0 : i32
      %dma_wait3A_617 = arith.constant 0 : i32
      %dma_wait3A_618 = tpu.memref_slice %arg3[%select_n3A_79, %dma_wait3A_615, %dma_wait3A_616, %mul3A_108, %dma_wait3A_617] : memref<50x8x3x64x1024xf32, #tpu.memory_space<hbm>> -> memref<1x1x1x16x1024xf32, #tpu.memory_space<hbm>>
      %dma_wait3A_619 = tpu.memref_squeeze %dma_wait3A_618 : memref<1x1x1x16x1024xf32, #tpu.memory_space<hbm>> -> memref<16x1024xf32, #tpu.memory_space<hbm>>
      %dma_wait3A_620 = arith.constant 0 : i32
      %dma_wait3A_621 = tpu.memref_slice %arg3[%select_n3A_79, %dma_wait3A_615, %dma_wait3A_616, %mul3A_108, %dma_wait3A_620] : memref<50x8x3x64x1024xf32, #tpu.memory_space<hbm>> -> memref<1x1x1x16x1024xf32, #tpu.memory_space<hbm>>
      %dma_wait3A_622 = tpu.memref_squeeze %dma_wait3A_621 : memref<1x1x1x16x1024xf32, #tpu.memory_space<hbm>> -> memref<16x1024xf32, #tpu.memory_space<hbm>>
      tpu.wait_dma2 semaphore(%arg16 : memref<!tpu.dma_semaphore, #tpu.memory_space<semaphore_mem>>) src(%arg4 : memref<16x1024xf32, #tpu.memory_space<vmem>>) dst(%dma_wait3A_622 : memref<16x1024xf32, #tpu.memory_space<hbm>>)
      %dma_wait3A_623 = arith.constant 7 : i32
      %dma_wait3A_624 = arith.constant 1 : i32
      %dma_wait3A_625 = arith.constant 0 : i32
      %dma_wait3A_626 = tpu.memref_slice %arg3[%select_n3A_79, %dma_wait3A_623, %dma_wait3A_624, %mul3A_108, %dma_wait3A_625] : memref<50x8x3x64x1024xf32, #tpu.memory_space<hbm>> -> memref<1x1x1x16x1024xf32, #tpu.memory_space<hbm>>
      %dma_wait3A_627 = tpu.memref_squeeze %dma_wait3A_626 : memref<1x1x1x16x1024xf32, #tpu.memory_space<hbm>> -> memref<16x1024xf32, #tpu.memory_space<hbm>>
      %dma_wait3A_628 = arith.constant 0 : i32
      %dma_wait3A_629 = tpu.memref_slice %arg3[%select_n3A_79, %dma_wait3A_623, %dma_wait3A_624, %mul3A_108, %dma_wait3A_628] : memref<50x8x3x64x1024xf32, #tpu.memory_space<hbm>> -> memref<1x1x1x16x1024xf32, #tpu.memory_space<hbm>>
      %dma_wait3A_630 = tpu.memref_squeeze %dma_wait3A_629 : memref<1x1x1x16x1024xf32, #tpu.memory_space<hbm>> -> memref<16x1024xf32, #tpu.memory_space<hbm>>
      tpu.wait_dma2 semaphore(%arg16 : memref<!tpu.dma_semaphore, #tpu.memory_space<semaphore_mem>>) src(%arg5 : memref<16x1024xf32, #tpu.memory_space<vmem>>) dst(%dma_wait3A_630 : memref<16x1024xf32, #tpu.memory_space<hbm>>)
    }
    %while3A_54 = arith.constant 1 : i32
    scf.for %while3A_55 = %while3A_52 to %while3A_48 step %while3A_54  : i32 {
      %jit3A_56 = arith.constant 4 : i32
      %div3A_57 = arith.divsi %while3A_55, %jit3A_56 : i32
      %sign3A_58 = arith.constant 0 : i32
      %sign3A_59 = arith.cmpi sgt, %while3A_55, %sign3A_58 : i32
      %sign3A_60 = arith.extui %sign3A_59 : i1 to i32
      %sign3A_61 = arith.constant 0 : i32
      %sign3A_62 = arith.cmpi slt, %while3A_55, %sign3A_61 : i32
      %sign3A_63 = arith.extui %sign3A_62 : i1 to i32
      %sign3A_64 = arith.subi %sign3A_60, %sign3A_63 : i32
      %sign3A_65 = arith.constant 0 : i32
      %sign3A_66 = arith.cmpi sgt, %jit3A_56, %sign3A_65 : i32
      %sign3A_67 = arith.extui %sign3A_66 : i1 to i32
      %sign3A_68 = arith.constant 0 : i32
      %sign3A_69 = arith.cmpi slt, %jit3A_56, %sign3A_68 : i32
      %sign3A_70 = arith.extui %sign3A_69 : i1 to i32
      %sign3A_71 = arith.subi %sign3A_67, %sign3A_70 : i32
      %ne3A_72 = arith.cmpi ne, %sign3A_64, %sign3A_71 : i32
      %rem3A_73 = arith.remsi %while3A_55, %jit3A_56 : i32
      %ne3A_74 = arith.constant 0 : i32
      %ne3A_75 = arith.cmpi ne, %rem3A_73, %ne3A_74 : i32
      %and3A_76 = arith.andi %ne3A_72, %ne3A_75 : i1
      %sub3A_77 = arith.constant 1 : i32
      %sub3A_78 = arith.subi %div3A_57, %sub3A_77 : i32
      %select_n3A_79 = arith.select %and3A_76, %sub3A_78, %div3A_57 : i32
      %jit3A_80 = arith.constant 4 : i32
      %div3A_81 = arith.divsi %while3A_55, %jit3A_80 : i32
      %sign3A_82 = arith.constant 0 : i32
      %sign3A_83 = arith.cmpi sgt, %while3A_55, %sign3A_82 : i32
      %sign3A_84 = arith.extui %sign3A_83 : i1 to i32
      %sign3A_85 = arith.constant 0 : i32
      %sign3A_86 = arith.cmpi slt, %while3A_55, %sign3A_85 : i32
      %sign3A_87 = arith.extui %sign3A_86 : i1 to i32
      %sign3A_88 = arith.subi %sign3A_84, %sign3A_87 : i32
      %sign3A_89 = arith.constant 0 : i32
      %sign3A_90 = arith.cmpi sgt, %jit3A_80, %sign3A_89 : i32
      %sign3A_91 = arith.extui %sign3A_90 : i1 to i32
      %sign3A_92 = arith.constant 0 : i32
      %sign3A_93 = arith.cmpi slt, %jit3A_80, %sign3A_92 : i32
      %sign3A_94 = arith.extui %sign3A_93 : i1 to i32
      %sign3A_95 = arith.subi %sign3A_91, %sign3A_94 : i32
      %ne3A_96 = arith.cmpi ne, %sign3A_88, %sign3A_95 : i32
      %rem3A_97 = arith.remsi %while3A_55, %jit3A_80 : i32
      %ne3A_98 = arith.constant 0 : i32
      %ne3A_99 = arith.cmpi ne, %rem3A_97, %ne3A_98 : i32
      %and3A_100 = arith.andi %ne3A_96, %ne3A_99 : i1
      %sub3A_101 = arith.constant 1 : i32
      %sub3A_102 = arith.subi %div3A_81, %sub3A_101 : i32
      %select_n3A_103 = arith.select %and3A_100, %sub3A_102, %div3A_81 : i32
      %mul3A_104 = arith.constant 4 : i32
      %mul3A_105 = arith.muli %select_n3A_103, %mul3A_104 : i32
      %sub3A_106 = arith.subi %while3A_55, %mul3A_105 : i32
      %mul3A_107 = arith.constant 16 : i32
      %mul3A_108 = arith.muli %sub3A_106, %mul3A_107 : i32
      %dma_start3A = arith.constant 0 : i32
      %dma_start3A_109 = arith.constant 0 : i32
      %dma_start3A_110 = tpu.memref_slice %arg2[%select_n3A_79, %dma_start3A, %mul3A_108, %dma_start3A_109] : memref<50x10x64x1024xf32, #tpu.memory_space<hbm>> -> memref<1x1x16x1024xf32, #tpu.memory_space<hbm>>
      %dma_start3A_111 = tpu.memref_squeeze %dma_start3A_110 : memref<1x1x16x1024xf32, #tpu.memory_space<hbm>> -> memref<16x1024xf32, #tpu.memory_space<hbm>>
      %dma_start3A_112 = arith.constant 0 : i32
      %dma_start3A_113 = tpu.memref_slice %arg2[%select_n3A_79, %dma_start3A, %mul3A_108, %dma_start3A_112] : memref<50x10x64x1024xf32, #tpu.memory_space<hbm>> -> memref<1x1x16x1024xf32, #tpu.memory_space<hbm>>
      %dma_start3A_114 = tpu.memref_squeeze %dma_start3A_113 : memref<1x1x16x1024xf32, #tpu.memory_space<hbm>> -> memref<16x1024xf32, #tpu.memory_space<hbm>>
      tpu.enqueue_dma source(%dma_start3A_114 : memref<16x1024xf32, #tpu.memory_space<hbm>>) target(%arg4 : memref<16x1024xf32, #tpu.memory_space<vmem>>) target_semaphore(%arg9 : memref<!tpu.dma_semaphore, #tpu.memory_space<semaphore_mem>>)
      %dma_start3A_115 = arith.constant 1 : i32
      %dma_start3A_116 = arith.constant 0 : i32
      %dma_start3A_117 = tpu.memref_slice %arg2[%select_n3A_79, %dma_start3A_115, %mul3A_108, %dma_start3A_116] : memref<50x10x64x1024xf32, #tpu.memory_space<hbm>> -> memref<1x1x16x1024xf32, #tpu.memory_space<hbm>>
      %dma_start3A_118 = tpu.memref_squeeze %dma_start3A_117 : memref<1x1x16x1024xf32, #tpu.memory_space<hbm>> -> memref<16x1024xf32, #tpu.memory_space<hbm>>
      %dma_start3A_119 = arith.constant 0 : i32
      %dma_start3A_120 = tpu.memref_slice %arg2[%select_n3A_79, %dma_start3A_115, %mul3A_108, %dma_start3A_119] : memref<50x10x64x1024xf32, #tpu.memory_space<hbm>> -> memref<1x1x16x1024xf32, #tpu.memory_space<hbm>>
      %dma_start3A_121 = tpu.memref_squeeze %dma_start3A_120 : memref<1x1x16x1024xf32, #tpu.memory_space<hbm>> -> memref<16x1024xf32, #tpu.memory_space<hbm>>
      tpu.enqueue_dma source(%dma_start3A_121 : memref<16x1024xf32, #tpu.memory_space<hbm>>) target(%arg5 : memref<16x1024xf32, #tpu.memory_space<vmem>>) target_semaphore(%arg9 : memref<!tpu.dma_semaphore, #tpu.memory_space<semaphore_mem>>)
      %dma_wait3A = arith.constant 0 : i32
      %dma_wait3A_122 = arith.constant 0 : i32
      %dma_wait3A_123 = tpu.memref_slice %arg2[%select_n3A_79, %dma_wait3A, %mul3A_108, %dma_wait3A_122] : memref<50x10x64x1024xf32, #tpu.memory_space<hbm>> -> memref<1x1x16x1024xf32, #tpu.memory_space<hbm>>
      %dma_wait3A_124 = tpu.memref_squeeze %dma_wait3A_123 : memref<1x1x16x1024xf32, #tpu.memory_space<hbm>> -> memref<16x1024xf32, #tpu.memory_space<hbm>>
      %dma_wait3A_125 = arith.constant 0 : i32
      %dma_wait3A_126 = tpu.memref_slice %arg2[%select_n3A_79, %dma_wait3A, %mul3A_108, %dma_wait3A_125] : memref<50x10x64x1024xf32, #tpu.memory_space<hbm>> -> memref<1x1x16x1024xf32, #tpu.memory_space<hbm>>
      %dma_wait3A_127 = tpu.memref_squeeze %dma_wait3A_126 : memref<1x1x16x1024xf32, #tpu.memory_space<hbm>> -> memref<16x1024xf32, #tpu.memory_space<hbm>>
      tpu.wait_dma2 semaphore(%arg9 : memref<!tpu.dma_semaphore, #tpu.memory_space<semaphore_mem>>) src(%dma_wait3A_127 : memref<16x1024xf32, #tpu.memory_space<hbm>>) dst(%arg4 : memref<16x1024xf32, #tpu.memory_space<vmem>>)
      %dma_wait3A_128 = arith.constant 1 : i32
      %dma_wait3A_129 = arith.constant 0 : i32
      %dma_wait3A_130 = tpu.memref_slice %arg2[%select_n3A_79, %dma_wait3A_128, %mul3A_108, %dma_wait3A_129] : memref<50x10x64x1024xf32, #tpu.memory_space<hbm>> -> memref<1x1x16x1024xf32, #tpu.memory_space<hbm>>
      %dma_wait3A_131 = tpu.memref_squeeze %dma_wait3A_130 : memref<1x1x16x1024xf32, #tpu.memory_space<hbm>> -> memref<16x1024xf32, #tpu.memory_space<hbm>>
      %dma_wait3A_132 = arith.constant 0 : i32
      %dma_wait3A_133 = tpu.memref_slice %arg2[%select_n3A_79, %dma_wait3A_128, %mul3A_108, %dma_wait3A_132] : memref<50x10x64x1024xf32, #tpu.memory_space<hbm>> -> memref<1x1x16x1024xf32, #tpu.memory_space<hbm>>
      %dma_wait3A_134 = tpu.memref_squeeze %dma_wait3A_133 : memref<1x1x16x1024xf32, #tpu.memory_space<hbm>> -> memref<16x1024xf32, #tpu.memory_space<hbm>>
      tpu.wait_dma2 semaphore(%arg9 : memref<!tpu.dma_semaphore, #tpu.memory_space<semaphore_mem>>) src(%dma_wait3A_134 : memref<16x1024xf32, #tpu.memory_space<hbm>>) dst(%arg5 : memref<16x1024xf32, #tpu.memory_space<vmem>>)
      %dma_start3A_135 = arith.constant 2 : i32
      %dma_start3A_136 = arith.constant 0 : i32
      %dma_start3A_137 = tpu.memref_slice %arg2[%select_n3A_79, %dma_start3A_135, %mul3A_108, %dma_start3A_136] : memref<50x10x64x1024xf32, #tpu.memory_space<hbm>> -> memref<1x1x16x1024xf32, #tpu.memory_space<hbm>>
      %dma_start3A_138 = tpu.memref_squeeze %dma_start3A_137 : memref<1x1x16x1024xf32, #tpu.memory_space<hbm>> -> memref<16x1024xf32, #tpu.memory_space<hbm>>
      %dma_start3A_139 = arith.constant 0 : i32
      %dma_start3A_140 = tpu.memref_slice %arg2[%select_n3A_79, %dma_start3A_135, %mul3A_108, %dma_start3A_139] : memref<50x10x64x1024xf32, #tpu.memory_space<hbm>> -> memref<1x1x16x1024xf32, #tpu.memory_space<hbm>>
      %dma_start3A_141 = tpu.memref_squeeze %dma_start3A_140 : memref<1x1x16x1024xf32, #tpu.memory_space<hbm>> -> memref<16x1024xf32, #tpu.memory_space<hbm>>
      tpu.enqueue_dma source(%dma_start3A_141 : memref<16x1024xf32, #tpu.memory_space<hbm>>) target(%arg6 : memref<16x1024xf32, #tpu.memory_space<vmem>>) target_semaphore(%arg10 : memref<!tpu.dma_semaphore, #tpu.memory_space<semaphore_mem>>)
      %dma_start3A_142 = arith.constant 3 : i32
      %dma_start3A_143 = arith.constant 0 : i32
      %dma_start3A_144 = tpu.memref_slice %arg2[%select_n3A_79, %dma_start3A_142, %mul3A_108, %dma_start3A_143] : memref<50x10x64x1024xf32, #tpu.memory_space<hbm>> -> memref<1x1x16x1024xf32, #tpu.memory_space<hbm>>
      %dma_start3A_145 = tpu.memref_squeeze %dma_start3A_144 : memref<1x1x16x1024xf32, #tpu.memory_space<hbm>> -> memref<16x1024xf32, #tpu.memory_space<hbm>>
      %dma_start3A_146 = arith.constant 0 : i32
      %dma_start3A_147 = tpu.memref_slice %arg2[%select_n3A_79, %dma_start3A_142, %mul3A_108, %dma_start3A_146] : memref<50x10x64x1024xf32, #tpu.memory_space<hbm>> -> memref<1x1x16x1024xf32, #tpu.memory_space<hbm>>
      %dma_start3A_148 = tpu.memref_squeeze %dma_start3A_147 : memref<1x1x16x1024xf32, #tpu.memory_space<hbm>> -> memref<16x1024xf32, #tpu.memory_space<hbm>>
      tpu.enqueue_dma source(%dma_start3A_148 : memref<16x1024xf32, #tpu.memory_space<hbm>>) target(%arg7 : memref<16x1024xf32, #tpu.memory_space<vmem>>) target_semaphore(%arg11 : memref<!tpu.dma_semaphore, #tpu.memory_space<semaphore_mem>>)
      %dma_wait3A_149 = arith.constant 2 : i32
      %dma_wait3A_150 = arith.constant 0 : i32
      %dma_wait3A_151 = tpu.memref_slice %arg2[%select_n3A_79, %dma_wait3A_149, %mul3A_108, %dma_wait3A_150] : memref<50x10x64x1024xf32, #tpu.memory_space<hbm>> -> memref<1x1x16x1024xf32, #tpu.memory_space<hbm>>
      %dma_wait3A_152 = tpu.memref_squeeze %dma_wait3A_151 : memref<1x1x16x1024xf32, #tpu.memory_space<hbm>> -> memref<16x1024xf32, #tpu.memory_space<hbm>>
      %dma_wait3A_153 = arith.constant 0 : i32
      %dma_wait3A_154 = tpu.memref_slice %arg2[%select_n3A_79, %dma_wait3A_149, %mul3A_108, %dma_wait3A_153] : memref<50x10x64x1024xf32, #tpu.memory_space<hbm>> -> memref<1x1x16x1024xf32, #tpu.memory_space<hbm>>
      %dma_wait3A_155 = tpu.memref_squeeze %dma_wait3A_154 : memref<1x1x16x1024xf32, #tpu.memory_space<hbm>> -> memref<16x1024xf32, #tpu.memory_space<hbm>>
      tpu.wait_dma2 semaphore(%arg10 : memref<!tpu.dma_semaphore, #tpu.memory_space<semaphore_mem>>) src(%dma_wait3A_155 : memref<16x1024xf32, #tpu.memory_space<hbm>>) dst(%arg6 : memref<16x1024xf32, #tpu.memory_space<vmem>>)
      %dma_start3A_156 = arith.constant 4 : i32
      %dma_start3A_157 = arith.constant 0 : i32
      %dma_start3A_158 = tpu.memref_slice %arg2[%select_n3A_79, %dma_start3A_156, %mul3A_108, %dma_start3A_157] : memref<50x10x64x1024xf32, #tpu.memory_space<hbm>> -> memref<1x1x16x1024xf32, #tpu.memory_space<hbm>>
      %dma_start3A_159 = tpu.memref_squeeze %dma_start3A_158 : memref<1x1x16x1024xf32, #tpu.memory_space<hbm>> -> memref<16x1024xf32, #tpu.memory_space<hbm>>
      %dma_start3A_160 = arith.constant 0 : i32
      %dma_start3A_161 = tpu.memref_slice %arg2[%select_n3A_79, %dma_start3A_156, %mul3A_108, %dma_start3A_160] : memref<50x10x64x1024xf32, #tpu.memory_space<hbm>> -> memref<1x1x16x1024xf32, #tpu.memory_space<hbm>>
      %dma_start3A_162 = tpu.memref_squeeze %dma_start3A_161 : memref<1x1x16x1024xf32, #tpu.memory_space<hbm>> -> memref<16x1024xf32, #tpu.memory_space<hbm>>
      tpu.enqueue_dma source(%dma_start3A_162 : memref<16x1024xf32, #tpu.memory_space<hbm>>) target(%arg8 : memref<16x1024xf32, #tpu.memory_space<vmem>>) target_semaphore(%arg12 : memref<!tpu.dma_semaphore, #tpu.memory_space<semaphore_mem>>)
      %dma_start3A_163 = arith.constant 0 : i32
      %dma_start3A_164 = arith.constant 0 : i32
      %dma_start3A_165 = arith.constant 0 : i32
      %dma_start3A_166 = tpu.memref_slice %arg3[%select_n3A_79, %dma_start3A_163, %dma_start3A_164, %mul3A_108, %dma_start3A_165] : memref<50x8x3x64x1024xf32, #tpu.memory_space<hbm>> -> memref<1x1x1x16x1024xf32, #tpu.memory_space<hbm>>
      %dma_start3A_167 = tpu.memref_squeeze %dma_start3A_166 : memref<1x1x1x16x1024xf32, #tpu.memory_space<hbm>> -> memref<16x1024xf32, #tpu.memory_space<hbm>>
      %dma_start3A_168 = arith.constant 0 : i32
      %dma_start3A_169 = tpu.memref_slice %arg3[%select_n3A_79, %dma_start3A_163, %dma_start3A_164, %mul3A_108, %dma_start3A_168] : memref<50x8x3x64x1024xf32, #tpu.memory_space<hbm>> -> memref<1x1x1x16x1024xf32, #tpu.memory_space<hbm>>
      %dma_start3A_170 = tpu.memref_squeeze %dma_start3A_169 : memref<1x1x1x16x1024xf32, #tpu.memory_space<hbm>> -> memref<16x1024xf32, #tpu.memory_space<hbm>>
      tpu.enqueue_dma source(%arg4 : memref<16x1024xf32, #tpu.memory_space<vmem>>) target(%dma_start3A_170 : memref<16x1024xf32, #tpu.memory_space<hbm>>) target_semaphore(%arg16 : memref<!tpu.dma_semaphore, #tpu.memory_space<semaphore_mem>>)
      %dma_start3A_171 = arith.constant 0 : i32
      %dma_start3A_172 = arith.constant 1 : i32
      %dma_start3A_173 = arith.constant 0 : i32
      %dma_start3A_174 = tpu.memref_slice %arg3[%select_n3A_79, %dma_start3A_171, %dma_start3A_172, %mul3A_108, %dma_start3A_173] : memref<50x8x3x64x1024xf32, #tpu.memory_space<hbm>> -> memref<1x1x1x16x1024xf32, #tpu.memory_space<hbm>>
      %dma_start3A_175 = tpu.memref_squeeze %dma_start3A_174 : memref<1x1x1x16x1024xf32, #tpu.memory_space<hbm>> -> memref<16x1024xf32, #tpu.memory_space<hbm>>
      %dma_start3A_176 = arith.constant 0 : i32
      %dma_start3A_177 = tpu.memref_slice %arg3[%select_n3A_79, %dma_start3A_171, %dma_start3A_172, %mul3A_108, %dma_start3A_176] : memref<50x8x3x64x1024xf32, #tpu.memory_space<hbm>> -> memref<1x1x1x16x1024xf32, #tpu.memory_space<hbm>>
      %dma_start3A_178 = tpu.memref_squeeze %dma_start3A_177 : memref<1x1x1x16x1024xf32, #tpu.memory_space<hbm>> -> memref<16x1024xf32, #tpu.memory_space<hbm>>
      tpu.enqueue_dma source(%arg5 : memref<16x1024xf32, #tpu.memory_space<vmem>>) target(%dma_start3A_178 : memref<16x1024xf32, #tpu.memory_space<hbm>>) target_semaphore(%arg16 : memref<!tpu.dma_semaphore, #tpu.memory_space<semaphore_mem>>)
      %dma_start3A_179 = arith.constant 0 : i32
      %dma_start3A_180 = arith.constant 2 : i32
      %dma_start3A_181 = arith.constant 0 : i32
      %dma_start3A_182 = tpu.memref_slice %arg3[%select_n3A_79, %dma_start3A_179, %dma_start3A_180, %mul3A_108, %dma_start3A_181] : memref<50x8x3x64x1024xf32, #tpu.memory_space<hbm>> -> memref<1x1x1x16x1024xf32, #tpu.memory_space<hbm>>
      %dma_start3A_183 = tpu.memref_squeeze %dma_start3A_182 : memref<1x1x1x16x1024xf32, #tpu.memory_space<hbm>> -> memref<16x1024xf32, #tpu.memory_space<hbm>>
      %dma_start3A_184 = arith.constant 0 : i32
      %dma_start3A_185 = tpu.memref_slice %arg3[%select_n3A_79, %dma_start3A_179, %dma_start3A_180, %mul3A_108, %dma_start3A_184] : memref<50x8x3x64x1024xf32, #tpu.memory_space<hbm>> -> memref<1x1x1x16x1024xf32, #tpu.memory_space<hbm>>
      %dma_start3A_186 = tpu.memref_squeeze %dma_start3A_185 : memref<1x1x1x16x1024xf32, #tpu.memory_space<hbm>> -> memref<16x1024xf32, #tpu.memory_space<hbm>>
      tpu.enqueue_dma source(%arg6 : memref<16x1024xf32, #tpu.memory_space<vmem>>) target(%dma_start3A_186 : memref<16x1024xf32, #tpu.memory_space<hbm>>) target_semaphore(%arg13 : memref<!tpu.dma_semaphore, #tpu.memory_space<semaphore_mem>>)
      %dma_wait3A_187 = arith.constant 3 : i32
      %dma_wait3A_188 = arith.constant 0 : i32
      %dma_wait3A_189 = tpu.memref_slice %arg2[%select_n3A_79, %dma_wait3A_187, %mul3A_108, %dma_wait3A_188] : memref<50x10x64x1024xf32, #tpu.memory_space<hbm>> -> memref<1x1x16x1024xf32, #tpu.memory_space<hbm>>
      %dma_wait3A_190 = tpu.memref_squeeze %dma_wait3A_189 : memref<1x1x16x1024xf32, #tpu.memory_space<hbm>> -> memref<16x1024xf32, #tpu.memory_space<hbm>>
      %dma_wait3A_191 = arith.constant 0 : i32
      %dma_wait3A_192 = tpu.memref_slice %arg2[%select_n3A_79, %dma_wait3A_187, %mul3A_108, %dma_wait3A_191] : memref<50x10x64x1024xf32, #tpu.memory_space<hbm>> -> memref<1x1x16x1024xf32, #tpu.memory_space<hbm>>
      %dma_wait3A_193 = tpu.memref_squeeze %dma_wait3A_192 : memref<1x1x16x1024xf32, #tpu.memory_space<hbm>> -> memref<16x1024xf32, #tpu.memory_space<hbm>>
      tpu.wait_dma2 semaphore(%arg11 : memref<!tpu.dma_semaphore, #tpu.memory_space<semaphore_mem>>) src(%dma_wait3A_193 : memref<16x1024xf32, #tpu.memory_space<hbm>>) dst(%arg7 : memref<16x1024xf32, #tpu.memory_space<vmem>>)
      %dma_wait3A_194 = arith.constant 0 : i32
      %dma_wait3A_195 = arith.constant 2 : i32
      %dma_wait3A_196 = arith.constant 0 : i32
      %dma_wait3A_197 = tpu.memref_slice %arg3[%select_n3A_79, %dma_wait3A_194, %dma_wait3A_195, %mul3A_108, %dma_wait3A_196] : memref<50x8x3x64x1024xf32, #tpu.memory_space<hbm>> -> memref<1x1x1x16x1024xf32, #tpu.memory_space<hbm>>
      %dma_wait3A_198 = tpu.memref_squeeze %dma_wait3A_197 : memref<1x1x1x16x1024xf32, #tpu.memory_space<hbm>> -> memref<16x1024xf32, #tpu.memory_space<hbm>>
      %dma_wait3A_199 = arith.constant 0 : i32
      %dma_wait3A_200 = tpu.memref_slice %arg3[%select_n3A_79, %dma_wait3A_194, %dma_wait3A_195, %mul3A_108, %dma_wait3A_199] : memref<50x8x3x64x1024xf32, #tpu.memory_space<hbm>> -> memref<1x1x1x16x1024xf32, #tpu.memory_space<hbm>>
      %dma_wait3A_201 = tpu.memref_squeeze %dma_wait3A_200 : memref<1x1x1x16x1024xf32, #tpu.memory_space<hbm>> -> memref<16x1024xf32, #tpu.memory_space<hbm>>
      tpu.wait_dma2 semaphore(%arg13 : memref<!tpu.dma_semaphore, #tpu.memory_space<semaphore_mem>>) src(%arg6 : memref<16x1024xf32, #tpu.memory_space<vmem>>) dst(%dma_wait3A_201 : memref<16x1024xf32, #tpu.memory_space<hbm>>)
      %dma_start3A_202 = arith.constant 5 : i32
      %dma_start3A_203 = arith.constant 0 : i32
      %dma_start3A_204 = tpu.memref_slice %arg2[%select_n3A_79, %dma_start3A_202, %mul3A_108, %dma_start3A_203] : memref<50x10x64x1024xf32, #tpu.memory_space<hbm>> -> memref<1x1x16x1024xf32, #tpu.memory_space<hbm>>
      %dma_start3A_205 = tpu.memref_squeeze %dma_start3A_204 : memref<1x1x16x1024xf32, #tpu.memory_space<hbm>> -> memref<16x1024xf32, #tpu.memory_space<hbm>>
      %dma_start3A_206 = arith.constant 0 : i32
      %dma_start3A_207 = tpu.memref_slice %arg2[%select_n3A_79, %dma_start3A_202, %mul3A_108, %dma_start3A_206] : memref<50x10x64x1024xf32, #tpu.memory_space<hbm>> -> memref<1x1x16x1024xf32, #tpu.memory_space<hbm>>
      %dma_start3A_208 = tpu.memref_squeeze %dma_start3A_207 : memref<1x1x16x1024xf32, #tpu.memory_space<hbm>> -> memref<16x1024xf32, #tpu.memory_space<hbm>>
      tpu.enqueue_dma source(%dma_start3A_208 : memref<16x1024xf32, #tpu.memory_space<hbm>>) target(%arg6 : memref<16x1024xf32, #tpu.memory_space<vmem>>) target_semaphore(%arg10 : memref<!tpu.dma_semaphore, #tpu.memory_space<semaphore_mem>>)
      %dma_start3A_209 = arith.constant 1 : i32
      %dma_start3A_210 = arith.constant 0 : i32
      %dma_start3A_211 = arith.constant 0 : i32
      %dma_start3A_212 = tpu.memref_slice %arg3[%select_n3A_79, %dma_start3A_209, %dma_start3A_210, %mul3A_108, %dma_start3A_211] : memref<50x8x3x64x1024xf32, #tpu.memory_space<hbm>> -> memref<1x1x1x16x1024xf32, #tpu.memory_space<hbm>>
      %dma_start3A_213 = tpu.memref_squeeze %dma_start3A_212 : memref<1x1x1x16x1024xf32, #tpu.memory_space<hbm>> -> memref<16x1024xf32, #tpu.memory_space<hbm>>
      %dma_start3A_214 = arith.constant 0 : i32
      %dma_start3A_215 = tpu.memref_slice %arg3[%select_n3A_79, %dma_start3A_209, %dma_start3A_210, %mul3A_108, %dma_start3A_214] : memref<50x8x3x64x1024xf32, #tpu.memory_space<hbm>> -> memref<1x1x1x16x1024xf32, #tpu.memory_space<hbm>>
      %dma_start3A_216 = tpu.memref_squeeze %dma_start3A_215 : memref<1x1x1x16x1024xf32, #tpu.memory_space<hbm>> -> memref<16x1024xf32, #tpu.memory_space<hbm>>
      tpu.enqueue_dma source(%arg4 : memref<16x1024xf32, #tpu.memory_space<vmem>>) target(%dma_start3A_216 : memref<16x1024xf32, #tpu.memory_space<hbm>>) target_semaphore(%arg16 : memref<!tpu.dma_semaphore, #tpu.memory_space<semaphore_mem>>)
      %dma_start3A_217 = arith.constant 1 : i32
      %dma_start3A_218 = arith.constant 1 : i32
      %dma_start3A_219 = arith.constant 0 : i32
      %dma_start3A_220 = tpu.memref_slice %arg3[%select_n3A_79, %dma_start3A_217, %dma_start3A_218, %mul3A_108, %dma_start3A_219] : memref<50x8x3x64x1024xf32, #tpu.memory_space<hbm>> -> memref<1x1x1x16x1024xf32, #tpu.memory_space<hbm>>
      %dma_start3A_221 = tpu.memref_squeeze %dma_start3A_220 : memref<1x1x1x16x1024xf32, #tpu.memory_space<hbm>> -> memref<16x1024xf32, #tpu.memory_space<hbm>>
      %dma_start3A_222 = arith.constant 0 : i32
      %dma_start3A_223 = tpu.memref_slice %arg3[%select_n3A_79, %dma_start3A_217, %dma_start3A_218, %mul3A_108, %dma_start3A_222] : memref<50x8x3x64x1024xf32, #tpu.memory_space<hbm>> -> memref<1x1x1x16x1024xf32, #tpu.memory_space<hbm>>
      %dma_start3A_224 = tpu.memref_squeeze %dma_start3A_223 : memref<1x1x1x16x1024xf32, #tpu.memory_space<hbm>> -> memref<16x1024xf32, #tpu.memory_space<hbm>>
      tpu.enqueue_dma source(%arg5 : memref<16x1024xf32, #tpu.memory_space<vmem>>) target(%dma_start3A_224 : memref<16x1024xf32, #tpu.memory_space<hbm>>) target_semaphore(%arg16 : memref<!tpu.dma_semaphore, #tpu.memory_space<semaphore_mem>>)
      %dma_start3A_225 = arith.constant 1 : i32
      %dma_start3A_226 = arith.constant 2 : i32
      %dma_start3A_227 = arith.constant 0 : i32
      %dma_start3A_228 = tpu.memref_slice %arg3[%select_n3A_79, %dma_start3A_225, %dma_start3A_226, %mul3A_108, %dma_start3A_227] : memref<50x8x3x64x1024xf32, #tpu.memory_space<hbm>> -> memref<1x1x1x16x1024xf32, #tpu.memory_space<hbm>>
      %dma_start3A_229 = tpu.memref_squeeze %dma_start3A_228 : memref<1x1x1x16x1024xf32, #tpu.memory_space<hbm>> -> memref<16x1024xf32, #tpu.memory_space<hbm>>
      %dma_start3A_230 = arith.constant 0 : i32
      %dma_start3A_231 = tpu.memref_slice %arg3[%select_n3A_79, %dma_start3A_225, %dma_start3A_226, %mul3A_108, %dma_start3A_230] : memref<50x8x3x64x1024xf32, #tpu.memory_space<hbm>> -> memref<1x1x1x16x1024xf32, #tpu.memory_space<hbm>>
      %dma_start3A_232 = tpu.memref_squeeze %dma_start3A_231 : memref<1x1x1x16x1024xf32, #tpu.memory_space<hbm>> -> memref<16x1024xf32, #tpu.memory_space<hbm>>
      tpu.enqueue_dma source(%arg7 : memref<16x1024xf32, #tpu.memory_space<vmem>>) target(%dma_start3A_232 : memref<16x1024xf32, #tpu.memory_space<hbm>>) target_semaphore(%arg14 : memref<!tpu.dma_semaphore, #tpu.memory_space<semaphore_mem>>)
      %dma_wait3A_233 = arith.constant 4 : i32
      %dma_wait3A_234 = arith.constant 0 : i32
      %dma_wait3A_235 = tpu.memref_slice %arg2[%select_n3A_79, %dma_wait3A_233, %mul3A_108, %dma_wait3A_234] : memref<50x10x64x1024xf32, #tpu.memory_space<hbm>> -> memref<1x1x16x1024xf32, #tpu.memory_space<hbm>>
      %dma_wait3A_236 = tpu.memref_squeeze %dma_wait3A_235 : memref<1x1x16x1024xf32, #tpu.memory_space<hbm>> -> memref<16x1024xf32, #tpu.memory_space<hbm>>
      %dma_wait3A_237 = arith.constant 0 : i32
      %dma_wait3A_238 = tpu.memref_slice %arg2[%select_n3A_79, %dma_wait3A_233, %mul3A_108, %dma_wait3A_237] : memref<50x10x64x1024xf32, #tpu.memory_space<hbm>> -> memref<1x1x16x1024xf32, #tpu.memory_space<hbm>>
      %dma_wait3A_239 = tpu.memref_squeeze %dma_wait3A_238 : memref<1x1x16x1024xf32, #tpu.memory_space<hbm>> -> memref<16x1024xf32, #tpu.memory_space<hbm>>
      tpu.wait_dma2 semaphore(%arg12 : memref<!tpu.dma_semaphore, #tpu.memory_space<semaphore_mem>>) src(%dma_wait3A_239 : memref<16x1024xf32, #tpu.memory_space<hbm>>) dst(%arg8 : memref<16x1024xf32, #tpu.memory_space<vmem>>)
      %dma_wait3A_240 = arith.constant 1 : i32
      %dma_wait3A_241 = arith.constant 2 : i32
      %dma_wait3A_242 = arith.constant 0 : i32
      %dma_wait3A_243 = tpu.memref_slice %arg3[%select_n3A_79, %dma_wait3A_240, %dma_wait3A_241, %mul3A_108, %dma_wait3A_242] : memref<50x8x3x64x1024xf32, #tpu.memory_space<hbm>> -> memref<1x1x1x16x1024xf32, #tpu.memory_space<hbm>>
      %dma_wait3A_244 = tpu.memref_squeeze %dma_wait3A_243 : memref<1x1x1x16x1024xf32, #tpu.memory_space<hbm>> -> memref<16x1024xf32, #tpu.memory_space<hbm>>
      %dma_wait3A_245 = arith.constant 0 : i32
      %dma_wait3A_246 = tpu.memref_slice %arg3[%select_n3A_79, %dma_wait3A_240, %dma_wait3A_241, %mul3A_108, %dma_wait3A_245] : memref<50x8x3x64x1024xf32, #tpu.memory_space<hbm>> -> memref<1x1x1x16x1024xf32, #tpu.memory_space<hbm>>
      %dma_wait3A_247 = tpu.memref_squeeze %dma_wait3A_246 : memref<1x1x1x16x1024xf32, #tpu.memory_space<hbm>> -> memref<16x1024xf32, #tpu.memory_space<hbm>>
      tpu.wait_dma2 semaphore(%arg14 : memref<!tpu.dma_semaphore, #tpu.memory_space<semaphore_mem>>) src(%arg7 : memref<16x1024xf32, #tpu.memory_space<vmem>>) dst(%dma_wait3A_247 : memref<16x1024xf32, #tpu.memory_space<hbm>>)
      %dma_start3A_248 = arith.constant 6 : i32
      %dma_start3A_249 = arith.constant 0 : i32
      %dma_start3A_250 = tpu.memref_slice %arg2[%select_n3A_79, %dma_start3A_248, %mul3A_108, %dma_start3A_249] : memref<50x10x64x1024xf32, #tpu.memory_space<hbm>> -> memref<1x1x16x1024xf32, #tpu.memory_space<hbm>>
      %dma_start3A_251 = tpu.memref_squeeze %dma_start3A_250 : memref<1x1x16x1024xf32, #tpu.memory_space<hbm>> -> memref<16x1024xf32, #tpu.memory_space<hbm>>
      %dma_start3A_252 = arith.constant 0 : i32
      %dma_start3A_253 = tpu.memref_slice %arg2[%select_n3A_79, %dma_start3A_248, %mul3A_108, %dma_start3A_252] : memref<50x10x64x1024xf32, #tpu.memory_space<hbm>> -> memref<1x1x16x1024xf32, #tpu.memory_space<hbm>>
      %dma_start3A_254 = tpu.memref_squeeze %dma_start3A_253 : memref<1x1x16x1024xf32, #tpu.memory_space<hbm>> -> memref<16x1024xf32, #tpu.memory_space<hbm>>
      tpu.enqueue_dma source(%dma_start3A_254 : memref<16x1024xf32, #tpu.memory_space<hbm>>) target(%arg7 : memref<16x1024xf32, #tpu.memory_space<vmem>>) target_semaphore(%arg11 : memref<!tpu.dma_semaphore, #tpu.memory_space<semaphore_mem>>)
      %dma_start3A_255 = arith.constant 2 : i32
      %dma_start3A_256 = arith.constant 0 : i32
      %dma_start3A_257 = arith.constant 0 : i32
      %dma_start3A_258 = tpu.memref_slice %arg3[%select_n3A_79, %dma_start3A_255, %dma_start3A_256, %mul3A_108, %dma_start3A_257] : memref<50x8x3x64x1024xf32, #tpu.memory_space<hbm>> -> memref<1x1x1x16x1024xf32, #tpu.memory_space<hbm>>
      %dma_start3A_259 = tpu.memref_squeeze %dma_start3A_258 : memref<1x1x1x16x1024xf32, #tpu.memory_space<hbm>> -> memref<16x1024xf32, #tpu.memory_space<hbm>>
      %dma_start3A_260 = arith.constant 0 : i32
      %dma_start3A_261 = tpu.memref_slice %arg3[%select_n3A_79, %dma_start3A_255, %dma_start3A_256, %mul3A_108, %dma_start3A_260] : memref<50x8x3x64x1024xf32, #tpu.memory_space<hbm>> -> memref<1x1x1x16x1024xf32, #tpu.memory_space<hbm>>
      %dma_start3A_262 = tpu.memref_squeeze %dma_start3A_261 : memref<1x1x1x16x1024xf32, #tpu.memory_space<hbm>> -> memref<16x1024xf32, #tpu.memory_space<hbm>>
      tpu.enqueue_dma source(%arg4 : memref<16x1024xf32, #tpu.memory_space<vmem>>) target(%dma_start3A_262 : memref<16x1024xf32, #tpu.memory_space<hbm>>) target_semaphore(%arg16 : memref<!tpu.dma_semaphore, #tpu.memory_space<semaphore_mem>>)
      %dma_start3A_263 = arith.constant 2 : i32
      %dma_start3A_264 = arith.constant 1 : i32
      %dma_start3A_265 = arith.constant 0 : i32
      %dma_start3A_266 = tpu.memref_slice %arg3[%select_n3A_79, %dma_start3A_263, %dma_start3A_264, %mul3A_108, %dma_start3A_265] : memref<50x8x3x64x1024xf32, #tpu.memory_space<hbm>> -> memref<1x1x1x16x1024xf32, #tpu.memory_space<hbm>>
      %dma_start3A_267 = tpu.memref_squeeze %dma_start3A_266 : memref<1x1x1x16x1024xf32, #tpu.memory_space<hbm>> -> memref<16x1024xf32, #tpu.memory_space<hbm>>
      %dma_start3A_268 = arith.constant 0 : i32
      %dma_start3A_269 = tpu.memref_slice %arg3[%select_n3A_79, %dma_start3A_263, %dma_start3A_264, %mul3A_108, %dma_start3A_268] : memref<50x8x3x64x1024xf32, #tpu.memory_space<hbm>> -> memref<1x1x1x16x1024xf32, #tpu.memory_space<hbm>>
      %dma_start3A_270 = tpu.memref_squeeze %dma_start3A_269 : memref<1x1x1x16x1024xf32, #tpu.memory_space<hbm>> -> memref<16x1024xf32, #tpu.memory_space<hbm>>
      tpu.enqueue_dma source(%arg5 : memref<16x1024xf32, #tpu.memory_space<vmem>>) target(%dma_start3A_270 : memref<16x1024xf32, #tpu.memory_space<hbm>>) target_semaphore(%arg16 : memref<!tpu.dma_semaphore, #tpu.memory_space<semaphore_mem>>)
      %dma_start3A_271 = arith.constant 2 : i32
      %dma_start3A_272 = arith.constant 2 : i32
      %dma_start3A_273 = arith.constant 0 : i32
      %dma_start3A_274 = tpu.memref_slice %arg3[%select_n3A_79, %dma_start3A_271, %dma_start3A_272, %mul3A_108, %dma_start3A_273] : memref<50x8x3x64x1024xf32, #tpu.memory_space<hbm>> -> memref<1x1x1x16x1024xf32, #tpu.memory_space<hbm>>
      %dma_start3A_275 = tpu.memref_squeeze %dma_start3A_274 : memref<1x1x1x16x1024xf32, #tpu.memory_space<hbm>> -> memref<16x1024xf32, #tpu.memory_space<hbm>>
      %dma_start3A_276 = arith.constant 0 : i32
      %dma_start3A_277 = tpu.memref_slice %arg3[%select_n3A_79, %dma_start3A_271, %dma_start3A_272, %mul3A_108, %dma_start3A_276] : memref<50x8x3x64x1024xf32, #tpu.memory_space<hbm>> -> memref<1x1x1x16x1024xf32, #tpu.memory_space<hbm>>
      %dma_start3A_278 = tpu.memref_squeeze %dma_start3A_277 : memref<1x1x1x16x1024xf32, #tpu.memory_space<hbm>> -> memref<16x1024xf32, #tpu.memory_space<hbm>>
      tpu.enqueue_dma source(%arg8 : memref<16x1024xf32, #tpu.memory_space<vmem>>) target(%dma_start3A_278 : memref<16x1024xf32, #tpu.memory_space<hbm>>) target_semaphore(%arg15 : memref<!tpu.dma_semaphore, #tpu.memory_space<semaphore_mem>>)
      %dma_wait3A_279 = arith.constant 5 : i32
      %dma_wait3A_280 = arith.constant 0 : i32
      %dma_wait3A_281 = tpu.memref_slice %arg2[%select_n3A_79, %dma_wait3A_279, %mul3A_108, %dma_wait3A_280] : memref<50x10x64x1024xf32, #tpu.memory_space<hbm>> -> memref<1x1x16x1024xf32, #tpu.memory_space<hbm>>
      %dma_wait3A_282 = tpu.memref_squeeze %dma_wait3A_281 : memref<1x1x16x1024xf32, #tpu.memory_space<hbm>> -> memref<16x1024xf32, #tpu.memory_space<hbm>>
      %dma_wait3A_283 = arith.constant 0 : i32
      %dma_wait3A_284 = tpu.memref_slice %arg2[%select_n3A_79, %dma_wait3A_279, %mul3A_108, %dma_wait3A_283] : memref<50x10x64x1024xf32, #tpu.memory_space<hbm>> -> memref<1x1x16x1024xf32, #tpu.memory_space<hbm>>
      %dma_wait3A_285 = tpu.memref_squeeze %dma_wait3A_284 : memref<1x1x16x1024xf32, #tpu.memory_space<hbm>> -> memref<16x1024xf32, #tpu.memory_space<hbm>>
      tpu.wait_dma2 semaphore(%arg10 : memref<!tpu.dma_semaphore, #tpu.memory_space<semaphore_mem>>) src(%dma_wait3A_285 : memref<16x1024xf32, #tpu.memory_space<hbm>>) dst(%arg6 : memref<16x1024xf32, #tpu.memory_space<vmem>>)
      %dma_wait3A_286 = arith.constant 2 : i32
      %dma_wait3A_287 = arith.constant 2 : i32
      %dma_wait3A_288 = arith.constant 0 : i32
      %dma_wait3A_289 = tpu.memref_slice %arg3[%select_n3A_79, %dma_wait3A_286, %dma_wait3A_287, %mul3A_108, %dma_wait3A_288] : memref<50x8x3x64x1024xf32, #tpu.memory_space<hbm>> -> memref<1x1x1x16x1024xf32, #tpu.memory_space<hbm>>
      %dma_wait3A_290 = tpu.memref_squeeze %dma_wait3A_289 : memref<1x1x1x16x1024xf32, #tpu.memory_space<hbm>> -> memref<16x1024xf32, #tpu.memory_space<hbm>>
      %dma_wait3A_291 = arith.constant 0 : i32
      %dma_wait3A_292 = tpu.memref_slice %arg3[%select_n3A_79, %dma_wait3A_286, %dma_wait3A_287, %mul3A_108, %dma_wait3A_291] : memref<50x8x3x64x1024xf32, #tpu.memory_space<hbm>> -> memref<1x1x1x16x1024xf32, #tpu.memory_space<hbm>>
      %dma_wait3A_293 = tpu.memref_squeeze %dma_wait3A_292 : memref<1x1x1x16x1024xf32, #tpu.memory_space<hbm>> -> memref<16x1024xf32, #tpu.memory_space<hbm>>
      tpu.wait_dma2 semaphore(%arg15 : memref<!tpu.dma_semaphore, #tpu.memory_space<semaphore_mem>>) src(%arg8 : memref<16x1024xf32, #tpu.memory_space<vmem>>) dst(%dma_wait3A_293 : memref<16x1024xf32, #tpu.memory_space<hbm>>)
      %dma_start3A_294 = arith.constant 7 : i32
      %dma_start3A_295 = arith.constant 0 : i32
      %dma_start3A_296 = tpu.memref_slice %arg2[%select_n3A_79, %dma_start3A_294, %mul3A_108, %dma_start3A_295] : memref<50x10x64x1024xf32, #tpu.memory_space<hbm>> -> memref<1x1x16x1024xf32, #tpu.memory_space<hbm>>
      %dma_start3A_297 = tpu.memref_squeeze %dma_start3A_296 : memref<1x1x16x1024xf32, #tpu.memory_space<hbm>> -> memref<16x1024xf32, #tpu.memory_space<hbm>>
      %dma_start3A_298 = arith.constant 0 : i32
      %dma_start3A_299 = tpu.memref_slice %arg2[%select_n3A_79, %dma_start3A_294, %mul3A_108, %dma_start3A_298] : memref<50x10x64x1024xf32, #tpu.memory_space<hbm>> -> memref<1x1x16x1024xf32, #tpu.memory_space<hbm>>
      %dma_start3A_300 = tpu.memref_squeeze %dma_start3A_299 : memref<1x1x16x1024xf32, #tpu.memory_space<hbm>> -> memref<16x1024xf32, #tpu.memory_space<hbm>>
      tpu.enqueue_dma source(%dma_start3A_300 : memref<16x1024xf32, #tpu.memory_space<hbm>>) target(%arg8 : memref<16x1024xf32, #tpu.memory_space<vmem>>) target_semaphore(%arg12 : memref<!tpu.dma_semaphore, #tpu.memory_space<semaphore_mem>>)
      %dma_start3A_301 = arith.constant 3 : i32
      %dma_start3A_302 = arith.constant 0 : i32
      %dma_start3A_303 = arith.constant 0 : i32
      %dma_start3A_304 = tpu.memref_slice %arg3[%select_n3A_79, %dma_start3A_301, %dma_start3A_302, %mul3A_108, %dma_start3A_303] : memref<50x8x3x64x1024xf32, #tpu.memory_space<hbm>> -> memref<1x1x1x16x1024xf32, #tpu.memory_space<hbm>>
      %dma_start3A_305 = tpu.memref_squeeze %dma_start3A_304 : memref<1x1x1x16x1024xf32, #tpu.memory_space<hbm>> -> memref<16x1024xf32, #tpu.memory_space<hbm>>
      %dma_start3A_306 = arith.constant 0 : i32
      %dma_start3A_307 = tpu.memref_slice %arg3[%select_n3A_79, %dma_start3A_301, %dma_start3A_302, %mul3A_108, %dma_start3A_306] : memref<50x8x3x64x1024xf32, #tpu.memory_space<hbm>> -> memref<1x1x1x16x1024xf32, #tpu.memory_space<hbm>>
      %dma_start3A_308 = tpu.memref_squeeze %dma_start3A_307 : memref<1x1x1x16x1024xf32, #tpu.memory_space<hbm>> -> memref<16x1024xf32, #tpu.memory_space<hbm>>
      tpu.enqueue_dma source(%arg4 : memref<16x1024xf32, #tpu.memory_space<vmem>>) target(%dma_start3A_308 : memref<16x1024xf32, #tpu.memory_space<hbm>>) target_semaphore(%arg16 : memref<!tpu.dma_semaphore, #tpu.memory_space<semaphore_mem>>)
      %dma_start3A_309 = arith.constant 3 : i32
      %dma_start3A_310 = arith.constant 1 : i32
      %dma_start3A_311 = arith.constant 0 : i32
      %dma_start3A_312 = tpu.memref_slice %arg3[%select_n3A_79, %dma_start3A_309, %dma_start3A_310, %mul3A_108, %dma_start3A_311] : memref<50x8x3x64x1024xf32, #tpu.memory_space<hbm>> -> memref<1x1x1x16x1024xf32, #tpu.memory_space<hbm>>
      %dma_start3A_313 = tpu.memref_squeeze %dma_start3A_312 : memref<1x1x1x16x1024xf32, #tpu.memory_space<hbm>> -> memref<16x1024xf32, #tpu.memory_space<hbm>>
      %dma_start3A_314 = arith.constant 0 : i32
      %dma_start3A_315 = tpu.memref_slice %arg3[%select_n3A_79, %dma_start3A_309, %dma_start3A_310, %mul3A_108, %dma_start3A_314] : memref<50x8x3x64x1024xf32, #tpu.memory_space<hbm>> -> memref<1x1x1x16x1024xf32, #tpu.memory_space<hbm>>
      %dma_start3A_316 = tpu.memref_squeeze %dma_start3A_315 : memref<1x1x1x16x1024xf32, #tpu.memory_space<hbm>> -> memref<16x1024xf32, #tpu.memory_space<hbm>>
      tpu.enqueue_dma source(%arg5 : memref<16x1024xf32, #tpu.memory_space<vmem>>) target(%dma_start3A_316 : memref<16x1024xf32, #tpu.memory_space<hbm>>) target_semaphore(%arg16 : memref<!tpu.dma_semaphore, #tpu.memory_space<semaphore_mem>>)
      %dma_start3A_317 = arith.constant 3 : i32
      %dma_start3A_318 = arith.constant 2 : i32
      %dma_start3A_319 = arith.constant 0 : i32
      %dma_start3A_320 = tpu.memref_slice %arg3[%select_n3A_79, %dma_start3A_317, %dma_start3A_318, %mul3A_108, %dma_start3A_319] : memref<50x8x3x64x1024xf32, #tpu.memory_space<hbm>> -> memref<1x1x1x16x1024xf32, #tpu.memory_space<hbm>>
      %dma_start3A_321 = tpu.memref_squeeze %dma_start3A_320 : memref<1x1x1x16x1024xf32, #tpu.memory_space<hbm>> -> memref<16x1024xf32, #tpu.memory_space<hbm>>
      %dma_start3A_322 = arith.constant 0 : i32
      %dma_start3A_323 = tpu.memref_slice %arg3[%select_n3A_79, %dma_start3A_317, %dma_start3A_318, %mul3A_108, %dma_start3A_322] : memref<50x8x3x64x1024xf32, #tpu.memory_space<hbm>> -> memref<1x1x1x16x1024xf32, #tpu.memory_space<hbm>>
      %dma_start3A_324 = tpu.memref_squeeze %dma_start3A_323 : memref<1x1x1x16x1024xf32, #tpu.memory_space<hbm>> -> memref<16x1024xf32, #tpu.memory_space<hbm>>
      tpu.enqueue_dma source(%arg6 : memref<16x1024xf32, #tpu.memory_space<vmem>>) target(%dma_start3A_324 : memref<16x1024xf32, #tpu.memory_space<hbm>>) target_semaphore(%arg13 : memref<!tpu.dma_semaphore, #tpu.memory_space<semaphore_mem>>)
      %dma_wait3A_325 = arith.constant 6 : i32
      %dma_wait3A_326 = arith.constant 0 : i32
      %dma_wait3A_327 = tpu.memref_slice %arg2[%select_n3A_79, %dma_wait3A_325, %mul3A_108, %dma_wait3A_326] : memref<50x10x64x1024xf32, #tpu.memory_space<hbm>> -> memref<1x1x16x1024xf32, #tpu.memory_space<hbm>>
      %dma_wait3A_328 = tpu.memref_squeeze %dma_wait3A_327 : memref<1x1x16x1024xf32, #tpu.memory_space<hbm>> -> memref<16x1024xf32, #tpu.memory_space<hbm>>
      %dma_wait3A_329 = arith.constant 0 : i32
      %dma_wait3A_330 = tpu.memref_slice %arg2[%select_n3A_79, %dma_wait3A_325, %mul3A_108, %dma_wait3A_329] : memref<50x10x64x1024xf32, #tpu.memory_space<hbm>> -> memref<1x1x16x1024xf32, #tpu.memory_space<hbm>>
      %dma_wait3A_331 = tpu.memref_squeeze %dma_wait3A_330 : memref<1x1x16x1024xf32, #tpu.memory_space<hbm>> -> memref<16x1024xf32, #tpu.memory_space<hbm>>
      tpu.wait_dma2 semaphore(%arg11 : memref<!tpu.dma_semaphore, #tpu.memory_space<semaphore_mem>>) src(%dma_wait3A_331 : memref<16x1024xf32, #tpu.memory_space<hbm>>) dst(%arg7 : memref<16x1024xf32, #tpu.memory_space<vmem>>)
      %dma_wait3A_332 = arith.constant 3 : i32
      %dma_wait3A_333 = arith.constant 2 : i32
      %dma_wait3A_334 = arith.constant 0 : i32
      %dma_wait3A_335 = tpu.memref_slice %arg3[%select_n3A_79, %dma_wait3A_332, %dma_wait3A_333, %mul3A_108, %dma_wait3A_334] : memref<50x8x3x64x1024xf32, #tpu.memory_space<hbm>> -> memref<1x1x1x16x1024xf32, #tpu.memory_space<hbm>>
      %dma_wait3A_336 = tpu.memref_squeeze %dma_wait3A_335 : memref<1x1x1x16x1024xf32, #tpu.memory_space<hbm>> -> memref<16x1024xf32, #tpu.memory_space<hbm>>
      %dma_wait3A_337 = arith.constant 0 : i32
      %dma_wait3A_338 = tpu.memref_slice %arg3[%select_n3A_79, %dma_wait3A_332, %dma_wait3A_333, %mul3A_108, %dma_wait3A_337] : memref<50x8x3x64x1024xf32, #tpu.memory_space<hbm>> -> memref<1x1x1x16x1024xf32, #tpu.memory_space<hbm>>
      %dma_wait3A_339 = tpu.memref_squeeze %dma_wait3A_338 : memref<1x1x1x16x1024xf32, #tpu.memory_space<hbm>> -> memref<16x1024xf32, #tpu.memory_space<hbm>>
      tpu.wait_dma2 semaphore(%arg13 : memref<!tpu.dma_semaphore, #tpu.memory_space<semaphore_mem>>) src(%arg6 : memref<16x1024xf32, #tpu.memory_space<vmem>>) dst(%dma_wait3A_339 : memref<16x1024xf32, #tpu.memory_space<hbm>>)
      %dma_start3A_340 = arith.constant 8 : i32
      %dma_start3A_341 = arith.constant 0 : i32
      %dma_start3A_342 = tpu.memref_slice %arg2[%select_n3A_79, %dma_start3A_340, %mul3A_108, %dma_start3A_341] : memref<50x10x64x1024xf32, #tpu.memory_space<hbm>> -> memref<1x1x16x1024xf32, #tpu.memory_space<hbm>>
      %dma_start3A_343 = tpu.memref_squeeze %dma_start3A_342 : memref<1x1x16x1024xf32, #tpu.memory_space<hbm>> -> memref<16x1024xf32, #tpu.memory_space<hbm>>
      %dma_start3A_344 = arith.constant 0 : i32
      %dma_start3A_345 = tpu.memref_slice %arg2[%select_n3A_79, %dma_start3A_340, %mul3A_108, %dma_start3A_344] : memref<50x10x64x1024xf32, #tpu.memory_space<hbm>> -> memref<1x1x16x1024xf32, #tpu.memory_space<hbm>>
      %dma_start3A_346 = tpu.memref_squeeze %dma_start3A_345 : memref<1x1x16x1024xf32, #tpu.memory_space<hbm>> -> memref<16x1024xf32, #tpu.memory_space<hbm>>
      tpu.enqueue_dma source(%dma_start3A_346 : memref<16x1024xf32, #tpu.memory_space<hbm>>) target(%arg6 : memref<16x1024xf32, #tpu.memory_space<vmem>>) target_semaphore(%arg10 : memref<!tpu.dma_semaphore, #tpu.memory_space<semaphore_mem>>)
      %dma_start3A_347 = arith.constant 4 : i32
      %dma_start3A_348 = arith.constant 0 : i32
      %dma_start3A_349 = arith.constant 0 : i32
      %dma_start3A_350 = tpu.memref_slice %arg3[%select_n3A_79, %dma_start3A_347, %dma_start3A_348, %mul3A_108, %dma_start3A_349] : memref<50x8x3x64x1024xf32, #tpu.memory_space<hbm>> -> memref<1x1x1x16x1024xf32, #tpu.memory_space<hbm>>
      %dma_start3A_351 = tpu.memref_squeeze %dma_start3A_350 : memref<1x1x1x16x1024xf32, #tpu.memory_space<hbm>> -> memref<16x1024xf32, #tpu.memory_space<hbm>>
      %dma_start3A_352 = arith.constant 0 : i32
      %dma_start3A_353 = tpu.memref_slice %arg3[%select_n3A_79, %dma_start3A_347, %dma_start3A_348, %mul3A_108, %dma_start3A_352] : memref<50x8x3x64x1024xf32, #tpu.memory_space<hbm>> -> memref<1x1x1x16x1024xf32, #tpu.memory_space<hbm>>
      %dma_start3A_354 = tpu.memref_squeeze %dma_start3A_353 : memref<1x1x1x16x1024xf32, #tpu.memory_space<hbm>> -> memref<16x1024xf32, #tpu.memory_space<hbm>>
      tpu.enqueue_dma source(%arg4 : memref<16x1024xf32, #tpu.memory_space<vmem>>) target(%dma_start3A_354 : memref<16x1024xf32, #tpu.memory_space<hbm>>) target_semaphore(%arg16 : memref<!tpu.dma_semaphore, #tpu.memory_space<semaphore_mem>>)
      %dma_start3A_355 = arith.constant 4 : i32
      %dma_start3A_356 = arith.constant 1 : i32
      %dma_start3A_357 = arith.constant 0 : i32
      %dma_start3A_358 = tpu.memref_slice %arg3[%select_n3A_79, %dma_start3A_355, %dma_start3A_356, %mul3A_108, %dma_start3A_357] : memref<50x8x3x64x1024xf32, #tpu.memory_space<hbm>> -> memref<1x1x1x16x1024xf32, #tpu.memory_space<hbm>>
      %dma_start3A_359 = tpu.memref_squeeze %dma_start3A_358 : memref<1x1x1x16x1024xf32, #tpu.memory_space<hbm>> -> memref<16x1024xf32, #tpu.memory_space<hbm>>
      %dma_start3A_360 = arith.constant 0 : i32
      %dma_start3A_361 = tpu.memref_slice %arg3[%select_n3A_79, %dma_start3A_355, %dma_start3A_356, %mul3A_108, %dma_start3A_360] : memref<50x8x3x64x1024xf32, #tpu.memory_space<hbm>> -> memref<1x1x1x16x1024xf32, #tpu.memory_space<hbm>>
      %dma_start3A_362 = tpu.memref_squeeze %dma_start3A_361 : memref<1x1x1x16x1024xf32, #tpu.memory_space<hbm>> -> memref<16x1024xf32, #tpu.memory_space<hbm>>
      tpu.enqueue_dma source(%arg5 : memref<16x1024xf32, #tpu.memory_space<vmem>>) target(%dma_start3A_362 : memref<16x1024xf32, #tpu.memory_space<hbm>>) target_semaphore(%arg16 : memref<!tpu.dma_semaphore, #tpu.memory_space<semaphore_mem>>)
      %dma_start3A_363 = arith.constant 4 : i32
      %dma_start3A_364 = arith.constant 2 : i32
      %dma_start3A_365 = arith.constant 0 : i32
      %dma_start3A_366 = tpu.memref_slice %arg3[%select_n3A_79, %dma_start3A_363, %dma_start3A_364, %mul3A_108, %dma_start3A_365] : memref<50x8x3x64x1024xf32, #tpu.memory_space<hbm>> -> memref<1x1x1x16x1024xf32, #tpu.memory_space<hbm>>
      %dma_start3A_367 = tpu.memref_squeeze %dma_start3A_366 : memref<1x1x1x16x1024xf32, #tpu.memory_space<hbm>> -> memref<16x1024xf32, #tpu.memory_space<hbm>>
      %dma_start3A_368 = arith.constant 0 : i32
      %dma_start3A_369 = tpu.memref_slice %arg3[%select_n3A_79, %dma_start3A_363, %dma_start3A_364, %mul3A_108, %dma_start3A_368] : memref<50x8x3x64x1024xf32, #tpu.memory_space<hbm>> -> memref<1x1x1x16x1024xf32, #tpu.memory_space<hbm>>
      %dma_start3A_370 = tpu.memref_squeeze %dma_start3A_369 : memref<1x1x1x16x1024xf32, #tpu.memory_space<hbm>> -> memref<16x1024xf32, #tpu.memory_space<hbm>>
      tpu.enqueue_dma source(%arg7 : memref<16x1024xf32, #tpu.memory_space<vmem>>) target(%dma_start3A_370 : memref<16x1024xf32, #tpu.memory_space<hbm>>) target_semaphore(%arg14 : memref<!tpu.dma_semaphore, #tpu.memory_space<semaphore_mem>>)
      %dma_wait3A_371 = arith.constant 7 : i32
      %dma_wait3A_372 = arith.constant 0 : i32
      %dma_wait3A_373 = tpu.memref_slice %arg2[%select_n3A_79, %dma_wait3A_371, %mul3A_108, %dma_wait3A_372] : memref<50x10x64x1024xf32, #tpu.memory_space<hbm>> -> memref<1x1x16x1024xf32, #tpu.memory_space<hbm>>
      %dma_wait3A_374 = tpu.memref_squeeze %dma_wait3A_373 : memref<1x1x16x1024xf32, #tpu.memory_space<hbm>> -> memref<16x1024xf32, #tpu.memory_space<hbm>>
      %dma_wait3A_375 = arith.constant 0 : i32
      %dma_wait3A_376 = tpu.memref_slice %arg2[%select_n3A_79, %dma_wait3A_371, %mul3A_108, %dma_wait3A_375] : memref<50x10x64x1024xf32, #tpu.memory_space<hbm>> -> memref<1x1x16x1024xf32, #tpu.memory_space<hbm>>
      %dma_wait3A_377 = tpu.memref_squeeze %dma_wait3A_376 : memref<1x1x16x1024xf32, #tpu.memory_space<hbm>> -> memref<16x1024xf32, #tpu.memory_space<hbm>>
      tpu.wait_dma2 semaphore(%arg12 : memref<!tpu.dma_semaphore, #tpu.memory_space<semaphore_mem>>) src(%dma_wait3A_377 : memref<16x1024xf32, #tpu.memory_space<hbm>>) dst(%arg8 : memref<16x1024xf32, #tpu.memory_space<vmem>>)
      %dma_wait3A_378 = arith.constant 4 : i32
      %dma_wait3A_379 = arith.constant 2 : i32
      %dma_wait3A_380 = arith.constant 0 : i32
      %dma_wait3A_381 = tpu.memref_slice %arg3[%select_n3A_79, %dma_wait3A_378, %dma_wait3A_379, %mul3A_108, %dma_wait3A_380] : memref<50x8x3x64x1024xf32, #tpu.memory_space<hbm>> -> memref<1x1x1x16x1024xf32, #tpu.memory_space<hbm>>
      %dma_wait3A_382 = tpu.memref_squeeze %dma_wait3A_381 : memref<1x1x1x16x1024xf32, #tpu.memory_space<hbm>> -> memref<16x1024xf32, #tpu.memory_space<hbm>>
      %dma_wait3A_383 = arith.constant 0 : i32
      %dma_wait3A_384 = tpu.memref_slice %arg3[%select_n3A_79, %dma_wait3A_378, %dma_wait3A_379, %mul3A_108, %dma_wait3A_383] : memref<50x8x3x64x1024xf32, #tpu.memory_space<hbm>> -> memref<1x1x1x16x1024xf32, #tpu.memory_space<hbm>>
      %dma_wait3A_385 = tpu.memref_squeeze %dma_wait3A_384 : memref<1x1x1x16x1024xf32, #tpu.memory_space<hbm>> -> memref<16x1024xf32, #tpu.memory_space<hbm>>
      tpu.wait_dma2 semaphore(%arg14 : memref<!tpu.dma_semaphore, #tpu.memory_space<semaphore_mem>>) src(%arg7 : memref<16x1024xf32, #tpu.memory_space<vmem>>) dst(%dma_wait3A_385 : memref<16x1024xf32, #tpu.memory_space<hbm>>)
      %dma_start3A_386 = arith.constant 9 : i32
      %dma_start3A_387 = arith.constant 0 : i32
      %dma_start3A_388 = tpu.memref_slice %arg2[%select_n3A_79, %dma_start3A_386, %mul3A_108, %dma_start3A_387] : memref<50x10x64x1024xf32, #tpu.memory_space<hbm>> -> memref<1x1x16x1024xf32, #tpu.memory_space<hbm>>
      %dma_start3A_389 = tpu.memref_squeeze %dma_start3A_388 : memref<1x1x16x1024xf32, #tpu.memory_space<hbm>> -> memref<16x1024xf32, #tpu.memory_space<hbm>>
      %dma_start3A_390 = arith.constant 0 : i32
      %dma_start3A_391 = tpu.memref_slice %arg2[%select_n3A_79, %dma_start3A_386, %mul3A_108, %dma_start3A_390] : memref<50x10x64x1024xf32, #tpu.memory_space<hbm>> -> memref<1x1x16x1024xf32, #tpu.memory_space<hbm>>
      %dma_start3A_392 = tpu.memref_squeeze %dma_start3A_391 : memref<1x1x16x1024xf32, #tpu.memory_space<hbm>> -> memref<16x1024xf32, #tpu.memory_space<hbm>>
      tpu.enqueue_dma source(%dma_start3A_392 : memref<16x1024xf32, #tpu.memory_space<hbm>>) target(%arg7 : memref<16x1024xf32, #tpu.memory_space<vmem>>) target_semaphore(%arg11 : memref<!tpu.dma_semaphore, #tpu.memory_space<semaphore_mem>>)
      %dma_start3A_393 = arith.constant 5 : i32
      %dma_start3A_394 = arith.constant 0 : i32
      %dma_start3A_395 = arith.constant 0 : i32
      %dma_start3A_396 = tpu.memref_slice %arg3[%select_n3A_79, %dma_start3A_393, %dma_start3A_394, %mul3A_108, %dma_start3A_395] : memref<50x8x3x64x1024xf32, #tpu.memory_space<hbm>> -> memref<1x1x1x16x1024xf32, #tpu.memory_space<hbm>>
      %dma_start3A_397 = tpu.memref_squeeze %dma_start3A_396 : memref<1x1x1x16x1024xf32, #tpu.memory_space<hbm>> -> memref<16x1024xf32, #tpu.memory_space<hbm>>
      %dma_start3A_398 = arith.constant 0 : i32
      %dma_start3A_399 = tpu.memref_slice %arg3[%select_n3A_79, %dma_start3A_393, %dma_start3A_394, %mul3A_108, %dma_start3A_398] : memref<50x8x3x64x1024xf32, #tpu.memory_space<hbm>> -> memref<1x1x1x16x1024xf32, #tpu.memory_space<hbm>>
      %dma_start3A_400 = tpu.memref_squeeze %dma_start3A_399 : memref<1x1x1x16x1024xf32, #tpu.memory_space<hbm>> -> memref<16x1024xf32, #tpu.memory_space<hbm>>
      tpu.enqueue_dma source(%arg4 : memref<16x1024xf32, #tpu.memory_space<vmem>>) target(%dma_start3A_400 : memref<16x1024xf32, #tpu.memory_space<hbm>>) target_semaphore(%arg16 : memref<!tpu.dma_semaphore, #tpu.memory_space<semaphore_mem>>)
      %dma_start3A_401 = arith.constant 5 : i32
      %dma_start3A_402 = arith.constant 1 : i32
      %dma_start3A_403 = arith.constant 0 : i32
      %dma_start3A_404 = tpu.memref_slice %arg3[%select_n3A_79, %dma_start3A_401, %dma_start3A_402, %mul3A_108, %dma_start3A_403] : memref<50x8x3x64x1024xf32, #tpu.memory_space<hbm>> -> memref<1x1x1x16x1024xf32, #tpu.memory_space<hbm>>
      %dma_start3A_405 = tpu.memref_squeeze %dma_start3A_404 : memref<1x1x1x16x1024xf32, #tpu.memory_space<hbm>> -> memref<16x1024xf32, #tpu.memory_space<hbm>>
      %dma_start3A_406 = arith.constant 0 : i32
      %dma_start3A_407 = tpu.memref_slice %arg3[%select_n3A_79, %dma_start3A_401, %dma_start3A_402, %mul3A_108, %dma_start3A_406] : memref<50x8x3x64x1024xf32, #tpu.memory_space<hbm>> -> memref<1x1x1x16x1024xf32, #tpu.memory_space<hbm>>
      %dma_start3A_408 = tpu.memref_squeeze %dma_start3A_407 : memref<1x1x1x16x1024xf32, #tpu.memory_space<hbm>> -> memref<16x1024xf32, #tpu.memory_space<hbm>>
      tpu.enqueue_dma source(%arg5 : memref<16x1024xf32, #tpu.memory_space<vmem>>) target(%dma_start3A_408 : memref<16x1024xf32, #tpu.memory_space<hbm>>) target_semaphore(%arg16 : memref<!tpu.dma_semaphore, #tpu.memory_space<semaphore_mem>>)
      %dma_start3A_409 = arith.constant 5 : i32
      %dma_start3A_410 = arith.constant 2 : i32
      %dma_start3A_411 = arith.constant 0 : i32
      %dma_start3A_412 = tpu.memref_slice %arg3[%select_n3A_79, %dma_start3A_409, %dma_start3A_410, %mul3A_108, %dma_start3A_411] : memref<50x8x3x64x1024xf32, #tpu.memory_space<hbm>> -> memref<1x1x1x16x1024xf32, #tpu.memory_space<hbm>>
      %dma_start3A_413 = tpu.memref_squeeze %dma_start3A_412 : memref<1x1x1x16x1024xf32, #tpu.memory_space<hbm>> -> memref<16x1024xf32, #tpu.memory_space<hbm>>
      %dma_start3A_414 = arith.constant 0 : i32
      %dma_start3A_415 = tpu.memref_slice %arg3[%select_n3A_79, %dma_start3A_409, %dma_start3A_410, %mul3A_108, %dma_start3A_414] : memref<50x8x3x64x1024xf32, #tpu.memory_space<hbm>> -> memref<1x1x1x16x1024xf32, #tpu.memory_space<hbm>>
      %dma_start3A_416 = tpu.memref_squeeze %dma_start3A_415 : memref<1x1x1x16x1024xf32, #tpu.memory_space<hbm>> -> memref<16x1024xf32, #tpu.memory_space<hbm>>
      tpu.enqueue_dma source(%arg8 : memref<16x1024xf32, #tpu.memory_space<vmem>>) target(%dma_start3A_416 : memref<16x1024xf32, #tpu.memory_space<hbm>>) target_semaphore(%arg15 : memref<!tpu.dma_semaphore, #tpu.memory_space<semaphore_mem>>)
      %dma_wait3A_417 = arith.constant 8 : i32
      %dma_wait3A_418 = arith.constant 0 : i32
      %dma_wait3A_419 = tpu.memref_slice %arg2[%select_n3A_79, %dma_wait3A_417, %mul3A_108, %dma_wait3A_418] : memref<50x10x64x1024xf32, #tpu.memory_space<hbm>> -> memref<1x1x16x1024xf32, #tpu.memory_space<hbm>>
      %dma_wait3A_420 = tpu.memref_squeeze %dma_wait3A_419 : memref<1x1x16x1024xf32, #tpu.memory_space<hbm>> -> memref<16x1024xf32, #tpu.memory_space<hbm>>
      %dma_wait3A_421 = arith.constant 0 : i32
      %dma_wait3A_422 = tpu.memref_slice %arg2[%select_n3A_79, %dma_wait3A_417, %mul3A_108, %dma_wait3A_421] : memref<50x10x64x1024xf32, #tpu.memory_space<hbm>> -> memref<1x1x16x1024xf32, #tpu.memory_space<hbm>>
      %dma_wait3A_423 = tpu.memref_squeeze %dma_wait3A_422 : memref<1x1x16x1024xf32, #tpu.memory_space<hbm>> -> memref<16x1024xf32, #tpu.memory_space<hbm>>
      tpu.wait_dma2 semaphore(%arg10 : memref<!tpu.dma_semaphore, #tpu.memory_space<semaphore_mem>>) src(%dma_wait3A_423 : memref<16x1024xf32, #tpu.memory_space<hbm>>) dst(%arg6 : memref<16x1024xf32, #tpu.memory_space<vmem>>)
      %dma_start3A_424 = arith.constant 6 : i32
      %dma_start3A_425 = arith.constant 0 : i32
      %dma_start3A_426 = arith.constant 0 : i32
      %dma_start3A_427 = tpu.memref_slice %arg3[%select_n3A_79, %dma_start3A_424, %dma_start3A_425, %mul3A_108, %dma_start3A_426] : memref<50x8x3x64x1024xf32, #tpu.memory_space<hbm>> -> memref<1x1x1x16x1024xf32, #tpu.memory_space<hbm>>
      %dma_start3A_428 = tpu.memref_squeeze %dma_start3A_427 : memref<1x1x1x16x1024xf32, #tpu.memory_space<hbm>> -> memref<16x1024xf32, #tpu.memory_space<hbm>>
      %dma_start3A_429 = arith.constant 0 : i32
      %dma_start3A_430 = tpu.memref_slice %arg3[%select_n3A_79, %dma_start3A_424, %dma_start3A_425, %mul3A_108, %dma_start3A_429] : memref<50x8x3x64x1024xf32, #tpu.memory_space<hbm>> -> memref<1x1x1x16x1024xf32, #tpu.memory_space<hbm>>
      %dma_start3A_431 = tpu.memref_squeeze %dma_start3A_430 : memref<1x1x1x16x1024xf32, #tpu.memory_space<hbm>> -> memref<16x1024xf32, #tpu.memory_space<hbm>>
      tpu.enqueue_dma source(%arg4 : memref<16x1024xf32, #tpu.memory_space<vmem>>) target(%dma_start3A_431 : memref<16x1024xf32, #tpu.memory_space<hbm>>) target_semaphore(%arg16 : memref<!tpu.dma_semaphore, #tpu.memory_space<semaphore_mem>>)
      %dma_start3A_432 = arith.constant 6 : i32
      %dma_start3A_433 = arith.constant 1 : i32
      %dma_start3A_434 = arith.constant 0 : i32
      %dma_start3A_435 = tpu.memref_slice %arg3[%select_n3A_79, %dma_start3A_432, %dma_start3A_433, %mul3A_108, %dma_start3A_434] : memref<50x8x3x64x1024xf32, #tpu.memory_space<hbm>> -> memref<1x1x1x16x1024xf32, #tpu.memory_space<hbm>>
      %dma_start3A_436 = tpu.memref_squeeze %dma_start3A_435 : memref<1x1x1x16x1024xf32, #tpu.memory_space<hbm>> -> memref<16x1024xf32, #tpu.memory_space<hbm>>
      %dma_start3A_437 = arith.constant 0 : i32
      %dma_start3A_438 = tpu.memref_slice %arg3[%select_n3A_79, %dma_start3A_432, %dma_start3A_433, %mul3A_108, %dma_start3A_437] : memref<50x8x3x64x1024xf32, #tpu.memory_space<hbm>> -> memref<1x1x1x16x1024xf32, #tpu.memory_space<hbm>>
      %dma_start3A_439 = tpu.memref_squeeze %dma_start3A_438 : memref<1x1x1x16x1024xf32, #tpu.memory_space<hbm>> -> memref<16x1024xf32, #tpu.memory_space<hbm>>
      tpu.enqueue_dma source(%arg5 : memref<16x1024xf32, #tpu.memory_space<vmem>>) target(%dma_start3A_439 : memref<16x1024xf32, #tpu.memory_space<hbm>>) target_semaphore(%arg16 : memref<!tpu.dma_semaphore, #tpu.memory_space<semaphore_mem>>)
      %dma_start3A_440 = arith.constant 6 : i32
      %dma_start3A_441 = arith.constant 2 : i32
      %dma_start3A_442 = arith.constant 0 : i32
      %dma_start3A_443 = tpu.memref_slice %arg3[%select_n3A_79, %dma_start3A_440, %dma_start3A_441, %mul3A_108, %dma_start3A_442] : memref<50x8x3x64x1024xf32, #tpu.memory_space<hbm>> -> memref<1x1x1x16x1024xf32, #tpu.memory_space<hbm>>
      %dma_start3A_444 = tpu.memref_squeeze %dma_start3A_443 : memref<1x1x1x16x1024xf32, #tpu.memory_space<hbm>> -> memref<16x1024xf32, #tpu.memory_space<hbm>>
      %dma_start3A_445 = arith.constant 0 : i32
      %dma_start3A_446 = tpu.memref_slice %arg3[%select_n3A_79, %dma_start3A_440, %dma_start3A_441, %mul3A_108, %dma_start3A_445] : memref<50x8x3x64x1024xf32, #tpu.memory_space<hbm>> -> memref<1x1x1x16x1024xf32, #tpu.memory_space<hbm>>
      %dma_start3A_447 = tpu.memref_squeeze %dma_start3A_446 : memref<1x1x1x16x1024xf32, #tpu.memory_space<hbm>> -> memref<16x1024xf32, #tpu.memory_space<hbm>>
      tpu.enqueue_dma source(%arg6 : memref<16x1024xf32, #tpu.memory_space<vmem>>) target(%dma_start3A_447 : memref<16x1024xf32, #tpu.memory_space<hbm>>) target_semaphore(%arg13 : memref<!tpu.dma_semaphore, #tpu.memory_space<semaphore_mem>>)
      %dma_wait3A_448 = arith.constant 9 : i32
      %dma_wait3A_449 = arith.constant 0 : i32
      %dma_wait3A_450 = tpu.memref_slice %arg2[%select_n3A_79, %dma_wait3A_448, %mul3A_108, %dma_wait3A_449] : memref<50x10x64x1024xf32, #tpu.memory_space<hbm>> -> memref<1x1x16x1024xf32, #tpu.memory_space<hbm>>
      %dma_wait3A_451 = tpu.memref_squeeze %dma_wait3A_450 : memref<1x1x16x1024xf32, #tpu.memory_space<hbm>> -> memref<16x1024xf32, #tpu.memory_space<hbm>>
      %dma_wait3A_452 = arith.constant 0 : i32
      %dma_wait3A_453 = tpu.memref_slice %arg2[%select_n3A_79, %dma_wait3A_448, %mul3A_108, %dma_wait3A_452] : memref<50x10x64x1024xf32, #tpu.memory_space<hbm>> -> memref<1x1x16x1024xf32, #tpu.memory_space<hbm>>
      %dma_wait3A_454 = tpu.memref_squeeze %dma_wait3A_453 : memref<1x1x16x1024xf32, #tpu.memory_space<hbm>> -> memref<16x1024xf32, #tpu.memory_space<hbm>>
      tpu.wait_dma2 semaphore(%arg11 : memref<!tpu.dma_semaphore, #tpu.memory_space<semaphore_mem>>) src(%dma_wait3A_454 : memref<16x1024xf32, #tpu.memory_space<hbm>>) dst(%arg7 : memref<16x1024xf32, #tpu.memory_space<vmem>>)
      %dma_start3A_455 = arith.constant 7 : i32
      %dma_start3A_456 = arith.constant 0 : i32
      %dma_start3A_457 = arith.constant 0 : i32
      %dma_start3A_458 = tpu.memref_slice %arg3[%select_n3A_79, %dma_start3A_455, %dma_start3A_456, %mul3A_108, %dma_start3A_457] : memref<50x8x3x64x1024xf32, #tpu.memory_space<hbm>> -> memref<1x1x1x16x1024xf32, #tpu.memory_space<hbm>>
      %dma_start3A_459 = tpu.memref_squeeze %dma_start3A_458 : memref<1x1x1x16x1024xf32, #tpu.memory_space<hbm>> -> memref<16x1024xf32, #tpu.memory_space<hbm>>
      %dma_start3A_460 = arith.constant 0 : i32
      %dma_start3A_461 = tpu.memref_slice %arg3[%select_n3A_79, %dma_start3A_455, %dma_start3A_456, %mul3A_108, %dma_start3A_460] : memref<50x8x3x64x1024xf32, #tpu.memory_space<hbm>> -> memref<1x1x1x16x1024xf32, #tpu.memory_space<hbm>>
      %dma_start3A_462 = tpu.memref_squeeze %dma_start3A_461 : memref<1x1x1x16x1024xf32, #tpu.memory_space<hbm>> -> memref<16x1024xf32, #tpu.memory_space<hbm>>
      tpu.enqueue_dma source(%arg4 : memref<16x1024xf32, #tpu.memory_space<vmem>>) target(%dma_start3A_462 : memref<16x1024xf32, #tpu.memory_space<hbm>>) target_semaphore(%arg16 : memref<!tpu.dma_semaphore, #tpu.memory_space<semaphore_mem>>)
      %dma_start3A_463 = arith.constant 7 : i32
      %dma_start3A_464 = arith.constant 1 : i32
      %dma_start3A_465 = arith.constant 0 : i32
      %dma_start3A_466 = tpu.memref_slice %arg3[%select_n3A_79, %dma_start3A_463, %dma_start3A_464, %mul3A_108, %dma_start3A_465] : memref<50x8x3x64x1024xf32, #tpu.memory_space<hbm>> -> memref<1x1x1x16x1024xf32, #tpu.memory_space<hbm>>
      %dma_start3A_467 = tpu.memref_squeeze %dma_start3A_466 : memref<1x1x1x16x1024xf32, #tpu.memory_space<hbm>> -> memref<16x1024xf32, #tpu.memory_space<hbm>>
      %dma_start3A_468 = arith.constant 0 : i32
      %dma_start3A_469 = tpu.memref_slice %arg3[%select_n3A_79, %dma_start3A_463, %dma_start3A_464, %mul3A_108, %dma_start3A_468] : memref<50x8x3x64x1024xf32, #tpu.memory_space<hbm>> -> memref<1x1x1x16x1024xf32, #tpu.memory_space<hbm>>
      %dma_start3A_470 = tpu.memref_squeeze %dma_start3A_469 : memref<1x1x1x16x1024xf32, #tpu.memory_space<hbm>> -> memref<16x1024xf32, #tpu.memory_space<hbm>>
      tpu.enqueue_dma source(%arg5 : memref<16x1024xf32, #tpu.memory_space<vmem>>) target(%dma_start3A_470 : memref<16x1024xf32, #tpu.memory_space<hbm>>) target_semaphore(%arg16 : memref<!tpu.dma_semaphore, #tpu.memory_space<semaphore_mem>>)
      %dma_start3A_471 = arith.constant 7 : i32
      %dma_start3A_472 = arith.constant 2 : i32
      %dma_start3A_473 = arith.constant 0 : i32
      %dma_start3A_474 = tpu.memref_slice %arg3[%select_n3A_79, %dma_start3A_471, %dma_start3A_472, %mul3A_108, %dma_start3A_473] : memref<50x8x3x64x1024xf32, #tpu.memory_space<hbm>> -> memref<1x1x1x16x1024xf32, #tpu.memory_space<hbm>>
      %dma_start3A_475 = tpu.memref_squeeze %dma_start3A_474 : memref<1x1x1x16x1024xf32, #tpu.memory_space<hbm>> -> memref<16x1024xf32, #tpu.memory_space<hbm>>
      %dma_start3A_476 = arith.constant 0 : i32
      %dma_start3A_477 = tpu.memref_slice %arg3[%select_n3A_79, %dma_start3A_471, %dma_start3A_472, %mul3A_108, %dma_start3A_476] : memref<50x8x3x64x1024xf32, #tpu.memory_space<hbm>> -> memref<1x1x1x16x1024xf32, #tpu.memory_space<hbm>>
      %dma_start3A_478 = tpu.memref_squeeze %dma_start3A_477 : memref<1x1x1x16x1024xf32, #tpu.memory_space<hbm>> -> memref<16x1024xf32, #tpu.memory_space<hbm>>
      tpu.enqueue_dma source(%arg7 : memref<16x1024xf32, #tpu.memory_space<vmem>>) target(%dma_start3A_478 : memref<16x1024xf32, #tpu.memory_space<hbm>>) target_semaphore(%arg14 : memref<!tpu.dma_semaphore, #tpu.memory_space<semaphore_mem>>)
      %dma_wait3A_479 = arith.constant 5 : i32
      %dma_wait3A_480 = arith.constant 2 : i32
      %dma_wait3A_481 = arith.constant 0 : i32
      %dma_wait3A_482 = tpu.memref_slice %arg3[%select_n3A_79, %dma_wait3A_479, %dma_wait3A_480, %mul3A_108, %dma_wait3A_481] : memref<50x8x3x64x1024xf32, #tpu.memory_space<hbm>> -> memref<1x1x1x16x1024xf32, #tpu.memory_space<hbm>>
      %dma_wait3A_483 = tpu.memref_squeeze %dma_wait3A_482 : memref<1x1x1x16x1024xf32, #tpu.memory_space<hbm>> -> memref<16x1024xf32, #tpu.memory_space<hbm>>
      %dma_wait3A_484 = arith.constant 0 : i32
      %dma_wait3A_485 = tpu.memref_slice %arg3[%select_n3A_79, %dma_wait3A_479, %dma_wait3A_480, %mul3A_108, %dma_wait3A_484] : memref<50x8x3x64x1024xf32, #tpu.memory_space<hbm>> -> memref<1x1x1x16x1024xf32, #tpu.memory_space<hbm>>
      %dma_wait3A_486 = tpu.memref_squeeze %dma_wait3A_485 : memref<1x1x1x16x1024xf32, #tpu.memory_space<hbm>> -> memref<16x1024xf32, #tpu.memory_space<hbm>>
      tpu.wait_dma2 semaphore(%arg15 : memref<!tpu.dma_semaphore, #tpu.memory_space<semaphore_mem>>) src(%arg8 : memref<16x1024xf32, #tpu.memory_space<vmem>>) dst(%dma_wait3A_486 : memref<16x1024xf32, #tpu.memory_space<hbm>>)
      %dma_wait3A_487 = arith.constant 6 : i32
      %dma_wait3A_488 = arith.constant 2 : i32
      %dma_wait3A_489 = arith.constant 0 : i32
      %dma_wait3A_490 = tpu.memref_slice %arg3[%select_n3A_79, %dma_wait3A_487, %dma_wait3A_488, %mul3A_108, %dma_wait3A_489] : memref<50x8x3x64x1024xf32, #tpu.memory_space<hbm>> -> memref<1x1x1x16x1024xf32, #tpu.memory_space<hbm>>
      %dma_wait3A_491 = tpu.memref_squeeze %dma_wait3A_490 : memref<1x1x1x16x1024xf32, #tpu.memory_space<hbm>> -> memref<16x1024xf32, #tpu.memory_space<hbm>>
      %dma_wait3A_492 = arith.constant 0 : i32
      %dma_wait3A_493 = tpu.memref_slice %arg3[%select_n3A_79, %dma_wait3A_487, %dma_wait3A_488, %mul3A_108, %dma_wait3A_492] : memref<50x8x3x64x1024xf32, #tpu.memory_space<hbm>> -> memref<1x1x1x16x1024xf32, #tpu.memory_space<hbm>>
      %dma_wait3A_494 = tpu.memref_squeeze %dma_wait3A_493 : memref<1x1x1x16x1024xf32, #tpu.memory_space<hbm>> -> memref<16x1024xf32, #tpu.memory_space<hbm>>
      tpu.wait_dma2 semaphore(%arg13 : memref<!tpu.dma_semaphore, #tpu.memory_space<semaphore_mem>>) src(%arg6 : memref<16x1024xf32, #tpu.memory_space<vmem>>) dst(%dma_wait3A_494 : memref<16x1024xf32, #tpu.memory_space<hbm>>)
      %dma_wait3A_495 = arith.constant 7 : i32
      %dma_wait3A_496 = arith.constant 2 : i32
      %dma_wait3A_497 = arith.constant 0 : i32
      %dma_wait3A_498 = tpu.memref_slice %arg3[%select_n3A_79, %dma_wait3A_495, %dma_wait3A_496, %mul3A_108, %dma_wait3A_497] : memref<50x8x3x64x1024xf32, #tpu.memory_space<hbm>> -> memref<1x1x1x16x1024xf32, #tpu.memory_space<hbm>>
      %dma_wait3A_499 = tpu.memref_squeeze %dma_wait3A_498 : memref<1x1x1x16x1024xf32, #tpu.memory_space<hbm>> -> memref<16x1024xf32, #tpu.memory_space<hbm>>
      %dma_wait3A_500 = arith.constant 0 : i32
      %dma_wait3A_501 = tpu.memref_slice %arg3[%select_n3A_79, %dma_wait3A_495, %dma_wait3A_496, %mul3A_108, %dma_wait3A_500] : memref<50x8x3x64x1024xf32, #tpu.memory_space<hbm>> -> memref<1x1x1x16x1024xf32, #tpu.memory_space<hbm>>
      %dma_wait3A_502 = tpu.memref_squeeze %dma_wait3A_501 : memref<1x1x1x16x1024xf32, #tpu.memory_space<hbm>> -> memref<16x1024xf32, #tpu.memory_space<hbm>>
      tpu.wait_dma2 semaphore(%arg14 : memref<!tpu.dma_semaphore, #tpu.memory_space<semaphore_mem>>) src(%arg7 : memref<16x1024xf32, #tpu.memory_space<vmem>>) dst(%dma_wait3A_502 : memref<16x1024xf32, #tpu.memory_space<hbm>>)
      %dma_wait3A_503 = arith.constant 0 : i32
      %dma_wait3A_504 = arith.constant 0 : i32
      %dma_wait3A_505 = arith.constant 0 : i32
      %dma_wait3A_506 = tpu.memref_slice %arg3[%select_n3A_79, %dma_wait3A_503, %dma_wait3A_504, %mul3A_108, %dma_wait3A_505] : memref<50x8x3x64x1024xf32, #tpu.memory_space<hbm>> -> memref<1x1x1x16x1024xf32, #tpu.memory_space<hbm>>
      %dma_wait3A_507 = tpu.memref_squeeze %dma_wait3A_506 : memref<1x1x1x16x1024xf32, #tpu.memory_space<hbm>> -> memref<16x1024xf32, #tpu.memory_space<hbm>>
      %dma_wait3A_508 = arith.constant 0 : i32
      %dma_wait3A_509 = tpu.memref_slice %arg3[%select_n3A_79, %dma_wait3A_503, %dma_wait3A_504, %mul3A_108, %dma_wait3A_508] : memref<50x8x3x64x1024xf32, #tpu.memory_space<hbm>> -> memref<1x1x1x16x1024xf32, #tpu.memory_space<hbm>>
      %dma_wait3A_510 = tpu.memref_squeeze %dma_wait3A_509 : memref<1x1x1x16x1024xf32, #tpu.memory_space<hbm>> -> memref<16x1024xf32, #tpu.memory_space<hbm>>
      tpu.wait_dma2 semaphore(%arg16 : memref<!tpu.dma_semaphore, #tpu.memory_space<semaphore_mem>>) src(%arg4 : memref<16x1024xf32, #tpu.memory_space<vmem>>) dst(%dma_wait3A_510 : memref<16x1024xf32, #tpu.memory_space<hbm>>)
      %dma_wait3A_511 = arith.constant 0 : i32
      %dma_wait3A_512 = arith.constant 1 : i32
      %dma_wait3A_513 = arith.constant 0 : i32
      %dma_wait3A_514 = tpu.memref_slice %arg3[%select_n3A_79, %dma_wait3A_511, %dma_wait3A_512, %mul3A_108, %dma_wait3A_513] : memref<50x8x3x64x1024xf32, #tpu.memory_space<hbm>> -> memref<1x1x1x16x1024xf32, #tpu.memory_space<hbm>>
      %dma_wait3A_515 = tpu.memref_squeeze %dma_wait3A_514 : memref<1x1x1x16x1024xf32, #tpu.memory_space<hbm>> -> memref<16x1024xf32, #tpu.memory_space<hbm>>
      %dma_wait3A_516 = arith.constant 0 : i32
      %dma_wait3A_517 = tpu.memref_slice %arg3[%select_n3A_79, %dma_wait3A_511, %dma_wait3A_512, %mul3A_108, %dma_wait3A_516] : memref<50x8x3x64x1024xf32, #tpu.memory_space<hbm>> -> memref<1x1x1x16x1024xf32, #tpu.memory_space<hbm>>
      %dma_wait3A_518 = tpu.memref_squeeze %dma_wait3A_517 : memref<1x1x1x16x1024xf32, #tpu.memory_space<hbm>> -> memref<16x1024xf32, #tpu.memory_space<hbm>>
      tpu.wait_dma2 semaphore(%arg16 : memref<!tpu.dma_semaphore, #tpu.memory_space<semaphore_mem>>) src(%arg5 : memref<16x1024xf32, #tpu.memory_space<vmem>>) dst(%dma_wait3A_518 : memref<16x1024xf32, #tpu.memory_space<hbm>>)
      %dma_wait3A_519 = arith.constant 1 : i32
      %dma_wait3A_520 = arith.constant 0 : i32
      %dma_wait3A_521 = arith.constant 0 : i32
      %dma_wait3A_522 = tpu.memref_slice %arg3[%select_n3A_79, %dma_wait3A_519, %dma_wait3A_520, %mul3A_108, %dma_wait3A_521] : memref<50x8x3x64x1024xf32, #tpu.memory_space<hbm>> -> memref<1x1x1x16x1024xf32, #tpu.memory_space<hbm>>
      %dma_wait3A_523 = tpu.memref_squeeze %dma_wait3A_522 : memref<1x1x1x16x1024xf32, #tpu.memory_space<hbm>> -> memref<16x1024xf32, #tpu.memory_space<hbm>>
      %dma_wait3A_524 = arith.constant 0 : i32
      %dma_wait3A_525 = tpu.memref_slice %arg3[%select_n3A_79, %dma_wait3A_519, %dma_wait3A_520, %mul3A_108, %dma_wait3A_524] : memref<50x8x3x64x1024xf32, #tpu.memory_space<hbm>> -> memref<1x1x1x16x1024xf32, #tpu.memory_space<hbm>>
      %dma_wait3A_526 = tpu.memref_squeeze %dma_wait3A_525 : memref<1x1x1x16x1024xf32, #tpu.memory_space<hbm>> -> memref<16x1024xf32, #tpu.memory_space<hbm>>
      tpu.wait_dma2 semaphore(%arg16 : memref<!tpu.dma_semaphore, #tpu.memory_space<semaphore_mem>>) src(%arg4 : memref<16x1024xf32, #tpu.memory_space<vmem>>) dst(%dma_wait3A_526 : memref<16x1024xf32, #tpu.memory_space<hbm>>)
      %dma_wait3A_527 = arith.constant 1 : i32
      %dma_wait3A_528 = arith.constant 1 : i32
      %dma_wait3A_529 = arith.constant 0 : i32
      %dma_wait3A_530 = tpu.memref_slice %arg3[%select_n3A_79, %dma_wait3A_527, %dma_wait3A_528, %mul3A_108, %dma_wait3A_529] : memref<50x8x3x64x1024xf32, #tpu.memory_space<hbm>> -> memref<1x1x1x16x1024xf32, #tpu.memory_space<hbm>>
      %dma_wait3A_531 = tpu.memref_squeeze %dma_wait3A_530 : memref<1x1x1x16x1024xf32, #tpu.memory_space<hbm>> -> memref<16x1024xf32, #tpu.memory_space<hbm>>
      %dma_wait3A_532 = arith.constant 0 : i32
      %dma_wait3A_533 = tpu.memref_slice %arg3[%select_n3A_79, %dma_wait3A_527, %dma_wait3A_528, %mul3A_108, %dma_wait3A_532] : memref<50x8x3x64x1024xf32, #tpu.memory_space<hbm>> -> memref<1x1x1x16x1024xf32, #tpu.memory_space<hbm>>
      %dma_wait3A_534 = tpu.memref_squeeze %dma_wait3A_533 : memref<1x1x1x16x1024xf32, #tpu.memory_space<hbm>> -> memref<16x1024xf32, #tpu.memory_space<hbm>>
      tpu.wait_dma2 semaphore(%arg16 : memref<!tpu.dma_semaphore, #tpu.memory_space<semaphore_mem>>) src(%arg5 : memref<16x1024xf32, #tpu.memory_space<vmem>>) dst(%dma_wait3A_534 : memref<16x1024xf32, #tpu.memory_space<hbm>>)
      %dma_wait3A_535 = arith.constant 2 : i32
      %dma_wait3A_536 = arith.constant 0 : i32
      %dma_wait3A_537 = arith.constant 0 : i32
      %dma_wait3A_538 = tpu.memref_slice %arg3[%select_n3A_79, %dma_wait3A_535, %dma_wait3A_536, %mul3A_108, %dma_wait3A_537] : memref<50x8x3x64x1024xf32, #tpu.memory_space<hbm>> -> memref<1x1x1x16x1024xf32, #tpu.memory_space<hbm>>
      %dma_wait3A_539 = tpu.memref_squeeze %dma_wait3A_538 : memref<1x1x1x16x1024xf32, #tpu.memory_space<hbm>> -> memref<16x1024xf32, #tpu.memory_space<hbm>>
      %dma_wait3A_540 = arith.constant 0 : i32
      %dma_wait3A_541 = tpu.memref_slice %arg3[%select_n3A_79, %dma_wait3A_535, %dma_wait3A_536, %mul3A_108, %dma_wait3A_540] : memref<50x8x3x64x1024xf32, #tpu.memory_space<hbm>> -> memref<1x1x1x16x1024xf32, #tpu.memory_space<hbm>>
      %dma_wait3A_542 = tpu.memref_squeeze %dma_wait3A_541 : memref<1x1x1x16x1024xf32, #tpu.memory_space<hbm>> -> memref<16x1024xf32, #tpu.memory_space<hbm>>
      tpu.wait_dma2 semaphore(%arg16 : memref<!tpu.dma_semaphore, #tpu.memory_space<semaphore_mem>>) src(%arg4 : memref<16x1024xf32, #tpu.memory_space<vmem>>) dst(%dma_wait3A_542 : memref<16x1024xf32, #tpu.memory_space<hbm>>)
      %dma_wait3A_543 = arith.constant 2 : i32
      %dma_wait3A_544 = arith.constant 1 : i32
      %dma_wait3A_545 = arith.constant 0 : i32
      %dma_wait3A_546 = tpu.memref_slice %arg3[%select_n3A_79, %dma_wait3A_543, %dma_wait3A_544, %mul3A_108, %dma_wait3A_545] : memref<50x8x3x64x1024xf32, #tpu.memory_space<hbm>> -> memref<1x1x1x16x1024xf32, #tpu.memory_space<hbm>>
      %dma_wait3A_547 = tpu.memref_squeeze %dma_wait3A_546 : memref<1x1x1x16x1024xf32, #tpu.memory_space<hbm>> -> memref<16x1024xf32, #tpu.memory_space<hbm>>
      %dma_wait3A_548 = arith.constant 0 : i32
      %dma_wait3A_549 = tpu.memref_slice %arg3[%select_n3A_79, %dma_wait3A_543, %dma_wait3A_544, %mul3A_108, %dma_wait3A_548] : memref<50x8x3x64x1024xf32, #tpu.memory_space<hbm>> -> memref<1x1x1x16x1024xf32, #tpu.memory_space<hbm>>
      %dma_wait3A_550 = tpu.memref_squeeze %dma_wait3A_549 : memref<1x1x1x16x1024xf32, #tpu.memory_space<hbm>> -> memref<16x1024xf32, #tpu.memory_space<hbm>>
      tpu.wait_dma2 semaphore(%arg16 : memref<!tpu.dma_semaphore, #tpu.memory_space<semaphore_mem>>) src(%arg5 : memref<16x1024xf32, #tpu.memory_space<vmem>>) dst(%dma_wait3A_550 : memref<16x1024xf32, #tpu.memory_space<hbm>>)
      %dma_wait3A_551 = arith.constant 3 : i32
      %dma_wait3A_552 = arith.constant 0 : i32
      %dma_wait3A_553 = arith.constant 0 : i32
      %dma_wait3A_554 = tpu.memref_slice %arg3[%select_n3A_79, %dma_wait3A_551, %dma_wait3A_552, %mul3A_108, %dma_wait3A_553] : memref<50x8x3x64x1024xf32, #tpu.memory_space<hbm>> -> memref<1x1x1x16x1024xf32, #tpu.memory_space<hbm>>
      %dma_wait3A_555 = tpu.memref_squeeze %dma_wait3A_554 : memref<1x1x1x16x1024xf32, #tpu.memory_space<hbm>> -> memref<16x1024xf32, #tpu.memory_space<hbm>>
      %dma_wait3A_556 = arith.constant 0 : i32
      %dma_wait3A_557 = tpu.memref_slice %arg3[%select_n3A_79, %dma_wait3A_551, %dma_wait3A_552, %mul3A_108, %dma_wait3A_556] : memref<50x8x3x64x1024xf32, #tpu.memory_space<hbm>> -> memref<1x1x1x16x1024xf32, #tpu.memory_space<hbm>>
      %dma_wait3A_558 = tpu.memref_squeeze %dma_wait3A_557 : memref<1x1x1x16x1024xf32, #tpu.memory_space<hbm>> -> memref<16x1024xf32, #tpu.memory_space<hbm>>
      tpu.wait_dma2 semaphore(%arg16 : memref<!tpu.dma_semaphore, #tpu.memory_space<semaphore_mem>>) src(%arg4 : memref<16x1024xf32, #tpu.memory_space<vmem>>) dst(%dma_wait3A_558 : memref<16x1024xf32, #tpu.memory_space<hbm>>)
      %dma_wait3A_559 = arith.constant 3 : i32
      %dma_wait3A_560 = arith.constant 1 : i32
      %dma_wait3A_561 = arith.constant 0 : i32
      %dma_wait3A_562 = tpu.memref_slice %arg3[%select_n3A_79, %dma_wait3A_559, %dma_wait3A_560, %mul3A_108, %dma_wait3A_561] : memref<50x8x3x64x1024xf32, #tpu.memory_space<hbm>> -> memref<1x1x1x16x1024xf32, #tpu.memory_space<hbm>>
      %dma_wait3A_563 = tpu.memref_squeeze %dma_wait3A_562 : memref<1x1x1x16x1024xf32, #tpu.memory_space<hbm>> -> memref<16x1024xf32, #tpu.memory_space<hbm>>
      %dma_wait3A_564 = arith.constant 0 : i32
      %dma_wait3A_565 = tpu.memref_slice %arg3[%select_n3A_79, %dma_wait3A_559, %dma_wait3A_560, %mul3A_108, %dma_wait3A_564] : memref<50x8x3x64x1024xf32, #tpu.memory_space<hbm>> -> memref<1x1x1x16x1024xf32, #tpu.memory_space<hbm>>
      %dma_wait3A_566 = tpu.memref_squeeze %dma_wait3A_565 : memref<1x1x1x16x1024xf32, #tpu.memory_space<hbm>> -> memref<16x1024xf32, #tpu.memory_space<hbm>>
      tpu.wait_dma2 semaphore(%arg16 : memref<!tpu.dma_semaphore, #tpu.memory_space<semaphore_mem>>) src(%arg5 : memref<16x1024xf32, #tpu.memory_space<vmem>>) dst(%dma_wait3A_566 : memref<16x1024xf32, #tpu.memory_space<hbm>>)
      %dma_wait3A_567 = arith.constant 4 : i32
      %dma_wait3A_568 = arith.constant 0 : i32
      %dma_wait3A_569 = arith.constant 0 : i32
      %dma_wait3A_570 = tpu.memref_slice %arg3[%select_n3A_79, %dma_wait3A_567, %dma_wait3A_568, %mul3A_108, %dma_wait3A_569] : memref<50x8x3x64x1024xf32, #tpu.memory_space<hbm>> -> memref<1x1x1x16x1024xf32, #tpu.memory_space<hbm>>
      %dma_wait3A_571 = tpu.memref_squeeze %dma_wait3A_570 : memref<1x1x1x16x1024xf32, #tpu.memory_space<hbm>> -> memref<16x1024xf32, #tpu.memory_space<hbm>>
      %dma_wait3A_572 = arith.constant 0 : i32
      %dma_wait3A_573 = tpu.memref_slice %arg3[%select_n3A_79, %dma_wait3A_567, %dma_wait3A_568, %mul3A_108, %dma_wait3A_572] : memref<50x8x3x64x1024xf32, #tpu.memory_space<hbm>> -> memref<1x1x1x16x1024xf32, #tpu.memory_space<hbm>>
      %dma_wait3A_574 = tpu.memref_squeeze %dma_wait3A_573 : memref<1x1x1x16x1024xf32, #tpu.memory_space<hbm>> -> memref<16x1024xf32, #tpu.memory_space<hbm>>
      tpu.wait_dma2 semaphore(%arg16 : memref<!tpu.dma_semaphore, #tpu.memory_space<semaphore_mem>>) src(%arg4 : memref<16x1024xf32, #tpu.memory_space<vmem>>) dst(%dma_wait3A_574 : memref<16x1024xf32, #tpu.memory_space<hbm>>)
      %dma_wait3A_575 = arith.constant 4 : i32
      %dma_wait3A_576 = arith.constant 1 : i32
      %dma_wait3A_577 = arith.constant 0 : i32
      %dma_wait3A_578 = tpu.memref_slice %arg3[%select_n3A_79, %dma_wait3A_575, %dma_wait3A_576, %mul3A_108, %dma_wait3A_577] : memref<50x8x3x64x1024xf32, #tpu.memory_space<hbm>> -> memref<1x1x1x16x1024xf32, #tpu.memory_space<hbm>>
      %dma_wait3A_579 = tpu.memref_squeeze %dma_wait3A_578 : memref<1x1x1x16x1024xf32, #tpu.memory_space<hbm>> -> memref<16x1024xf32, #tpu.memory_space<hbm>>
      %dma_wait3A_580 = arith.constant 0 : i32
      %dma_wait3A_581 = tpu.memref_slice %arg3[%select_n3A_79, %dma_wait3A_575, %dma_wait3A_576, %mul3A_108, %dma_wait3A_580] : memref<50x8x3x64x1024xf32, #tpu.memory_space<hbm>> -> memref<1x1x1x16x1024xf32, #tpu.memory_space<hbm>>
      %dma_wait3A_582 = tpu.memref_squeeze %dma_wait3A_581 : memref<1x1x1x16x1024xf32, #tpu.memory_space<hbm>> -> memref<16x1024xf32, #tpu.memory_space<hbm>>
      tpu.wait_dma2 semaphore(%arg16 : memref<!tpu.dma_semaphore, #tpu.memory_space<semaphore_mem>>) src(%arg5 : memref<16x1024xf32, #tpu.memory_space<vmem>>) dst(%dma_wait3A_582 : memref<16x1024xf32, #tpu.memory_space<hbm>>)
      %dma_wait3A_583 = arith.constant 5 : i32
      %dma_wait3A_584 = arith.constant 0 : i32
      %dma_wait3A_585 = arith.constant 0 : i32
      %dma_wait3A_586 = tpu.memref_slice %arg3[%select_n3A_79, %dma_wait3A_583, %dma_wait3A_584, %mul3A_108, %dma_wait3A_585] : memref<50x8x3x64x1024xf32, #tpu.memory_space<hbm>> -> memref<1x1x1x16x1024xf32, #tpu.memory_space<hbm>>
      %dma_wait3A_587 = tpu.memref_squeeze %dma_wait3A_586 : memref<1x1x1x16x1024xf32, #tpu.memory_space<hbm>> -> memref<16x1024xf32, #tpu.memory_space<hbm>>
      %dma_wait3A_588 = arith.constant 0 : i32
      %dma_wait3A_589 = tpu.memref_slice %arg3[%select_n3A_79, %dma_wait3A_583, %dma_wait3A_584, %mul3A_108, %dma_wait3A_588] : memref<50x8x3x64x1024xf32, #tpu.memory_space<hbm>> -> memref<1x1x1x16x1024xf32, #tpu.memory_space<hbm>>
      %dma_wait3A_590 = tpu.memref_squeeze %dma_wait3A_589 : memref<1x1x1x16x1024xf32, #tpu.memory_space<hbm>> -> memref<16x1024xf32, #tpu.memory_space<hbm>>
      tpu.wait_dma2 semaphore(%arg16 : memref<!tpu.dma_semaphore, #tpu.memory_space<semaphore_mem>>) src(%arg4 : memref<16x1024xf32, #tpu.memory_space<vmem>>) dst(%dma_wait3A_590 : memref<16x1024xf32, #tpu.memory_space<hbm>>)
      %dma_wait3A_591 = arith.constant 5 : i32
      %dma_wait3A_592 = arith.constant 1 : i32
      %dma_wait3A_593 = arith.constant 0 : i32
      %dma_wait3A_594 = tpu.memref_slice %arg3[%select_n3A_79, %dma_wait3A_591, %dma_wait3A_592, %mul3A_108, %dma_wait3A_593] : memref<50x8x3x64x1024xf32, #tpu.memory_space<hbm>> -> memref<1x1x1x16x1024xf32, #tpu.memory_space<hbm>>
      %dma_wait3A_595 = tpu.memref_squeeze %dma_wait3A_594 : memref<1x1x1x16x1024xf32, #tpu.memory_space<hbm>> -> memref<16x1024xf32, #tpu.memory_space<hbm>>
      %dma_wait3A_596 = arith.constant 0 : i32
      %dma_wait3A_597 = tpu.memref_slice %arg3[%select_n3A_79, %dma_wait3A_591, %dma_wait3A_592, %mul3A_108, %dma_wait3A_596] : memref<50x8x3x64x1024xf32, #tpu.memory_space<hbm>> -> memref<1x1x1x16x1024xf32, #tpu.memory_space<hbm>>
      %dma_wait3A_598 = tpu.memref_squeeze %dma_wait3A_597 : memref<1x1x1x16x1024xf32, #tpu.memory_space<hbm>> -> memref<16x1024xf32, #tpu.memory_space<hbm>>
      tpu.wait_dma2 semaphore(%arg16 : memref<!tpu.dma_semaphore, #tpu.memory_space<semaphore_mem>>) src(%arg5 : memref<16x1024xf32, #tpu.memory_space<vmem>>) dst(%dma_wait3A_598 : memref<16x1024xf32, #tpu.memory_space<hbm>>)
      %dma_wait3A_599 = arith.constant 6 : i32
      %dma_wait3A_600 = arith.constant 0 : i32
      %dma_wait3A_601 = arith.constant 0 : i32
      %dma_wait3A_602 = tpu.memref_slice %arg3[%select_n3A_79, %dma_wait3A_599, %dma_wait3A_600, %mul3A_108, %dma_wait3A_601] : memref<50x8x3x64x1024xf32, #tpu.memory_space<hbm>> -> memref<1x1x1x16x1024xf32, #tpu.memory_space<hbm>>
      %dma_wait3A_603 = tpu.memref_squeeze %dma_wait3A_602 : memref<1x1x1x16x1024xf32, #tpu.memory_space<hbm>> -> memref<16x1024xf32, #tpu.memory_space<hbm>>
      %dma_wait3A_604 = arith.constant 0 : i32
      %dma_wait3A_605 = tpu.memref_slice %arg3[%select_n3A_79, %dma_wait3A_599, %dma_wait3A_600, %mul3A_108, %dma_wait3A_604] : memref<50x8x3x64x1024xf32, #tpu.memory_space<hbm>> -> memref<1x1x1x16x1024xf32, #tpu.memory_space<hbm>>
      %dma_wait3A_606 = tpu.memref_squeeze %dma_wait3A_605 : memref<1x1x1x16x1024xf32, #tpu.memory_space<hbm>> -> memref<16x1024xf32, #tpu.memory_space<hbm>>
      tpu.wait_dma2 semaphore(%arg16 : memref<!tpu.dma_semaphore, #tpu.memory_space<semaphore_mem>>) src(%arg4 : memref<16x1024xf32, #tpu.memory_space<vmem>>) dst(%dma_wait3A_606 : memref<16x1024xf32, #tpu.memory_space<hbm>>)
      %dma_wait3A_607 = arith.constant 6 : i32
      %dma_wait3A_608 = arith.constant 1 : i32
      %dma_wait3A_609 = arith.constant 0 : i32
      %dma_wait3A_610 = tpu.memref_slice %arg3[%select_n3A_79, %dma_wait3A_607, %dma_wait3A_608, %mul3A_108, %dma_wait3A_609] : memref<50x8x3x64x1024xf32, #tpu.memory_space<hbm>> -> memref<1x1x1x16x1024xf32, #tpu.memory_space<hbm>>
      %dma_wait3A_611 = tpu.memref_squeeze %dma_wait3A_610 : memref<1x1x1x16x1024xf32, #tpu.memory_space<hbm>> -> memref<16x1024xf32, #tpu.memory_space<hbm>>
      %dma_wait3A_612 = arith.constant 0 : i32
      %dma_wait3A_613 = tpu.memref_slice %arg3[%select_n3A_79, %dma_wait3A_607, %dma_wait3A_608, %mul3A_108, %dma_wait3A_612] : memref<50x8x3x64x1024xf32, #tpu.memory_space<hbm>> -> memref<1x1x1x16x1024xf32, #tpu.memory_space<hbm>>
      %dma_wait3A_614 = tpu.memref_squeeze %dma_wait3A_613 : memref<1x1x1x16x1024xf32, #tpu.memory_space<hbm>> -> memref<16x1024xf32, #tpu.memory_space<hbm>>
      tpu.wait_dma2 semaphore(%arg16 : memref<!tpu.dma_semaphore, #tpu.memory_space<semaphore_mem>>) src(%arg5 : memref<16x1024xf32, #tpu.memory_space<vmem>>) dst(%dma_wait3A_614 : memref<16x1024xf32, #tpu.memory_space<hbm>>)
      %dma_wait3A_615 = arith.constant 7 : i32
      %dma_wait3A_616 = arith.constant 0 : i32
      %dma_wait3A_617 = arith.constant 0 : i32
      %dma_wait3A_618 = tpu.memref_slice %arg3[%select_n3A_79, %dma_wait3A_615, %dma_wait3A_616, %mul3A_108, %dma_wait3A_617] : memref<50x8x3x64x1024xf32, #tpu.memory_space<hbm>> -> memref<1x1x1x16x1024xf32, #tpu.memory_space<hbm>>
      %dma_wait3A_619 = tpu.memref_squeeze %dma_wait3A_618 : memref<1x1x1x16x1024xf32, #tpu.memory_space<hbm>> -> memref<16x1024xf32, #tpu.memory_space<hbm>>
      %dma_wait3A_620 = arith.constant 0 : i32
      %dma_wait3A_621 = tpu.memref_slice %arg3[%select_n3A_79, %dma_wait3A_615, %dma_wait3A_616, %mul3A_108, %dma_wait3A_620] : memref<50x8x3x64x1024xf32, #tpu.memory_space<hbm>> -> memref<1x1x1x16x1024xf32, #tpu.memory_space<hbm>>
      %dma_wait3A_622 = tpu.memref_squeeze %dma_wait3A_621 : memref<1x1x1x16x1024xf32, #tpu.memory_space<hbm>> -> memref<16x1024xf32, #tpu.memory_space<hbm>>
      tpu.wait_dma2 semaphore(%arg16 : memref<!tpu.dma_semaphore, #tpu.memory_space<semaphore_mem>>) src(%arg4 : memref<16x1024xf32, #tpu.memory_space<vmem>>) dst(%dma_wait3A_622 : memref<16x1024xf32, #tpu.memory_space<hbm>>)
      %dma_wait3A_623 = arith.constant 7 : i32
      %dma_wait3A_624 = arith.constant 1 : i32
      %dma_wait3A_625 = arith.constant 0 : i32
      %dma_wait3A_626 = tpu.memref_slice %arg3[%select_n3A_79, %dma_wait3A_623, %dma_wait3A_624, %mul3A_108, %dma_wait3A_625] : memref<50x8x3x64x1024xf32, #tpu.memory_space<hbm>> -> memref<1x1x1x16x1024xf32, #tpu.memory_space<hbm>>
      %dma_wait3A_627 = tpu.memref_squeeze %dma_wait3A_626 : memref<1x1x1x16x1024xf32, #tpu.memory_space<hbm>> -> memref<16x1024xf32, #tpu.memory_space<hbm>>
      %dma_wait3A_628 = arith.constant 0 : i32
      %dma_wait3A_629 = tpu.memref_slice %arg3[%select_n3A_79, %dma_wait3A_623, %dma_wait3A_624, %mul3A_108, %dma_wait3A_628] : memref<50x8x3x64x1024xf32, #tpu.memory_space<hbm>> -> memref<1x1x1x16x1024xf32, #tpu.memory_space<hbm>>
      %dma_wait3A_630 = tpu.memref_squeeze %dma_wait3A_629 : memref<1x1x1x16x1024xf32, #tpu.memory_space<hbm>> -> memref<16x1024xf32, #tpu.memory_space<hbm>>
      tpu.wait_dma2 semaphore(%arg16 : memref<!tpu.dma_semaphore, #tpu.memory_space<semaphore_mem>>) src(%arg5 : memref<16x1024xf32, #tpu.memory_space<vmem>>) dst(%dma_wait3A_630 : memref<16x1024xf32, #tpu.memory_space<hbm>>)
    }
    return
  }
}

</mosaic_0001>

<sc_bundles>
// kernel: kernel.3.cloned.1.call-start
scs
__scs_entry_jumppad:
0x0: {  	(pc) =	sbr.rel $0x88, $3  }
0x1: {  	(tag) =	ssettag $0x0;
	lr =	simm.s32 $0x1  }
0x2: {  	[smem:$0x3FA0] =	sst lr;
	_ =	strace $0xD0000000  }
0x3: {  	_ = 	snop  }
0x4: {  	_ = 	snop  }
0x5: {  	_ = 	snop  }
0x6: {  	_ = 	snop  }
0x7: {  	_ = 	snop  }
__scs_overlays_trampoline_lowered:
0x8: {  	[smem:$0x3FAF] =	sst s0  }
0x9: {  	[smem:$0x3FB0] =	sst s1  }
0xa: {  	[smem:$0x3FB1] =	sst s2  }
0xb: {  	[smem:$0x3FB2] =	sst s3  }
0xc: {  	[smem:$0x3FB3] =	sst s4  }
0xd: {  	[smem:$0x3FB4] =	sst s5  }
0xe: {  	[smem:$0x3FB5] =	sst s6  }
0xf: {  	[smem:$0x3FB6] =	sst s7  }
0x10: {  	[smem:$0x3FB7] =	sst s8  }
0x11: {  	[smem:$0x3FB8] =	sst s9;
	s0 =	simm.s32 @!p0 $0x0  }
0x12: {  	s1 =	sld [smem:$0x3F9E];
	s0 =	simm.s32 @p0 $0x1  }
0x13: {  	[smem:$0x3FB9] =	sst s0;
	s0 =	simm.s32 @!p1 $0x0  }
0x14: {  	s2 =	sld [smem:$0x3F9D];
	s0 =	simm.s32 @p1 $0x1  }
0x15: {  	[smem:$0x3FBA] =	sst s0;
	s0 =	simm.s32 @!p2 $0x0  }
0x16: {  	s3 =	sld [smem:$0x3FDB];
	s0 =	simm.s32 @p2 $0x1  }
0x17: {  	s4 =	simm.s32 $0x1BF5;
	[smem:$0x3FBC] =	sst s0  }
0x18: {  	s0 =	sld [smem:$0x3F9F];
	_ =	swait.ge [sflag:s4], $0x0  }
0x19: {  	s7 =	sld [smem:$0x3FA0]  }
0x1a: {  	s8 =	sadd.s32 $0xFFFFE003, lr  }
0x1b: {  	s9 =	sadd.s32 $0xFFFFFEF7, lr;
	s5 =	simm.s32 $0xFFFFFFFF;
	p2 =	slt.u32 s8, $0xFFFFF086  }
0x1c: {  	p1 =	slt.u32 s9, $0xF7A;
	s5 =	simm.s32 @!p2 $0x0  }
0x1d: {  	s5 =	simm.s32 @p1 $0x1;
	p0 =	seq.s32 s7, s2  }
0x1e: {  	s7 =	smul.u32 @!p0 $0xF7A, s2;
	p2 =	seq.s32 @!p0 s5, $0x0  }
0x1f: {  	s9 =	smul.u32 $0xF7A, s1;
	s8 =	simm.s32 @!p0 $0x1BF5;
	p2 =	por !p2, p0  }
0x20: {  	[sflag:s8] =	ssyncset.s32 @!p0 $0xFFFFF086;
	s6 =	sadd.s32 @!p0 s3, s7;
	s7 =	simm.s32 @!p0 $0x108  }
0x21: {  	s3 =	sadd.s32 s3, s9;
	s6 =	sadd.s32 @!p0 $0x88, s6;
	s7 =	simm.s32 @p2 $0x1082  }
0x22: {  	[simem:s7], [sflag:s8] =	dma.local @!p0 [hbm:s6], $0xF7A  }
0x23: {  	s9 =	sor.u32 $0xD0000000, s2;
	s6 =	simm.s32 $0x108;
	_ =	swait.ge @!p0 [sflag:s8], $0x0  }
0x24: {  	s3 =	sadd.s32 $0x88, s3;
	s6 =	simm.s32 @!p1 $0x1082;
	[sflag:s4] =	ssyncset.s32 $0xFFFFF086  }
0x25: {  	[simem:s6], [sflag:s4] =	dma.local [hbm:s3], $0xF7A  }
0x26: {  	[smem:$0x3FA0] =	sst s1;
	(tag) =	ssettag s2;
	_ =	strace s9  }
0x27: {  	s1 =	sld [smem:$0x3FB0]  }
0x28: {  	s2 =	sld [smem:$0x3FB1]  }
0x29: {  	s4 =	sld [smem:$0x3FB3]  }
0x2a: {  	p0 =	seq.s32 s5, $0x0;
	s5 =	sld [smem:$0x3FB4]  }
0x2b: {  	s6 =	sld [smem:$0x3FB5]  }
0x2c: {  	s7 =	sld [smem:$0x3FB6]  }
0x2d: {  	s3 =	simm.s32 $0x108;
	s8 =	sld [smem:$0x3FB7]  }
0x2e: {  	s3 =	simm.s32 @!p0 $0x1082;
	s9 =	sld [smem:$0x3FB8]  }
0x2f: {  	lr =	sadd.s32 s0, s3;
	s0 =	sld [smem:$0x3FAF]  }
0x30: {  	s3 =	sld [smem:$0x3FB2]  }
0x31: {  	[smem:$0x3FBB] =	sst s10  }
0x32: {  	s10 =	sld [smem:$0x3FB9];
	_ =	sdelay $0x3  }
0x33: {  	p0 =	seq.s32 s10, $0x1;
	s10 =	sld [smem:$0x3FBB];
	_ =	sdelay $0x3  }
0x34: {  	[smem:$0x3FBB] =	sst s10  }
0x35: {  	s10 =	sld [smem:$0x3FBA];
	_ =	sdelay $0x3  }
0x36: {  	p1 =	seq.s32 s10, $0x1;
	s10 =	sld [smem:$0x3FBB];
	_ =	sdelay $0x3  }
0x37: {  	[smem:$0x3FBB] =	sst s10  }
0x38: {  	s10 =	sld [smem:$0x3FBC]  }
0x39: {  	_ = 	snop;
	(pc) =	sbr.ind lr, $3  }
0x3a: {  	_ = 	snop  }
0x3b: {  	_ = 	snop  }
0x3c: {  	p2 =	seq.s32 s10, $0x1;
	s10 =	sld [smem:$0x3FBB]  }
0x3d: {  	_ =	shalt  }
0x3e: {  	_ =	shalt  }
0x3f: {  	_ =	shalt  }
0x40: {  	_ =	shalt  }
0x41: {  	_ =	shalt  }
0x42: {  	_ =	shalt  }
0x43: {  	_ =	shalt  }
0x44: {  	_ =	shalt  }
0x45: {  	_ =	shalt  }
0x46: {  	_ =	shalt  }
0x47: {  	_ =	shalt  }
0x48: {  	_ =	shalt  }
0x49: {  	_ =	shalt  }
0x4a: {  	_ =	shalt  }
0x4b: {  	_ =	shalt  }
0x4c: {  	_ =	shalt  }
0x4d: {  	_ =	shalt  }
0x4e: {  	_ =	shalt  }
0x4f: {  	_ =	shalt  }
0x50: {  	_ =	shalt  }
0x51: {  	_ =	shalt  }
0x52: {  	_ =	shalt  }
0x53: {  	_ =	shalt  }
0x54: {  	_ =	shalt  }
0x55: {  	_ =	shalt  }
0x56: {  	_ =	shalt  }
0x57: {  	_ =	shalt  }
0x58: {  	_ =	shalt  }
0x59: {  	_ =	shalt  }
0x5a: {  	_ =	shalt  }
0x5b: {  	_ =	shalt  }
0x5c: {  	_ =	shalt  }
0x5d: {  	_ =	shalt  }
0x5e: {  	_ =	shalt  }
0x5f: {  	_ =	shalt  }
0x60: {  	_ =	shalt  }
0x61: {  	_ =	shalt  }
0x62: {  	_ =	shalt  }
0x63: {  	_ =	shalt  }
0x64: {  	_ =	shalt  }
0x65: {  	_ =	shalt  }
0x66: {  	_ =	shalt  }
0x67: {  	_ =	shalt  }
0x68: {  	_ =	shalt  }
0x69: {  	_ =	shalt  }
0x6a: {  	_ =	shalt  }
0x6b: {  	_ =	shalt  }
0x6c: {  	_ =	shalt  }
0x6d: {  	_ =	shalt  }
0x6e: {  	_ =	shalt  }
0x6f: {  	_ =	shalt  }
0x70: {  	_ =	shalt  }
0x71: {  	_ =	shalt  }
0x72: {  	_ =	shalt  }
0x73: {  	_ =	shalt  }
0x74: {  	_ =	shalt  }
0x75: {  	_ =	shalt  }
0x76: {  	_ =	shalt  }
0x77: {  	_ =	shalt  }
0x78: {  	_ =	shalt  }
0x79: {  	_ =	shalt  }
0x7a: {  	_ =	shalt  }
0x7b: {  	_ =	shalt  }
0x7c: {  	_ =	shalt  }
0x7d: {  	_ =	shalt  }
0x7e: {  	_ =	shalt  }
0x7f: {  	_ =	shalt  }
0x80: {  	_ =	shalt  }
0x81: {  	_ =	shalt  }
0x82: {  	_ =	shalt  }
0x83: {  	_ =	shalt  }
0x84: {  	_ =	shalt  }
0x85: {  	_ =	shalt  }
0x86: {  	_ =	shalt  }
0x87: {  	_ =	shalt  }
.Lfunc_end0:
.L_simem_size_0:
called_computation_lowered:
.L_overlay_start_0:
0x88: {  	s2 =	sld [smem:$0x3FD9]  }
0x89: {  	s3 =	sld [smem:$0x3FFE];
	_ =	sdelay $0x1  }
0x8a: {  	s1 =	srdreg.scid  }
0x8b: {  	s0 =	sand.u32 $0x1, s1  }
0x8c: {  	s18 =	sshll.u32 s0, $0xA;
	s2 =	sadd.s32 s3, s2  }
0x8d: {  	s2 =	sadd.s32 s2, s18  }
0x8e: {  	[smem:$0x3FC7] =	sst s2  }
0x8f: {  	_ = 	snop  }
0x90: {  	s2 =	sld [smem:$0x3FC9]  }
0x91: {  	s19 =	sld [smem:$0x3FD0];
	(tm) =	ssettm $0x1  }
0x92: {  	s4 =	sld [smem:$0x3FFB];
	_ =	sdelay $0x3  }
0x93: {  	_ =	strace s4  }
0x94: {  	s4 =	sld [smem:$0x3FFC];
	_ =	sdelay $0x3  }
0x95: {  	_ =	strace s4  }
0x96: {  	s4 =	sld [smem:$0x3FFD];
	_ =	sdelay $0x3  }
0x97: {  	_ =	strace s4  }
0x98: {  	_ =	strace $0x8FFFFFFF  }
0x99: {  	s20 =	sld [smem:$0x3FDB];
	_ =	sdelay $0x1  }
0x9a: {  	s5 =	simm.s32 $_scs_section_size  }
0x9b: {  	s6 =	simm.s32 $_size__tile_overlayer_lowered;
	s7 =	simm.s32 $_tile_overlayer_lowered  }
0x9c: {  	s23 =	simm.s32 $0x1BFF;
	s22 =	sshll.u32 s7, $0x1;
	s4 =	sadd.s32 s5, s20  }
0x9d: {  	s8 =	simm.s32 $0x0;
	s21 =	sshll.u32 s6, $0x1;
	s6 =	sadd.s32 s22, s4  }
0x9e: {  	[timem:s8], [sflag:s23] =	dma.local [hbm:s6], s21  }
0x9f: {  	_ =	swait.ge [sflag:s23], s21  }
0xa0: {  	s5 =	ssub.s32 $0x0, s21;
	[sflag:s23] =	ssyncset.done $0x0  }
0xa1: {  	[sflag:s23] =	ssyncadd.s32 s5;
	_ =	sdelay $0x1  }
0xa2: {  	s24 =	simm.s32 $0x1B8B  }
0xa3: {  	_ =	swait.ge [sflag:s24], $0x1  }
0xa4: {  	[sflag:s24] =	ssyncset.done $0x0  }
0xa5: {  	s25 =	simm.s32 $0x1B8E;
	[sflag:s24] =	ssyncadd.s32 $0xFFFFFFFF  }
0xa6: {  	s26 =	simm.s32 $execute0_lowered;
	[smem:$0x3FD2] =	sst s25  }
0xa7: {  	s5 =	sshll.u32 s26, $0x1;
	_ =	strace $0x80000046;
	[dreg:$0x1] =	wrdreg $0xFFFFFFFF  }
0xa8: {  	s28 =	simm.s32 $_size_execute0_lowered;
	s4 =	sadd.s32 s4, s5;
	[dreg:$0x0] =	wrdreg $0x0  }
0xa9: {  	s5 =	sshll.u32 s28, $0x1;
	[dreg:$0x2] =	wrdreg s4  }
0xaa: {  	[dreg:$0x3] =	wrdreg s5  }
0xab: {  	[dreg:$0x4] =	wrdreg $0xC0  }
0xac: {  	_ =	task [dreg:s8], $0x5FFFF  }
0xad: {  	[dreg:$0x1] =	wrdreg $0xFFFFFFFF  }
0xae: {  	[dreg:$0x0] =	wrdreg $0x60  }
0xaf: {  	[dreg:$0x2] =	wrdreg s2  }
0xb0: {  	[dreg:$0x3] =	wrdreg s19  }
0xb1: {  	[dreg:$0x4] =	wrdreg $0x9  }
0xb2: {  	_ =	task.clear_ibuf [dreg:s8], $0x5FFFF;
	_ =	strace $0x90000046  }
0xb3: {  	s29 =	simm.s32 $0x9;
	_ =	strace $0x80000048  }
0xb4: {  	_ =	swait.ge [sflag:s29], $0x1  }
0xb5: {  	[sflag:s29] =	ssyncadd.s32 $0xFFFFFFFF  }
0xb6: {  	_ =	strace $0x90000048  }
0xb7: {  	_ =	sfence  }
0xb8: {  	s30 =	sld [smem:$0x0];
	_ =	sdelay $0x2  }
0xb9: {  	s31 =	sshll.u32 s1, $0xD;
	s1 =	sshrl.u32 s1, $0x2  }
0xba: {  	s3 =	sand.u32 $0x4000, s31;
	s1 =	sadd.s32 s1, s30  }
0xbb: {  	s0 =	sor.u32 s3, s0;
	s1 =	sshll.u32 s1, $0x11  }
0xbc: {  	s0 =	sor.u32 s1, s0  }
0xbd: {  	s0 =	sadd.s32 $0x8F2B, s0  }
0xbe: {  	[sflag:s0] =	ssyncadd.remote.s32 $0x1  }
0xbf: {  	_ =	sfence.sel $0xFFFF  }
0xc0: {  	[dreg:$0x0] =	wrdreg $0xFFFFFFFF;
	(pc) =	sbr.abs _section_cstart, $3  }
0xc1: {  	[dreg:$0x1] =	wrdreg $0xFFFFFFFF  }
0xc2: {  	_ =	task.clear_ibuf [dreg:s8], $0x2FFFF;
	_ =	strace $0x9FFFFFFF  }
0xc3: {  	(tm) =	ssettm $0x7FFFFFFF  }
tec
execute0_lowered:
.L_overlay_start_1:
0x0: {  	(tag) =	ssettag $0x1  }
0x1: {  	s0 =	srdreg.scid  }
0x2: {  	s0 =	sand.u32 $0x1, s0  }
0x3: {  	s2 =	stileid.u32;
	s1 =	sshll.u32 s0, $0x4  }
0x4: {  	s1 =	sor.u32 s2, s1  }
0x5: {  	s1 =	smul.u32 $0xC8, s1;
	_ =	sdelay $0x1  }
0x6: {  	s5 =	sadd.s32 $0xC8, s1  }
0x7: {  	s6 =	sshrl.u32 s1, $0x5;
	s7 =	sshrl.u32 s5, $0x5  }
0x8: {  	p0 =	sge.u32 s6, s7  }
.Ltmp0:
0x9: {  	_ = 	snop;
	(pc) =	sbr.rel @p0 .LBB2_9-.Ltmp0, $4  }
0xa: {  	_ = 	snop  }
0xb: {  	s9 =	rddreg [dreg:$0x0];
	s4 =	simm.s32 $0x0  }
0xc: {  	[smem:$0x7FF] =	sst s4  }
0xd: {  	s8 =	rddreg [dreg:$0x1];
	_ =	strace $0x80000047  }
0xe: {  	s0 =	ssub.s32 $0x2, s0;
	s30 =	sshll.u32 s6, $0xE  }
0xf: {  	s10 =	simm.s32 $0x4000;
	s13 =	simm.s32 $0x1;
	s16 =	simm.s32 $0x8000  }
0x10: {  	s18 =	simm.s32 $0xC000;
	s14 =	simm.s32 $0x2;
	s20 =	simm.s32 $0x10000  }
0x11: {  	s15 =	simm.s32 $0x3;
	s26 =	simm.s32 $0x5;
	s2 =	simm.s32 $0x4  }
0x12: {  	s31 =	simm.s32 $0x6;
	[dreg:$0x6] =	wrdreg s6;
	s1 =	sshrl.u32 s0, $0x1  }
0x13: {  	s12 =	simm.s32 $0x7;
	[dreg:$0x4] =	wrdreg s7;
	s0 =	ssub.s32 s0, s1  }
0x14: {  	s19 =	simm.s32 $0x8;
	[dreg:$0x3] =	wrdreg s30;
	s0 =	smax.u32 s0, $0x1  }
0x15: {  	s3 =	simm.s32 $0x0;
	s17 =	simm.s32 $0x5;
	[dreg:$0x7] =	wrdreg s0  }
.LBB2_2:
0x16: {  	s11 =	sadd.s32 $0x1, s6  }
0x17: {  	p1 =	sne.s32 s7, s11  }
.Ltmp1:
0x18: {  	_ = 	snop;
	(pc) =	sbr.rel @!p1 .LBB2_3-.Ltmp1, $2  }
0x19: {  	_ =	sdelay $0x2  }
0x1a: {  	s22 =	simm.s32 $0x0;
	s0 =	rddreg [dreg:$0x3];
	p0 =	por $0x0, $0x0  }
0x1b: {  	s1 =	sshrl.u32 s6, $0x2  }
0x1c: {  	s5 =	smul.u32 $0x90000, s1  }
0x1d: {  	s0 =	sadd.s32 $0x0, s0  }
0x1e: {  	s23 =	sadd.s32 s0, s5  }
0x1f: {  	s5 =	sshrl.u32 s23, $0x3  }
0x20: {  	s22 =	sadd.s32 $0x10000, s23;
	s5 =	sadd.s32 s9, s5  }
0x21: {  	[tilespmem:s4], [sflag:$0x1] =	stream.linear.gather [hbm4b:s5+s4], $0x4000, $0x38;
	[tilespmem:$0x14000] =	vst v63  }
0x22: {  	s5 =	sshrl.u32 s22, $0x3  }
0x23: {  	[dreg:$0x8] =	wrdreg s3;
	s5 =	sadd.s32 s9, s5  }
0x24: {  	[tilespmem:s10], [sflag:$0x1] =	stream.linear.gather [hbm4b:s5+s4], $0x4000, $0x38;
	[tilespmem:$0x14000] =	vst v63  }
0x25: {  	_ =	swait.ge [sflag:s13], $0x4000  }
0x26: {  	[sflag:s13] =	ssyncset.done $0x0  }
0x27: {  	[sflag:s13] =	ssyncadd.s32 $0xFFFFC000  }
0x28: {  	s24 =	sadd.s32 $0x20000, s23;
	_ =	swait.ge [sflag:s13], $0x4000  }
0x29: {  	s5 =	sshrl.u32 s24, $0x3;
	[sflag:s13] =	ssyncset.done $0x0  }
0x2a: {  	s25 =	sadd.s32 $0x30000, s23;
	s5 =	sadd.s32 s9, s5;
	[sflag:s13] =	ssyncadd.s32 $0xFFFFC000  }
0x2b: {  	[tilespmem:s16], [sflag:$0x2] =	stream.linear.gather [hbm4b:s5+s4], $0x4000, $0x38;
	[tilespmem:$0x14000] =	vst v63  }
0x2c: {  	s5 =	sshrl.u32 s25, $0x3  }
0x2d: {  	s1 =	smul.u32 $0x170000, s1;
	s5 =	sadd.s32 s9, s5  }
0x2e: {  	[tilespmem:s18], [sflag:$0x3] =	stream.linear.gather [hbm4b:s5+s4], $0x4000, $0x38;
	[tilespmem:$0x14000] =	vst v63  }
0x2f: {  	s28 =	sadd.s32 $0x40000, s23;
	_ =	swait.ge [sflag:s14], $0x4000  }
0x30: {  	s22 =	sadd.s32 s0, s1;
	s5 =	sshrl.u32 s28, $0x3;
	[sflag:s14] =	ssyncset.done $0x0  }
0x31: {  	s30 =	sshrl.u32 s22, $0x3;
	s29 =	sadd.s32 s9, s5;
	[sflag:s14] =	ssyncadd.s32 $0xFFFFC000  }
0x32: {  	[tilespmem:s20], [sflag:$0x4] =	stream.linear.gather [hbm4b:s29+s4], $0x4000, $0x38;
	[tilespmem:$0x14000] =	vst v63  }
0x33: {  	s1 =	sadd.s32 $0x10000, s22;
	s0 =	sadd.s32 s8, s30  }
0x34: {  	[hbm4b:s0+s4] =	stream.linear.scatter [tilespmem:s4], [sflag:$0x8], $0x4000, $0x38;
	[tilespmem:$0x14000] =	vst v63  }
0x35: {  	s0 =	sshrl.u32 s1, $0x3  }
0x36: {  	s3 =	sadd.s32 $0x20000, s22;
	s0 =	sadd.s32 s8, s0  }
0x37: {  	[hbm4b:s0+s4] =	stream.linear.scatter [tilespmem:s10], [sflag:$0x8], $0x4000, $0x38;
	[tilespmem:$0x14000] =	vst v63  }
0x38: {  	s0 =	sshrl.u32 s3, $0x3  }
0x39: {  	s0 =	sadd.s32 s8, s0  }
0x3a: {  	[hbm4b:s0+s4] =	stream.linear.scatter [tilespmem:s16], [sflag:$0x5], $0x4000, $0x38;
	[tilespmem:$0x14000] =	vst v63  }
0x3b: {  	_ =	swait.ge [sflag:s15], $0x4000  }
0x3c: {  	[sflag:s15] =	ssyncset.done $0x0  }
0x3d: {  	[sflag:s15] =	ssyncadd.s32 $0xFFFFC000  }
0x3e: {  	s5 =	sadd.s32 $0x50000, s23;
	_ =	swait.ge [sflag:s26], $0x4000  }
0x3f: {  	s0 =	sshrl.u32 s5, $0x3;
	[sflag:s26] =	ssyncset.done $0x0  }
0x40: {  	s6 =	sadd.s32 $0x30000, s22;
	s0 =	sadd.s32 s9, s0;
	[sflag:s26] =	ssyncadd.s32 $0xFFFFC000  }
0x41: {  	[tilespmem:s16], [sflag:$0x2] =	stream.linear.gather [hbm4b:s0+s4], $0x4000, $0x38;
	[tilespmem:$0x14000] =	vst v63  }
0x42: {  	s0 =	sshrl.u32 s6, $0x3  }
0x43: {  	s21 =	sadd.s32 $0x40000, s22;
	s0 =	sadd.s32 s8, s0  }
0x44: {  	[hbm4b:s0+s4] =	stream.linear.scatter [tilespmem:s4], [sflag:$0x8], $0x4000, $0x38;
	[tilespmem:$0x14000] =	vst v63  }
0x45: {  	s0 =	sshrl.u32 s21, $0x3  }
0x46: {  	s24 =	sadd.s32 $0x50000, s22;
	s0 =	sadd.s32 s8, s0  }
0x47: {  	[hbm4b:s0+s4] =	stream.linear.scatter [tilespmem:s10], [sflag:$0x8], $0x4000, $0x38;
	[tilespmem:$0x14000] =	vst v63  }
0x48: {  	s0 =	sshrl.u32 s24, $0x3  }
0x49: {  	s0 =	sadd.s32 s8, s0  }
0x4a: {  	[hbm4b:s0+s4] =	stream.linear.scatter [tilespmem:s18], [sflag:$0x6], $0x4000, $0x38;
	[tilespmem:$0x14000] =	vst v63  }
0x4b: {  	_ =	swait.ge [sflag:s2], $0x4000  }
0x4c: {  	[sflag:s2] =	ssyncset.done $0x0  }
0x4d: {  	[sflag:s2] =	ssyncadd.s32 $0xFFFFC000  }
0x4e: {  	s25 =	sadd.s32 $0x60000, s23;
	_ =	swait.ge [sflag:s31], $0x4000  }
0x4f: {  	s0 =	sshrl.u32 s25, $0x3;
	[sflag:s31] =	ssyncset.done $0x0  }
0x50: {  	s28 =	sadd.s32 $0x60000, s22;
	s0 =	sadd.s32 s9, s0;
	[sflag:s31] =	ssyncadd.s32 $0xFFFFC000  }
0x51: {  	[tilespmem:s18], [sflag:$0x3] =	stream.linear.gather [hbm4b:s0+s4], $0x4000, $0x38;
	[tilespmem:$0x14000] =	vst v63  }
0x52: {  	s0 =	sshrl.u32 s28, $0x3  }
0x53: {  	s29 =	sadd.s32 $0x70000, s22;
	s0 =	sadd.s32 s8, s0  }
0x54: {  	[hbm4b:s0+s4] =	stream.linear.scatter [tilespmem:s4], [sflag:$0x8], $0x4000, $0x38;
	[tilespmem:$0x14000] =	vst v63  }
0x55: {  	s0 =	sshrl.u32 s29, $0x3  }
0x56: {  	s30 =	sadd.s32 $0x80000, s22;
	s0 =	sadd.s32 s8, s0  }
0x57: {  	[hbm4b:s0+s4] =	stream.linear.scatter [tilespmem:s10], [sflag:$0x8], $0x4000, $0x38;
	[tilespmem:$0x14000] =	vst v63  }
0x58: {  	s0 =	sshrl.u32 s30, $0x3  }
0x59: {  	s0 =	sadd.s32 s8, s0  }
0x5a: {  	[hbm4b:s0+s4] =	stream.linear.scatter [tilespmem:s20], [sflag:$0x7], $0x4000, $0x38;
	[tilespmem:$0x14000] =	vst v63  }
0x5b: {  	_ =	swait.ge [sflag:s14], $0x4000  }
0x5c: {  	[sflag:s14] =	ssyncset.done $0x0  }
0x5d: {  	[sflag:s14] =	ssyncadd.s32 $0xFFFFC000  }
0x5e: {  	s1 =	sadd.s32 $0x70000, s23;
	_ =	swait.ge [sflag:s12], $0x4000  }
0x5f: {  	s0 =	sshrl.u32 s1, $0x3;
	[sflag:s12] =	ssyncset.done $0x0  }
0x60: {  	s3 =	sadd.s32 $0x90000, s22;
	s0 =	sadd.s32 s9, s0;
	[sflag:s12] =	ssyncadd.s32 $0xFFFFC000  }
0x61: {  	[tilespmem:s20], [sflag:$0x4] =	stream.linear.gather [hbm4b:s0+s4], $0x4000, $0x38;
	[tilespmem:$0x14000] =	vst v63  }
0x62: {  	s0 =	sshrl.u32 s3, $0x3  }
0x63: {  	s5 =	sadd.s32 $0xA0000, s22;
	s0 =	sadd.s32 s8, s0  }
0x64: {  	[hbm4b:s0+s4] =	stream.linear.scatter [tilespmem:s4], [sflag:$0x8], $0x4000, $0x38;
	[tilespmem:$0x14000] =	vst v63  }
0x65: {  	s0 =	sshrl.u32 s5, $0x3  }
0x66: {  	s6 =	sadd.s32 $0xB0000, s22;
	s0 =	sadd.s32 s8, s0  }
0x67: {  	[hbm4b:s0+s4] =	stream.linear.scatter [tilespmem:s10], [sflag:$0x8], $0x4000, $0x38;
	[tilespmem:$0x14000] =	vst v63  }
0x68: {  	s0 =	sshrl.u32 s6, $0x3  }
0x69: {  	s0 =	sadd.s32 s8, s0  }
0x6a: {  	[hbm4b:s0+s4] =	stream.linear.scatter [tilespmem:s16], [sflag:$0x5], $0x4000, $0x38;
	[tilespmem:$0x14000] =	vst v63  }
0x6b: {  	_ =	swait.ge [sflag:s15], $0x4000  }
0x6c: {  	[sflag:s15] =	ssyncset.done $0x0  }
0x6d: {  	[sflag:s15] =	ssyncadd.s32 $0xFFFFC000  }
0x6e: {  	s21 =	sadd.s32 $0x80000, s23;
	_ =	swait.ge [sflag:s26], $0x4000  }
0x6f: {  	s0 =	sshrl.u32 s21, $0x3;
	[sflag:s26] =	ssyncset.done $0x0  }
0x70: {  	s24 =	sadd.s32 $0xC0000, s22;
	s0 =	sadd.s32 s9, s0;
	[sflag:s26] =	ssyncadd.s32 $0xFFFFC000  }
0x71: {  	[tilespmem:s16], [sflag:$0x2] =	stream.linear.gather [hbm4b:s0+s4], $0x4000, $0x38;
	[tilespmem:$0x14000] =	vst v63  }
0x72: {  	s0 =	sshrl.u32 s24, $0x3  }
0x73: {  	s25 =	sadd.s32 $0xD0000, s22;
	s0 =	sadd.s32 s8, s0  }
0x74: {  	[hbm4b:s0+s4] =	stream.linear.scatter [tilespmem:s4], [sflag:$0x8], $0x4000, $0x38;
	[tilespmem:$0x14000] =	vst v63  }
0x75: {  	s0 =	sshrl.u32 s25, $0x3  }
0x76: {  	s28 =	sadd.s32 $0xE0000, s22;
	s0 =	sadd.s32 s8, s0  }
0x77: {  	[hbm4b:s0+s4] =	stream.linear.scatter [tilespmem:s10], [sflag:$0x8], $0x4000, $0x38;
	[tilespmem:$0x14000] =	vst v63  }
0x78: {  	s0 =	sshrl.u32 s28, $0x3  }
0x79: {  	s0 =	sadd.s32 s8, s0  }
0x7a: {  	[hbm4b:s0+s4] =	stream.linear.scatter [tilespmem:s18], [sflag:$0x6], $0x4000, $0x38;
	[tilespmem:$0x14000] =	vst v63  }
0x7b: {  	_ =	swait.ge [sflag:s2], $0x4000  }
0x7c: {  	[sflag:s2] =	ssyncset.done $0x0  }
0x7d: {  	[sflag:s2] =	ssyncadd.s32 $0xFFFFC000  }
0x7e: {  	s29 =	sadd.s32 $0x90000, s23;
	s30 =	sadd.s32 $0x100000, s22;
	_ =	swait.ge [sflag:s31], $0x4000  }
0x7f: {  	s1 =	sadd.s32 $0xF0000, s22;
	s0 =	sshrl.u32 s29, $0x3;
	[sflag:s31] =	ssyncset.done $0x0  }
0x80: {  	s1 =	sshrl.u32 s1, $0x3;
	s0 =	sadd.s32 s9, s0;
	[sflag:s31] =	ssyncadd.s32 $0xFFFFC000  }
0x81: {  	[tilespmem:s18], [sflag:$0x3] =	stream.linear.gather [hbm4b:s0+s4], $0x4000, $0x38;
	[tilespmem:$0x14000] =	vst v63  }
0x82: {  	s1 =	sadd.s32 s8, s1;
	s2 =	sadd.s32 $0x110000, s22;
	s0 =	sshrl.u32 s30, $0x3  }
0x83: {  	[hbm4b:s1+s4] =	stream.linear.scatter [tilespmem:s4], [sflag:$0x8], $0x4000, $0x38;
	[tilespmem:$0x14000] =	vst v63  }
0x84: {  	s0 =	sadd.s32 s8, s0;
	s1 =	sshrl.u32 s2, $0x3  }
0x85: {  	[hbm4b:s0+s4] =	stream.linear.scatter [tilespmem:s10], [sflag:$0x8], $0x4000, $0x38;
	[tilespmem:$0x14000] =	vst v63  }
0x86: {  	s3 =	sadd.s32 s8, s1  }
0x87: {  	[hbm4b:s3+s4] =	stream.linear.scatter [tilespmem:s20], [sflag:$0x7], $0x4000, $0x38;
	[tilespmem:$0x14000] =	vst v63  }
0x88: {  	s23 =	sadd.s32 $0x140000, s22;
	s5 =	sadd.s32 $0x120000, s22;
	_ =	swait.ge [sflag:s14], $0x4000  }
0x89: {  	s6 =	sadd.s32 $0x130000, s22;
	s0 =	sshrl.u32 s5, $0x3;
	[sflag:s14] =	ssyncset.done $0x0  }
0x8a: {  	s21 =	sshrl.u32 s6, $0x3;
	s0 =	sadd.s32 s8, s0;
	[sflag:s14] =	ssyncadd.s32 $0xFFFFC000  }
0x8b: {  	[hbm4b:s0+s4] =	stream.linear.scatter [tilespmem:s4], [sflag:$0x8], $0x4000, $0x38;
	[tilespmem:$0x14000] =	vst v63  }
0x8c: {  	s1 =	sshrl.u32 s23, $0x3;
	s0 =	sadd.s32 s8, s21  }
0x8d: {  	[hbm4b:s0+s4] =	stream.linear.scatter [tilespmem:s10], [sflag:$0x8], $0x4000, $0x38;
	[tilespmem:$0x14000] =	vst v63  }
0x8e: {  	s24 =	sadd.s32 s8, s1  }
0x8f: {  	[hbm4b:s24+s4] =	stream.linear.scatter [tilespmem:s16], [sflag:$0x5], $0x4000, $0x38;
	[tilespmem:$0x14000] =	vst v63  }
0x90: {  	s25 =	sadd.s32 $0x150000, s22;
	s28 =	sadd.s32 $0x160000, s22;
	_ =	swait.ge [sflag:s15], $0x4000  }
0x91: {  	s29 =	sadd.s32 $0x170000, s22;
	s0 =	sshrl.u32 s25, $0x3;
	[sflag:s15] =	ssyncset.done $0x0  }
0x92: {  	s1 =	sshrl.u32 s28, $0x3;
	s0 =	sadd.s32 s8, s0;
	[sflag:s15] =	ssyncadd.s32 $0xFFFFC000  }
0x93: {  	[hbm4b:s0+s4] =	stream.linear.scatter [tilespmem:s4], [sflag:$0x8], $0x4000, $0x38;
	[tilespmem:$0x14000] =	vst v63  }
0x94: {  	s30 =	sshrl.u32 s29, $0x3;
	s1 =	sadd.s32 s8, s1  }
0x95: {  	[hbm4b:s1+s4] =	stream.linear.scatter [tilespmem:s10], [sflag:$0x8], $0x4000, $0x38;
	[tilespmem:$0x14000] =	vst v63  }
0x96: {  	s0 =	sadd.s32 s8, s30  }
0x97: {  	[hbm4b:s0+s4] =	stream.linear.scatter [tilespmem:s18], [sflag:$0x6], $0x4000, $0x38;
	[tilespmem:$0x14000] =	vst v63  }
0x98: {  	_ =	swait.ge [sflag:s12], $0x4000  }
0x99: {  	[sflag:s12] =	ssyncset.done $0x0  }
0x9a: {  	[sflag:s12] =	ssyncadd.s32 $0xFFFFC000  }
0x9b: {  	_ =	swait.ge [sflag:s26], $0x4000  }
0x9c: {  	[sflag:s26] =	ssyncset.done $0x0  }
0x9d: {  	[sflag:s26] =	ssyncadd.s32 $0xFFFFC000  }
0x9e: {  	_ =	swait.ge [sflag:s31], $0x4000  }
0x9f: {  	[sflag:s31] =	ssyncset.done $0x0  }
0xa0: {  	[sflag:s31] =	ssyncadd.s32 $0xFFFFC000  }
0xa1: {  	_ =	swait.ge [sflag:s19], $0x4000  }
0xa2: {  	[sflag:s19] =	ssyncset.done $0x0  }
0xa3: {  	[sflag:s19] =	ssyncadd.s32 $0xFFFFC000  }
0xa4: {  	_ =	swait.ge [sflag:s19], $0x4000  }
0xa5: {  	[sflag:s19] =	ssyncset.done $0x0  }
0xa6: {  	[sflag:s19] =	ssyncadd.s32 $0xFFFFC000  }
0xa7: {  	_ =	swait.ge [sflag:s19], $0x4000  }
0xa8: {  	[sflag:s19] =	ssyncset.done $0x0  }
0xa9: {  	[sflag:s19] =	ssyncadd.s32 $0xFFFFC000  }
0xaa: {  	_ =	swait.ge [sflag:s19], $0x4000  }
0xab: {  	[sflag:s19] =	ssyncset.done $0x0  }
0xac: {  	[sflag:s19] =	ssyncadd.s32 $0xFFFFC000  }
0xad: {  	_ =	swait.ge [sflag:s19], $0x4000  }
0xae: {  	[sflag:s19] =	ssyncset.done $0x0  }
0xaf: {  	[sflag:s19] =	ssyncadd.s32 $0xFFFFC000  }
0xb0: {  	_ =	swait.ge [sflag:s19], $0x4000  }
0xb1: {  	[sflag:s19] =	ssyncset.done $0x0  }
0xb2: {  	[sflag:s19] =	ssyncadd.s32 $0xFFFFC000  }
0xb3: {  	_ =	swait.ge [sflag:s19], $0x4000  }
0xb4: {  	[sflag:s19] =	ssyncset.done $0x0  }
0xb5: {  	[sflag:s19] =	ssyncadd.s32 $0xFFFFC000  }
0xb6: {  	_ =	swait.ge [sflag:s19], $0x4000  }
0xb7: {  	[sflag:s19] =	ssyncset.done $0x0  }
0xb8: {  	[sflag:s19] =	ssyncadd.s32 $0xFFFFC000  }
0xb9: {  	_ =	swait.ge [sflag:s19], $0x4000  }
0xba: {  	[sflag:s19] =	ssyncset.done $0x0  }
0xbb: {  	[sflag:s19] =	ssyncadd.s32 $0xFFFFC000  }
0xbc: {  	_ =	swait.ge [sflag:s19], $0x4000  }
0xbd: {  	[sflag:s19] =	ssyncset.done $0x0  }
0xbe: {  	[sflag:s19] =	ssyncadd.s32 $0xFFFFC000  }
0xbf: {  	_ =	swait.ge [sflag:s19], $0x4000  }
0xc0: {  	[sflag:s19] =	ssyncset.done $0x0  }
0xc1: {  	[sflag:s19] =	ssyncadd.s32 $0xFFFFC000  }
0xc2: {  	_ =	swait.ge [sflag:s19], $0x4000  }
0xc3: {  	[sflag:s19] =	ssyncset.done $0x0  }
0xc4: {  	[sflag:s19] =	ssyncadd.s32 $0xFFFFC000  }
0xc5: {  	_ =	swait.ge [sflag:s19], $0x4000  }
0xc6: {  	[sflag:s19] =	ssyncset.done $0x0  }
0xc7: {  	[sflag:s19] =	ssyncadd.s32 $0xFFFFC000  }
0xc8: {  	_ =	swait.ge [sflag:s19], $0x4000  }
0xc9: {  	s23 =	sadd.s32 $0x1, s11;
	[sflag:s19] =	ssyncset.done $0x0  }
0xca: {  	p1 =	sne.s32 s7, s23;
	[sflag:s19] =	ssyncadd.s32 $0xFFFFC000  }
.Ltmp2:
0xcb: {  	_ =	swait.ge [sflag:s19], $0x4000;
	(pc) =	sbr.rel @!p1 .LBB2_5-.Ltmp2, $4  }
0xcc: {  	[sflag:s19] =	ssyncset.done $0x0  }
0xcd: {  	[sflag:s19] =	ssyncadd.s32 $0xFFFFC000  }
0xce: {  	p0 =	por $0x1, $0x1;
	_ =	swait.ge [sflag:s19], $0x4000  }
0xcf: {  	s22 =	simm.s32 $0x4000;
	s0 =	rddreg [dreg:$0x3];
	[sflag:s19] =	ssyncset.done $0x0  }
.LBB2_6:
0xd0: {  	s1 =	sshrl.u32 s11, $0x2  }
0xd1: {  	s5 =	smul.u32 $0x90000, s1  }
0xd2: {  	s0 =	sadd.s32 s22, s0  }
0xd3: {  	s25 =	sadd.s32 s0, s5  }
0xd4: {  	[sflag:s19] =	ssyncadd.s32 $0xFFFFC000;
	s5 =	sshrl.u32 s25, $0x3;
	s6 =	sadd.s32 $0x10000, s25  }
0xd5: {  	s2 =	smov.u32 s23;
	s5 =	sadd.s32 s9, s5;
	s6 =	sshrl.u32 s6, $0x3  }
0xd6: {  	[tilespmem:s4], [sflag:$0x1] =	stream.linear.gather [hbm4b:s5+s4], $0x4000, $0x38;
	[tilespmem:$0x14000] =	vst v63  }
0xd7: {  	s23 =	sadd.s32 $0x1, s23;
	[dreg:$0x5] =	wrdreg s2;
	s30 =	sadd.s32 s9, s6  }
0xd8: {  	[tilespmem:s10], [sflag:$0x1] =	stream.linear.gather [hbm4b:s30+s4], $0x4000, $0x38;
	[tilespmem:$0x14000] =	vst v63  }
0xd9: {  	s21 =	smov.u32 s9;
	s1 =	smul.u32 $0x170000, s1;
	_ =	swait.ge [sflag:s13], $0x4000  }
0xda: {  	s12 =	simm.s32 $0x4000;
	p1 =	sne.s32 s7, s23;
	[sflag:s13] =	ssyncset.done $0x0  }
0xdb: {  	s24 =	sadd.s32 s0, s1;
	s29 =	sadd.s32 $0x20000, s25;
	[sflag:s13] =	ssyncadd.s32 $0xFFFFC000  }
0xdc: {  	s2 =	sadd.s32 $0x30000, s25;
	s3 =	sadd.s32 $0x40000, s25;
	_ =	swait.ge [sflag:s13], $0x4000  }
0xdd: {  	s1 =	sshrl.u32 s24, $0x3;
	s7 =	sshrl.u32 s29, $0x3;
	[sflag:s13] =	ssyncset.done $0x0  }
0xde: {  	s6 =	sshrl.u32 s2, $0x3;
	s29 =	sadd.s32 s21, s7;
	[sflag:s13] =	ssyncadd.s32 $0xFFFFC000  }
0xdf: {  	[tilespmem:s16], [sflag:$0x2] =	stream.linear.gather [hbm4b:s29+s4], $0x4000, $0x38;
	[tilespmem:$0x14000] =	vst v63  }
0xe0: {  	s0 =	sadd.s32 $0x10000, s24;
	s11 =	sadd.s32 $0x50000, s25;
	s30 =	sadd.s32 s21, s6  }
0xe1: {  	[tilespmem:s18], [sflag:$0x3] =	stream.linear.gather [hbm4b:s30+s4], $0x4000, $0x38;
	[tilespmem:$0x14000] =	vst v63  }
0xe2: {  	s28 =	sadd.s32 $0x20000, s24;
	s1 =	sadd.s32 s8, s1;
	_ =	swait.ge [sflag:s14], $0x4000  }
0xe3: {  	s9 =	sshrl.u32 s3, $0x3;
	s5 =	sshrl.u32 s11, $0x3;
	[sflag:s14] =	ssyncset.done $0x0  }
0xe4: {  	s7 =	sshrl.u32 s28, $0x3;
	s9 =	sadd.s32 s21, s9;
	[sflag:s14] =	ssyncadd.s32 $0xFFFFC000  }
0xe5: {  	[tilespmem:s20], [sflag:$0x4] =	stream.linear.gather [hbm4b:s9+s4], $0x4000, $0x38;
	[tilespmem:$0x14000] =	vst v63  }
0xe6: {  	s2 =	sadd.s32 $0x30000, s24;
	s3 =	sadd.s32 $0x40000, s24;
	s10 =	sshrl.u32 s0, $0x3  }
0xe7: {  	[hbm4b:s1+s4] =	stream.linear.scatter [tilespmem:s4], [sflag:$0x8], $0x4000, $0x38;
	[tilespmem:$0x14000] =	vst v63  }
0xe8: {  	s28 =	sadd.s32 $0x50000, s24;
	s13 =	sshrl.u32 s2, $0x3;
	s2 =	sadd.s32 s8, s10  }
0xe9: {  	[hbm4b:s2+s4] =	stream.linear.scatter [tilespmem:s12], [sflag:$0x8], $0x4000, $0x38;
	[tilespmem:$0x14000] =	vst v63  }
0xea: {  	s11 =	sshrl.u32 s3, $0x3;
	s3 =	sadd.s32 $0x70000, s24;
	s7 =	sadd.s32 s8, s7  }
0xeb: {  	[hbm4b:s7+s4] =	stream.linear.scatter [tilespmem:s16], [sflag:$0x5], $0x4000, $0x38;
	[tilespmem:$0x14000] =	vst v63  }
0xec: {  	s5 =	sadd.s32 s21, s5;
	s29 =	sadd.s32 $0x60000, s25;
	_ =	swait.ge [sflag:s15], $0x4000  }
0xed: {  	s10 =	sadd.s32 $0x80000, s24;
	s0 =	sshrl.u32 s29, $0x3;
	[sflag:s15] =	ssyncset.done $0x0  }
0xee: {  	s29 =	sshrl.u32 s28, $0x3;
	s28 =	sshrl.u32 s3, $0x3;
	[sflag:s15] =	ssyncadd.s32 $0xFFFFC000  }
0xef: {  	s3 =	sadd.s32 $0xB0000, s24;
	s18 =	sshrl.u32 s10, $0x3;
	_ =	swait.ge [sflag:s26], $0x4000  }
0xf0: {  	s9 =	sadd.s32 $0x70000, s25;
	s20 =	sadd.s32 $0xA0000, s24;
	[sflag:s26] =	ssyncset.done $0x0  }
0xf1: {  	s6 =	sshrl.u32 s9, $0x3;
	s2 =	simm.s32 $0x8000;
	[sflag:s17] =	ssyncadd.s32 $0xFFFFC000  }
0xf2: {  	[tilespmem:s2], [sflag:$0x2] =	stream.linear.gather [hbm4b:s5+s4], $0x4000, $0x38;
	[tilespmem:$0x14000] =	vst v63  }
0xf3: {  	s10 =	sshrl.u32 s20, $0x3;
	s20 =	sadd.s32 s8, s13;
	s16 =	sadd.s32 $0x90000, s24  }
0xf4: {  	[hbm4b:s20+s4] =	stream.linear.scatter [tilespmem:s4], [sflag:$0x8], $0x4000, $0x38;
	[tilespmem:$0x14000] =	vst v63  }
0xf5: {  	s9 =	sshrl.u32 s16, $0x3;
	s16 =	sshrl.u32 s3, $0x3;
	s3 =	sadd.s32 s8, s11  }
0xf6: {  	[hbm4b:s3+s4] =	stream.linear.scatter [tilespmem:s12], [sflag:$0x8], $0x4000, $0x38;
	[tilespmem:$0x14000] =	vst v63  }
0xf7: {  	s14 =	simm.s32 $0xC000;
	s11 =	sadd.s32 s8, s29;
	s3 =	simm.s32 $0x4  }
0xf8: {  	[hbm4b:s11+s4] =	stream.linear.scatter [tilespmem:s14], [sflag:$0x6], $0x4000, $0x38;
	[tilespmem:$0x14000] =	vst v63  }
0xf9: {  	_ =	swait.ge [sflag:s3], $0x4000  }
0xfa: {  	[sflag:s3] =	ssyncset.done $0x0  }
0xfb: {  	[sflag:s3] =	ssyncadd.s32 $0xFFFFC000  }
0xfc: {  	_ =	swait.ge [sflag:s31], $0x4000  }
0xfd: {  	s30 =	sadd.s32 $0x60000, s24;
	[sflag:s31] =	ssyncset.done $0x0  }
0xfe: {  	s0 =	sadd.s32 s21, s0;
	s1 =	sshrl.u32 s30, $0x3;
	[sflag:s31] =	ssyncadd.s32 $0xFFFFC000  }
0xff: {  	[tilespmem:s14], [sflag:$0x3] =	stream.linear.gather [hbm4b:s0+s4], $0x4000, $0x38;
	[tilespmem:$0x14000] =	vst v63  }
0x100: {  	s0 =	sadd.s32 s8, s1  }
0x101: {  	[hbm4b:s0+s4] =	stream.linear.scatter [tilespmem:s4], [sflag:$0x8], $0x4000, $0x38;
	[tilespmem:$0x14000] =	vst v63  }
0x102: {  	s28 =	sadd.s32 s8, s28  }
0x103: {  	[hbm4b:s28+s4] =	stream.linear.scatter [tilespmem:s12], [sflag:$0x8], $0x4000, $0x38;
	[tilespmem:$0x14000] =	vst v63  }
0x104: {  	s18 =	sadd.s32 s8, s18;
	s15 =	simm.s32 $0x10000;
	s14 =	simm.s32 $0x2  }
0x105: {  	[hbm4b:s18+s4] =	stream.linear.scatter [tilespmem:s15], [sflag:$0x7], $0x4000, $0x38;
	[tilespmem:$0x14000] =	vst v63  }
0x106: {  	_ =	swait.ge [sflag:s14], $0x4000  }
0x107: {  	[sflag:s14] =	ssyncset.done $0x0  }
0x108: {  	s12 =	simm.s32 $0x7;
	[sflag:s14] =	ssyncadd.s32 $0xFFFFC000  }
0x109: {  	_ =	swait.ge [sflag:s12], $0x4000  }
0x10a: {  	[sflag:s12] =	ssyncset.done $0x0  }
0x10b: {  	s6 =	sadd.s32 s21, s6;
	[sflag:s12] =	ssyncadd.s32 $0xFFFFC000  }
0x10c: {  	[tilespmem:s15], [sflag:$0x4] =	stream.linear.gather [hbm4b:s6+s4], $0x4000, $0x38;
	[tilespmem:$0x14000] =	vst v63  }
0x10d: {  	s6 =	sadd.s32 s8, s9  }
0x10e: {  	[hbm4b:s6+s4] =	stream.linear.scatter [tilespmem:s4], [sflag:$0x8], $0x4000, $0x38;
	[tilespmem:$0x14000] =	vst v63  }
0x10f: {  	s6 =	sadd.s32 s8, s10;
	s10 =	simm.s32 $0x4000  }
0x110: {  	[hbm4b:s6+s4] =	stream.linear.scatter [tilespmem:s10], [sflag:$0x8], $0x4000, $0x38;
	[tilespmem:$0x14000] =	vst v63  }
0x111: {  	s15 =	simm.s32 $0x3;
	s6 =	sadd.s32 s8, s16;
	s16 =	simm.s32 $0x8000  }
0x112: {  	[hbm4b:s6+s4] =	stream.linear.scatter [tilespmem:s16], [sflag:$0x5], $0x4000, $0x38;
	[tilespmem:$0x14000] =	vst v63  }
0x113: {  	_ =	swait.ge [sflag:s15], $0x4000  }
0x114: {  	s30 =	sadd.s32 $0x80000, s25;
	s25 =	sadd.s32 $0x90000, s25;
	[sflag:s15] =	ssyncset.done $0x0  }
0x115: {  	s26 =	sshrl.u32 s30, $0x3;
	s30 =	sadd.s32 $0xC0000, s24;
	[sflag:s15] =	ssyncadd.s32 $0xFFFFC000  }
0x116: {  	s29 =	sadd.s32 $0xE0000, s24;
	s13 =	sshrl.u32 s30, $0x3;
	_ =	swait.ge [sflag:s17], $0x4000  }
0x117: {  	s30 =	sadd.s32 $0xF0000, s24;
	s2 =	sadd.s32 $0xD0000, s24;
	[sflag:s17] =	ssyncset.done $0x0  }
0x118: {  	s7 =	sshrl.u32 s30, $0x3;
	s6 =	sadd.s32 s21, s26;
	[sflag:s17] =	ssyncadd.s32 $0xFFFFC000  }
0x119: {  	[tilespmem:s16], [sflag:$0x2] =	stream.linear.gather [hbm4b:s6+s4], $0x4000, $0x38;
	[tilespmem:$0x14000] =	vst v63  }
0x11a: {  	s20 =	sshrl.u32 s2, $0x3;
	s2 =	sadd.s32 $0x100000, s24;
	s6 =	sadd.s32 s8, s13  }
0x11b: {  	[hbm4b:s6+s4] =	stream.linear.scatter [tilespmem:s4], [sflag:$0x8], $0x4000, $0x38;
	[tilespmem:$0x14000] =	vst v63  }
0x11c: {  	s30 =	sshrl.u32 s2, $0x3;
	s11 =	sshrl.u32 s29, $0x3;
	s6 =	sadd.s32 s8, s20  }
0x11d: {  	[hbm4b:s6+s4] =	stream.linear.scatter [tilespmem:s10], [sflag:$0x8], $0x4000, $0x38;
	[tilespmem:$0x14000] =	vst v63  }
0x11e: {  	s29 =	sshrl.u32 s25, $0x3;
	s18 =	simm.s32 $0xC000;
	s6 =	sadd.s32 s8, s11  }
0x11f: {  	[hbm4b:s6+s4] =	stream.linear.scatter [tilespmem:s18], [sflag:$0x6], $0x4000, $0x38;
	[tilespmem:$0x14000] =	vst v63  }
0x120: {  	s25 =	sadd.s32 $0x110000, s24;
	s11 =	rddreg [dreg:$0x5];
	_ =	swait.ge [sflag:s3], $0x4000  }
0x121: {  	s2 =	sadd.s32 $0x120000, s24;
	s5 =	sshrl.u32 s25, $0x3;
	[sflag:s3] =	ssyncset.done $0x0  }
0x122: {  	s25 =	sshrl.u32 s2, $0x3;
	s2 =	simm.s32 $0x6;
	[sflag:s3] =	ssyncadd.s32 $0xFFFFC000  }
0x123: {  	_ =	swait.ge [sflag:s2], $0x4000  }
0x124: {  	[sflag:s2] =	ssyncset.done $0x0  }
0x125: {  	s29 =	sadd.s32 s21, s29;
	[sflag:s2] =	ssyncadd.s32 $0xFFFFC000  }
0x126: {  	[tilespmem:s18], [sflag:$0x3] =	stream.linear.gather [hbm4b:s29+s4], $0x4000, $0x38;
	[tilespmem:$0x14000] =	vst v63  }
0x127: {  	s2 =	sadd.s32 s8, s7  }
0x128: {  	[hbm4b:s2+s4] =	stream.linear.scatter [tilespmem:s4], [sflag:$0x8], $0x4000, $0x38;
	[tilespmem:$0x14000] =	vst v63  }
0x129: {  	s3 =	sadd.s32 s8, s30  }
0x12a: {  	[hbm4b:s3+s4] =	stream.linear.scatter [tilespmem:s10], [sflag:$0x8], $0x4000, $0x38;
	[tilespmem:$0x14000] =	vst v63  }
0x12b: {  	s5 =	sadd.s32 s8, s5;
	s20 =	simm.s32 $0x10000  }
0x12c: {  	[hbm4b:s5+s4] =	stream.linear.scatter [tilespmem:s20], [sflag:$0x7], $0x4000, $0x38;
	[tilespmem:$0x14000] =	vst v63  }
0x12d: {  	s31 =	sadd.s32 $0x130000, s24;
	s7 =	rddreg [dreg:$0x4];
	_ =	swait.ge [sflag:s14], $0x4000  }
0x12e: {  	s31 =	sshrl.u32 s31, $0x3;
	s1 =	sadd.s32 $0x140000, s24;
	[sflag:s14] =	ssyncset.done $0x0  }
0x12f: {  	s9 =	smov.u32 s21;
	s21 =	sadd.s32 s8, s25;
	[sflag:s14] =	ssyncadd.s32 $0xFFFFC000  }
0x130: {  	[hbm4b:s21+s4] =	stream.linear.scatter [tilespmem:s4], [sflag:$0x8], $0x4000, $0x38;
	[tilespmem:$0x14000] =	vst v63  }
0x131: {  	s0 =	sshrl.u32 s1, $0x3;
	s25 =	sadd.s32 s8, s31  }
0x132: {  	[hbm4b:s25+s4] =	stream.linear.scatter [tilespmem:s10], [sflag:$0x8], $0x4000, $0x38;
	[tilespmem:$0x14000] =	vst v63  }
0x133: {  	s1 =	sadd.s32 $0x150000, s24;
	s0 =	sadd.s32 s8, s0  }
0x134: {  	[hbm4b:s0+s4] =	stream.linear.scatter [tilespmem:s16], [sflag:$0x5], $0x4000, $0x38;
	[tilespmem:$0x14000] =	vst v63  }
0x135: {  	s28 =	sshrl.u32 s1, $0x3;
	_ =	swait.ge [sflag:s15], $0x4000  }
0x136: {  	s1 =	sadd.s32 $0x160000, s24;
	s24 =	sadd.s32 $0x170000, s24;
	[sflag:s15] =	ssyncset.done $0x0  }
0x137: {  	s1 =	sshrl.u32 s1, $0x3;
	s28 =	sadd.s32 s8, s28;
	[sflag:s15] =	ssyncadd.s32 $0xFFFFC000  }
0x138: {  	[hbm4b:s28+s4] =	stream.linear.scatter [tilespmem:s4], [sflag:$0x8], $0x4000, $0x38;
	[tilespmem:$0x14000] =	vst v63  }
0x139: {  	s24 =	sshrl.u32 s24, $0x3;
	s29 =	sadd.s32 s8, s1  }
0x13a: {  	[hbm4b:s29+s4] =	stream.linear.scatter [tilespmem:s10], [sflag:$0x8], $0x4000, $0x38;
	[tilespmem:$0x14000] =	vst v63  }
0x13b: {  	s30 =	sadd.s32 s8, s24  }
0x13c: {  	[hbm4b:s30+s4] =	stream.linear.scatter [tilespmem:s18], [sflag:$0x6], $0x4000, $0x38;
	[tilespmem:$0x14000] =	vst v63  }
0x13d: {  	_ =	swait.ge [sflag:s12], $0x4000  }
0x13e: {  	[sflag:s12] =	ssyncset.done $0x0  }
0x13f: {  	s26 =	simm.s32 $0x5;
	[sflag:s12] =	ssyncadd.s32 $0xFFFFC000  }
0x140: {  	_ =	swait.ge [sflag:s26], $0x4000  }
0x141: {  	[sflag:s26] =	ssyncset.done $0x0  }
0x142: {  	s31 =	simm.s32 $0x6;
	[sflag:s26] =	ssyncadd.s32 $0xFFFFC000  }
0x143: {  	_ =	swait.ge [sflag:s31], $0x4000  }
0x144: {  	[sflag:s31] =	ssyncset.done $0x0  }
0x145: {  	[sflag:s31] =	ssyncadd.s32 $0xFFFFC000  }
0x146: {  	_ =	swait.ge [sflag:s19], $0x4000  }
0x147: {  	[sflag:s19] =	ssyncset.done $0x0  }
0x148: {  	[sflag:s19] =	ssyncadd.s32 $0xFFFFC000  }
0x149: {  	_ =	swait.ge [sflag:s19], $0x4000  }
0x14a: {  	[sflag:s19] =	ssyncset.done $0x0  }
0x14b: {  	[sflag:s19] =	ssyncadd.s32 $0xFFFFC000  }
0x14c: {  	_ =	swait.ge [sflag:s19], $0x4000  }
0x14d: {  	[sflag:s19] =	ssyncset.done $0x0  }
0x14e: {  	[sflag:s19] =	ssyncadd.s32 $0xFFFFC000  }
0x14f: {  	_ =	swait.ge [sflag:s19], $0x4000  }
0x150: {  	[sflag:s19] =	ssyncset.done $0x0  }
0x151: {  	[sflag:s19] =	ssyncadd.s32 $0xFFFFC000  }
0x152: {  	_ =	swait.ge [sflag:s19], $0x4000  }
0x153: {  	[sflag:s19] =	ssyncset.done $0x0  }
0x154: {  	[sflag:s19] =	ssyncadd.s32 $0xFFFFC000  }
0x155: {  	_ =	swait.ge [sflag:s19], $0x4000  }
0x156: {  	[sflag:s19] =	ssyncset.done $0x0  }
0x157: {  	[sflag:s19] =	ssyncadd.s32 $0xFFFFC000  }
0x158: {  	_ =	swait.ge [sflag:s19], $0x4000  }
0x159: {  	[sflag:s19] =	ssyncset.done $0x0  }
0x15a: {  	[sflag:s19] =	ssyncadd.s32 $0xFFFFC000  }
0x15b: {  	_ =	swait.ge [sflag:s19], $0x4000  }
0x15c: {  	[sflag:s19] =	ssyncset.done $0x0  }
0x15d: {  	[sflag:s19] =	ssyncadd.s32 $0xFFFFC000  }
0x15e: {  	_ =	swait.ge [sflag:s19], $0x4000  }
0x15f: {  	[sflag:s19] =	ssyncset.done $0x0  }
0x160: {  	[sflag:s19] =	ssyncadd.s32 $0xFFFFC000  }
0x161: {  	_ =	swait.ge [sflag:s19], $0x4000  }
0x162: {  	[sflag:s19] =	ssyncset.done $0x0  }
0x163: {  	[sflag:s19] =	ssyncadd.s32 $0xFFFFC000  }
0x164: {  	_ =	swait.ge [sflag:s19], $0x4000  }
0x165: {  	[sflag:s19] =	ssyncset.done $0x0  }
0x166: {  	[sflag:s19] =	ssyncadd.s32 $0xFFFFC000  }
0x167: {  	_ =	swait.ge [sflag:s19], $0x4000  }
0x168: {  	[sflag:s19] =	ssyncset.done $0x0  }
0x169: {  	[sflag:s19] =	ssyncadd.s32 $0xFFFFC000  }
0x16a: {  	_ =	swait.ge [sflag:s19], $0x4000  }
0x16b: {  	[sflag:s19] =	ssyncset.done $0x0  }
0x16c: {  	[sflag:s19] =	ssyncadd.s32 $0xFFFFC000  }
0x16d: {  	_ =	swait.ge [sflag:s19], $0x4000  }
0x16e: {  	[sflag:s19] =	ssyncset.done $0x0  }
0x16f: {  	[sflag:s19] =	ssyncadd.s32 $0xFFFFC000  }
.Ltmp3:
0x170: {  	_ =	swait.ge [sflag:s19], $0x4000;
	(pc) =	sbr.rel @p1 .LBB2_6-.Ltmp3, $4  }
0x171: {  	[sflag:s19] =	ssyncset.done $0x0  }
0x172: {  	[sflag:s19] =	ssyncadd.s32 $0xFFFFC000  }
0x173: {  	s22 =	sadd.s32 $0x4000, s22;
	_ =	swait.ge [sflag:s19], $0x4000  }
0x174: {  	s13 =	simm.s32 $0x1;
	s0 =	rddreg [dreg:$0x3];
	[sflag:s19] =	ssyncset.done $0x0  }
0x175: {  	s6 =	rddreg [dreg:$0x6]  }
0x176: {  	s2 =	simm.s32 $0x4;
	s3 =	rddreg [dreg:$0x8]  }
.LBB2_8:
0x177: {  	s1 =	sshrl.u32 s11, $0x2  }
0x178: {  	s5 =	smul.u32 $0x90000, s1  }
0x179: {  	s0 =	sadd.s32 s22, s0  }
0x17a: {  	s22 =	sadd.s32 s0, s5  }
0x17b: {  	s5 =	sshrl.u32 s22, $0x3  }
0x17c: {  	[sflag:s19] =	ssyncadd.s32 @p0 $0xFFFFC000;
	s21 =	sadd.s32 $0x10000, s22;
	s5 =	sadd.s32 s9, s5  }
0x17d: {  	[tilespmem:s4], [sflag:$0x1] =	stream.linear.gather [hbm4b:s5+s4], $0x4000, $0x38;
	[tilespmem:$0x14000] =	vst v63  }
0x17e: {  	s5 =	sshrl.u32 s21, $0x3  }
0x17f: {  	s5 =	sadd.s32 s9, s5  }
0x180: {  	[tilespmem:s10], [sflag:$0x1] =	stream.linear.gather [hbm4b:s5+s4], $0x4000, $0x38;
	[tilespmem:$0x14000] =	vst v63  }
0x181: {  	_ =	swait.ge [sflag:s13], $0x4000  }
0x182: {  	[sflag:s13] =	ssyncset.done $0x0  }
0x183: {  	[sflag:s13] =	ssyncadd.s32 $0xFFFFC000  }
0x184: {  	s23 =	sadd.s32 $0x20000, s22;
	_ =	swait.ge [sflag:s13], $0x4000  }
0x185: {  	s5 =	sshrl.u32 s23, $0x3;
	[sflag:s13] =	ssyncset.done $0x0  }
0x186: {  	s24 =	sadd.s32 $0x30000, s22;
	s5 =	sadd.s32 s9, s5;
	[sflag:s13] =	ssyncadd.s32 $0xFFFFC000  }
0x187: {  	[tilespmem:s16], [sflag:$0x2] =	stream.linear.gather [hbm4b:s5+s4], $0x4000, $0x38;
	[tilespmem:$0x14000] =	vst v63  }
0x188: {  	s5 =	sshrl.u32 s24, $0x3  }
0x189: {  	s1 =	smul.u32 $0x170000, s1;
	s5 =	sadd.s32 s9, s5  }
0x18a: {  	[tilespmem:s18], [sflag:$0x3] =	stream.linear.gather [hbm4b:s5+s4], $0x4000, $0x38;
	[tilespmem:$0x14000] =	vst v63  }
0x18b: {  	s25 =	sadd.s32 $0x40000, s22;
	_ =	swait.ge [sflag:s14], $0x4000  }
0x18c: {  	s21 =	sadd.s32 s0, s1;
	s5 =	sshrl.u32 s25, $0x3;
	[sflag:s14] =	ssyncset.done $0x0  }
0x18d: {  	s29 =	sshrl.u32 s21, $0x3;
	s28 =	sadd.s32 s9, s5;
	[sflag:s14] =	ssyncadd.s32 $0xFFFFC000  }
0x18e: {  	[tilespmem:s20], [sflag:$0x4] =	stream.linear.gather [hbm4b:s28+s4], $0x4000, $0x38;
	[tilespmem:$0x14000] =	vst v63  }
0x18f: {  	s30 =	sadd.s32 $0x10000, s21;
	s0 =	sadd.s32 s8, s29  }
0x190: {  	[hbm4b:s0+s4] =	stream.linear.scatter [tilespmem:s4], [sflag:$0x8], $0x4000, $0x38;
	[tilespmem:$0x14000] =	vst v63  }
0x191: {  	s0 =	sshrl.u32 s30, $0x3  }
0x192: {  	s1 =	sadd.s32 $0x20000, s21;
	s0 =	sadd.s32 s8, s0  }
0x193: {  	[hbm4b:s0+s4] =	stream.linear.scatter [tilespmem:s10], [sflag:$0x8], $0x4000, $0x38;
	[tilespmem:$0x14000] =	vst v63  }
0x194: {  	s0 =	sshrl.u32 s1, $0x3  }
0x195: {  	s0 =	sadd.s32 s8, s0  }
0x196: {  	[hbm4b:s0+s4] =	stream.linear.scatter [tilespmem:s16], [sflag:$0x5], $0x4000, $0x38;
	[tilespmem:$0x14000] =	vst v63  }
0x197: {  	_ =	swait.ge [sflag:s15], $0x4000  }
0x198: {  	[sflag:s15] =	ssyncset.done $0x0  }
0x199: {  	[sflag:s15] =	ssyncadd.s32 $0xFFFFC000  }
0x19a: {  	s5 =	sadd.s32 $0x50000, s22;
	_ =	swait.ge [sflag:s26], $0x4000  }
0x19b: {  	s0 =	sshrl.u32 s5, $0x3;
	[sflag:s26] =	ssyncset.done $0x0  }
0x19c: {  	s11 =	sadd.s32 $0x30000, s21;
	s0 =	sadd.s32 s9, s0;
	[sflag:s26] =	ssyncadd.s32 $0xFFFFC000  }
0x19d: {  	[tilespmem:s16], [sflag:$0x2] =	stream.linear.gather [hbm4b:s0+s4], $0x4000, $0x38;
	[tilespmem:$0x14000] =	vst v63  }
0x19e: {  	s0 =	sshrl.u32 s11, $0x3  }
0x19f: {  	s23 =	sadd.s32 $0x40000, s21;
	s0 =	sadd.s32 s8, s0  }
0x1a0: {  	[hbm4b:s0+s4] =	stream.linear.scatter [tilespmem:s4], [sflag:$0x8], $0x4000, $0x38;
	[tilespmem:$0x14000] =	vst v63  }
0x1a1: {  	s0 =	sshrl.u32 s23, $0x3  }
0x1a2: {  	s24 =	sadd.s32 $0x50000, s21;
	s0 =	sadd.s32 s8, s0  }
0x1a3: {  	[hbm4b:s0+s4] =	stream.linear.scatter [tilespmem:s10], [sflag:$0x8], $0x4000, $0x38;
	[tilespmem:$0x14000] =	vst v63  }
0x1a4: {  	s0 =	sshrl.u32 s24, $0x3  }
0x1a5: {  	s0 =	sadd.s32 s8, s0  }
0x1a6: {  	[hbm4b:s0+s4] =	stream.linear.scatter [tilespmem:s18], [sflag:$0x6], $0x4000, $0x38;
	[tilespmem:$0x14000] =	vst v63  }
0x1a7: {  	_ =	swait.ge [sflag:s2], $0x4000  }
0x1a8: {  	[sflag:s2] =	ssyncset.done $0x0  }
0x1a9: {  	[sflag:s2] =	ssyncadd.s32 $0xFFFFC000  }
0x1aa: {  	s25 =	sadd.s32 $0x60000, s22;
	_ =	swait.ge [sflag:s31], $0x4000  }
0x1ab: {  	s0 =	sshrl.u32 s25, $0x3;
	[sflag:s31] =	ssyncset.done $0x0  }
0x1ac: {  	s28 =	sadd.s32 $0x60000, s21;
	s0 =	sadd.s32 s9, s0;
	[sflag:s31] =	ssyncadd.s32 $0xFFFFC000  }
0x1ad: {  	[tilespmem:s18], [sflag:$0x3] =	stream.linear.gather [hbm4b:s0+s4], $0x4000, $0x38;
	[tilespmem:$0x14000] =	vst v63  }
0x1ae: {  	s0 =	sshrl.u32 s28, $0x3  }
0x1af: {  	s29 =	sadd.s32 $0x70000, s21;
	s0 =	sadd.s32 s8, s0  }
0x1b0: {  	[hbm4b:s0+s4] =	stream.linear.scatter [tilespmem:s4], [sflag:$0x8], $0x4000, $0x38;
	[tilespmem:$0x14000] =	vst v63  }
0x1b1: {  	s0 =	sshrl.u32 s29, $0x3  }
0x1b2: {  	s30 =	sadd.s32 $0x80000, s21;
	s0 =	sadd.s32 s8, s0  }
0x1b3: {  	[hbm4b:s0+s4] =	stream.linear.scatter [tilespmem:s10], [sflag:$0x8], $0x4000, $0x38;
	[tilespmem:$0x14000] =	vst v63  }
0x1b4: {  	s0 =	sshrl.u32 s30, $0x3  }
0x1b5: {  	s0 =	sadd.s32 s8, s0  }
0x1b6: {  	[hbm4b:s0+s4] =	stream.linear.scatter [tilespmem:s20], [sflag:$0x7], $0x4000, $0x38;
	[tilespmem:$0x14000] =	vst v63  }
0x1b7: {  	_ =	swait.ge [sflag:s14], $0x4000  }
0x1b8: {  	[sflag:s14] =	ssyncset.done $0x0  }
0x1b9: {  	[sflag:s14] =	ssyncadd.s32 $0xFFFFC000  }
0x1ba: {  	s1 =	sadd.s32 $0x70000, s22;
	_ =	swait.ge [sflag:s12], $0x4000  }
0x1bb: {  	s0 =	sshrl.u32 s1, $0x3;
	[sflag:s12] =	ssyncset.done $0x0  }
0x1bc: {  	s5 =	sadd.s32 $0x90000, s21;
	s0 =	sadd.s32 s9, s0;
	[sflag:s12] =	ssyncadd.s32 $0xFFFFC000  }
0x1bd: {  	[tilespmem:s20], [sflag:$0x4] =	stream.linear.gather [hbm4b:s0+s4], $0x4000, $0x38;
	[tilespmem:$0x14000] =	vst v63  }
0x1be: {  	s0 =	sshrl.u32 s5, $0x3  }
0x1bf: {  	s11 =	sadd.s32 $0xA0000, s21;
	s0 =	sadd.s32 s8, s0  }
0x1c0: {  	[hbm4b:s0+s4] =	stream.linear.scatter [tilespmem:s4], [sflag:$0x8], $0x4000, $0x38;
	[tilespmem:$0x14000] =	vst v63  }
0x1c1: {  	s0 =	sshrl.u32 s11, $0x3  }
0x1c2: {  	s23 =	sadd.s32 $0xB0000, s21;
	s0 =	sadd.s32 s8, s0  }
0x1c3: {  	[hbm4b:s0+s4] =	stream.linear.scatter [tilespmem:s10], [sflag:$0x8], $0x4000, $0x38;
	[tilespmem:$0x14000] =	vst v63  }
0x1c4: {  	s0 =	sshrl.u32 s23, $0x3  }
0x1c5: {  	s0 =	sadd.s32 s8, s0  }
0x1c6: {  	[hbm4b:s0+s4] =	stream.linear.scatter [tilespmem:s16], [sflag:$0x5], $0x4000, $0x38;
	[tilespmem:$0x14000] =	vst v63  }
0x1c7: {  	_ =	swait.ge [sflag:s15], $0x4000  }
0x1c8: {  	[sflag:s15] =	ssyncset.done $0x0  }
0x1c9: {  	[sflag:s15] =	ssyncadd.s32 $0xFFFFC000  }
0x1ca: {  	s24 =	sadd.s32 $0x80000, s22;
	_ =	swait.ge [sflag:s26], $0x4000  }
0x1cb: {  	s0 =	sshrl.u32 s24, $0x3;
	[sflag:s26] =	ssyncset.done $0x0  }
0x1cc: {  	s25 =	sadd.s32 $0xC0000, s21;
	s0 =	sadd.s32 s9, s0;
	[sflag:s26] =	ssyncadd.s32 $0xFFFFC000  }
0x1cd: {  	[tilespmem:s16], [sflag:$0x2] =	stream.linear.gather [hbm4b:s0+s4], $0x4000, $0x38;
	[tilespmem:$0x14000] =	vst v63  }
0x1ce: {  	s0 =	sshrl.u32 s25, $0x3  }
0x1cf: {  	s28 =	sadd.s32 $0xD0000, s21;
	s0 =	sadd.s32 s8, s0  }
0x1d0: {  	[hbm4b:s0+s4] =	stream.linear.scatter [tilespmem:s4], [sflag:$0x8], $0x4000, $0x38;
	[tilespmem:$0x14000] =	vst v63  }
0x1d1: {  	s0 =	sshrl.u32 s28, $0x3  }
0x1d2: {  	s29 =	sadd.s32 $0xE0000, s21;
	s0 =	sadd.s32 s8, s0  }
0x1d3: {  	[hbm4b:s0+s4] =	stream.linear.scatter [tilespmem:s10], [sflag:$0x8], $0x4000, $0x38;
	[tilespmem:$0x14000] =	vst v63  }
0x1d4: {  	s0 =	sshrl.u32 s29, $0x3  }
0x1d5: {  	s0 =	sadd.s32 s8, s0  }
0x1d6: {  	[hbm4b:s0+s4] =	stream.linear.scatter [tilespmem:s18], [sflag:$0x6], $0x4000, $0x38;
	[tilespmem:$0x14000] =	vst v63  }
0x1d7: {  	_ =	swait.ge [sflag:s2], $0x4000  }
0x1d8: {  	[sflag:s2] =	ssyncset.done $0x0  }
0x1d9: {  	[sflag:s2] =	ssyncadd.s32 $0xFFFFC000  }
0x1da: {  	s30 =	sadd.s32 $0x90000, s22;
	_ =	swait.ge [sflag:s31], $0x4000  }
0x1db: {  	s0 =	sshrl.u32 s30, $0x3;
	[sflag:s31] =	ssyncset.done $0x0  }
0x1dc: {  	s1 =	sadd.s32 $0xF0000, s21;
	s0 =	sadd.s32 s9, s0;
	[sflag:s31] =	ssyncadd.s32 $0xFFFFC000  }
0x1dd: {  	[tilespmem:s18], [sflag:$0x3] =	stream.linear.gather [hbm4b:s0+s4], $0x4000, $0x38;
	[tilespmem:$0x14000] =	vst v63  }
0x1de: {  	s0 =	sshrl.u32 s1, $0x3  }
0x1df: {  	s5 =	sadd.s32 $0x100000, s21;
	s0 =	sadd.s32 s8, s0  }
0x1e0: {  	[hbm4b:s0+s4] =	stream.linear.scatter [tilespmem:s4], [sflag:$0x8], $0x4000, $0x38;
	[tilespmem:$0x14000] =	vst v63  }
0x1e1: {  	s0 =	sshrl.u32 s5, $0x3  }
0x1e2: {  	s11 =	sadd.s32 $0x110000, s21;
	s0 =	sadd.s32 s8, s0  }
0x1e3: {  	[hbm4b:s0+s4] =	stream.linear.scatter [tilespmem:s10], [sflag:$0x8], $0x4000, $0x38;
	[tilespmem:$0x14000] =	vst v63  }
0x1e4: {  	s0 =	sshrl.u32 s11, $0x3  }
0x1e5: {  	s0 =	sadd.s32 s8, s0  }
0x1e6: {  	[hbm4b:s0+s4] =	stream.linear.scatter [tilespmem:s20], [sflag:$0x7], $0x4000, $0x38;
	[tilespmem:$0x14000] =	vst v63  }
0x1e7: {  	s22 =	sadd.s32 $0x120000, s21;
	_ =	swait.ge [sflag:s14], $0x4000  }
0x1e8: {  	s0 =	sshrl.u32 s22, $0x3;
	[sflag:s14] =	ssyncset.done $0x0  }
0x1e9: {  	s23 =	sadd.s32 $0x130000, s21;
	s0 =	sadd.s32 s8, s0;
	[sflag:s14] =	ssyncadd.s32 $0xFFFFC000  }
0x1ea: {  	[hbm4b:s0+s4] =	stream.linear.scatter [tilespmem:s4], [sflag:$0x8], $0x4000, $0x38;
	[tilespmem:$0x14000] =	vst v63  }
0x1eb: {  	s0 =	sshrl.u32 s23, $0x3  }
0x1ec: {  	s24 =	sadd.s32 $0x140000, s21;
	s0 =	sadd.s32 s8, s0  }
0x1ed: {  	[hbm4b:s0+s4] =	stream.linear.scatter [tilespmem:s10], [sflag:$0x8], $0x4000, $0x38;
	[tilespmem:$0x14000] =	vst v63  }
0x1ee: {  	s0 =	sshrl.u32 s24, $0x3  }
0x1ef: {  	s0 =	sadd.s32 s8, s0  }
0x1f0: {  	[hbm4b:s0+s4] =	stream.linear.scatter [tilespmem:s16], [sflag:$0x5], $0x4000, $0x38;
	[tilespmem:$0x14000] =	vst v63  }
0x1f1: {  	s25 =	sadd.s32 $0x150000, s21;
	_ =	swait.ge [sflag:s15], $0x4000  }
0x1f2: {  	s0 =	sshrl.u32 s25, $0x3;
	[sflag:s15] =	ssyncset.done $0x0  }
0x1f3: {  	s28 =	sadd.s32 $0x160000, s21;
	s0 =	sadd.s32 s8, s0;
	[sflag:s15] =	ssyncadd.s32 $0xFFFFC000  }
0x1f4: {  	[hbm4b:s0+s4] =	stream.linear.scatter [tilespmem:s4], [sflag:$0x8], $0x4000, $0x38;
	[tilespmem:$0x14000] =	vst v63  }
0x1f5: {  	s0 =	sshrl.u32 s28, $0x3  }
0x1f6: {  	s29 =	sadd.s32 $0x170000, s21;
	s0 =	sadd.s32 s8, s0  }
0x1f7: {  	[hbm4b:s0+s4] =	stream.linear.scatter [tilespmem:s10], [sflag:$0x8], $0x4000, $0x38;
	[tilespmem:$0x14000] =	vst v63  }
0x1f8: {  	s0 =	sshrl.u32 s29, $0x3  }
0x1f9: {  	s0 =	sadd.s32 s8, s0  }
0x1fa: {  	[hbm4b:s0+s4] =	stream.linear.scatter [tilespmem:s18], [sflag:$0x6], $0x4000, $0x38;
	[tilespmem:$0x14000] =	vst v63  }
0x1fb: {  	_ =	swait.ge [sflag:s12], $0x4000  }
0x1fc: {  	[sflag:s12] =	ssyncset.done $0x0  }
0x1fd: {  	[sflag:s12] =	ssyncadd.s32 $0xFFFFC000  }
0x1fe: {  	_ =	swait.ge [sflag:s26], $0x4000  }
0x1ff: {  	[sflag:s26] =	ssyncset.done $0x0  }
0x200: {  	[sflag:s26] =	ssyncadd.s32 $0xFFFFC000  }
0x201: {  	_ =	swait.ge [sflag:s31], $0x4000  }
0x202: {  	[sflag:s31] =	ssyncset.done $0x0  }
0x203: {  	[sflag:s31] =	ssyncadd.s32 $0xFFFFC000  }
0x204: {  	_ =	swait.ge [sflag:s19], $0x4000  }
0x205: {  	[sflag:s19] =	ssyncset.done $0x0  }
0x206: {  	[sflag:s19] =	ssyncadd.s32 $0xFFFFC000  }
0x207: {  	_ =	swait.ge [sflag:s19], $0x4000  }
0x208: {  	[sflag:s19] =	ssyncset.done $0x0  }
0x209: {  	[sflag:s19] =	ssyncadd.s32 $0xFFFFC000  }
0x20a: {  	_ =	swait.ge [sflag:s19], $0x4000  }
0x20b: {  	[sflag:s19] =	ssyncset.done $0x0  }
0x20c: {  	[sflag:s19] =	ssyncadd.s32 $0xFFFFC000  }
0x20d: {  	_ =	swait.ge [sflag:s19], $0x4000  }
0x20e: {  	[sflag:s19] =	ssyncset.done $0x0  }
0x20f: {  	[sflag:s19] =	ssyncadd.s32 $0xFFFFC000  }
0x210: {  	_ =	swait.ge [sflag:s19], $0x4000  }
0x211: {  	[sflag:s19] =	ssyncset.done $0x0  }
0x212: {  	[sflag:s19] =	ssyncadd.s32 $0xFFFFC000  }
0x213: {  	_ =	swait.ge [sflag:s19], $0x4000  }
0x214: {  	[sflag:s19] =	ssyncset.done $0x0  }
0x215: {  	[sflag:s19] =	ssyncadd.s32 $0xFFFFC000  }
0x216: {  	_ =	swait.ge [sflag:s19], $0x4000  }
0x217: {  	[sflag:s19] =	ssyncset.done $0x0  }
0x218: {  	[sflag:s19] =	ssyncadd.s32 $0xFFFFC000  }
0x219: {  	_ =	swait.ge [sflag:s19], $0x4000  }
0x21a: {  	[sflag:s19] =	ssyncset.done $0x0  }
0x21b: {  	[sflag:s19] =	ssyncadd.s32 $0xFFFFC000  }
0x21c: {  	_ =	swait.ge [sflag:s19], $0x4000  }
0x21d: {  	[sflag:s19] =	ssyncset.done $0x0  }
0x21e: {  	[sflag:s19] =	ssyncadd.s32 $0xFFFFC000  }
0x21f: {  	_ =	swait.ge [sflag:s19], $0x4000  }
0x220: {  	[sflag:s19] =	ssyncset.done $0x0  }
0x221: {  	[sflag:s19] =	ssyncadd.s32 $0xFFFFC000  }
0x222: {  	_ =	swait.ge [sflag:s19], $0x4000  }
0x223: {  	[sflag:s19] =	ssyncset.done $0x0  }
0x224: {  	[sflag:s19] =	ssyncadd.s32 $0xFFFFC000  }
0x225: {  	_ =	swait.ge [sflag:s19], $0x4000  }
0x226: {  	[sflag:s19] =	ssyncset.done $0x0  }
0x227: {  	[sflag:s19] =	ssyncadd.s32 $0xFFFFC000  }
0x228: {  	_ =	swait.ge [sflag:s19], $0x4000  }
0x229: {  	[sflag:s19] =	ssyncset.done $0x0  }
0x22a: {  	[sflag:s19] =	ssyncadd.s32 $0xFFFFC000  }
0x22b: {  	_ =	swait.ge [sflag:s19], $0x4000  }
0x22c: {  	[sflag:s19] =	ssyncset.done $0x0  }
0x22d: {  	[sflag:s19] =	ssyncadd.s32 $0xFFFFC000  }
0x22e: {  	_ =	swait.ge [sflag:s19], $0x4000  }
0x22f: {  	[sflag:s19] =	ssyncset.done $0x0  }
0x230: {  	[sflag:s19] =	ssyncadd.s32 $0xFFFFC000  }
0x231: {  	_ =	swait.ge [sflag:s19], $0x4000  }
0x232: {  	s3 =	sadd.s32 $0x1, s3;
	s30 =	rddreg [dreg:$0x7]  }
0x233: {  	p0 =	sne.s32 s3, s30  }
.Ltmp4:
0x234: {  	_ = 	snop;
	(pc) =	sbr.rel @p0 .LBB2_2-.Ltmp4, $4  }
.Ltmp5:
0x235: {  	_ = 	snop;
	(pc) =	sbr.rel @!p0 .LBB2_9-.Ltmp5, $4  }
0x236: {  	_ = 	snop  }
0x237: {  	[sflag:s19] =	ssyncset.done $0x0  }
0x238: {  	[sflag:s19] =	ssyncadd.s32 $0xFFFFC000  }
0x239: {  	_ = 	snop  }
.LBB2_3:
.Ltmp6:
0x23a: {  	(pc) =	sbr.rel .LBB2_8-.Ltmp6, $2  }
0x23b: {  	_ =	sdelay $0x2  }
0x23c: {  	s11 =	smov.u32 s6  }
.LBB2_5:
.Ltmp7:
0x23d: {  	(pc) =	sbr.rel .LBB2_8-.Ltmp7, $3  }
0x23e: {  	_ =	sdelay $0x1  }
0x23f: {  	s6 =	rddreg [dreg:$0x6]  }
0x240: {  	s2 =	simm.s32 $0x4;
	s3 =	rddreg [dreg:$0x8]  }
.LBB2_9:
0x241: {  	_ =	sfence.sel $0x180000  }
0x242: {  	[bflag:$0x0] =	sbarrier.arrive $0xFFFF  }
0x243: {  	_ =	strace $0x90000047  }
0x244: {  	s0 =	stileid.u32;
	[bflag:$0x2] =	sbarrier.arrive $0xFFFF  }
0x245: {  	p0 =	sne.s32 s0, $0x0;
	s0 =	rddreg [dreg:$0x2]  }
0x246: {  	s0 =	sadd.s32 @!p0 $0x100000, s0  }
0x247: {  	[sflag:s0] =	ssyncadd.tile.s32 @!p0 $0x1;
	_ =	shalt  }
.Lfunc_end2:
_tile_overlayer_lowered:
.L_overlay_start_2:
0x248: {  	(tag) =	ssettag $0x2  }
0x249: {  	s0 =	rddreg [dreg:$0x0];
	s2 =	stileid.u32  }
0x24a: {  	s1 =	rddreg [dreg:$0x1];
	p0 =	sne.s32 s2, $0x0  }
0x24b: {  	s3 =	rddreg [dreg:$0x2];
	[bflag:$0x3] =	sbarrier.arrive $0xFFFF;
	s2 =	simm.s32 @!p0 $0x1C09  }
0x24c: {  	[timem:s3], [sflag:s2] =	dma.local @!p0 [hbm:s0], s1  }
0x24d: {  	s0 =	simm.s32 @!p0 $0x9  }
0x24e: {  	_ =	swait.ge @!p0 [sflag:s0], s1  }
0x24f: {  	s1 =	ssub.s32 @!p0 $0x0, s1;
	[sflag:s0] =	ssyncset.done @!p0 $0x0  }
0x250: {  	[sflag:s0] =	ssyncadd.s32 @!p0 s1  }
0x251: {  	[bflag:$0x3] =	sbarrier.arrive $0xFFFF  }
0x252: {  	_ =	shalt  }

</sc_bundles>
